<compile_context>
chip_gen: v7x
topology: tpu7x:2x2x1
jax: 0.10.2.dev20260603
libtpu: 0.0.44.dev20260713+nightly
codegen_flags: <defaults>
</compile_context>

<pallas_src>
import dataclasses
import functools

import jax
import jax.numpy as jnp
import numpy as np
from jax import lax
from jax.experimental import pallas as pl
from jax.experimental.pallas import tpu as pltpu
from jax.experimental.pallas import tpu_sc as plsc

N = 10000
E = 320000
F = 128
NRBF = 32
DEGREES = [1, 2, 3]
SPH_DIM = sum(2 * l + 1 for l in DEGREES)
ND = len(DEGREES)

NC = 2
NS = 16
NW = NC * NS
EPW = E // NW

C1 = 400


def _sc_compiler_params():
    return pltpu.CompilerParams(needs_layout_passes=False,
                                use_tc_tiling_on_sc=False)


def _mchi_body(chi_hbm, ii_hbm, ij_hbm, out_hbm, ii_v, ij_v, ci_v, cj_v,
               m_v, sem):
    wid = lax.axis_index("c") * NS + lax.axis_index("s")
    base = wid * EPW

    @pl.loop(0, C1)
    def _zero(r):
        m_v[r, :] = jnp.zeros((16,), jnp.float32)

    @pl.loop(0, EPW // C1)
    def _chunk(c):
        off = base + c * C1
        pltpu.sync_copy(ii_hbm.at[pl.ds(off, C1)], ii_v)
        pltpu.sync_copy(ij_hbm.at[pl.ds(off, C1)], ij_v)
        pltpu.async_copy(chi_hbm.at[ii_v], ci_v, sem).wait()
        pltpu.async_copy(chi_hbm.at[ij_v], cj_v, sem).wait()

        @pl.loop(0, C1, step=16)
        def _group(g):
            rows = g + lax.iota(jnp.int32, 16)
            sums = []
            for lo, hi in ((0, 3), (3, 8), (8, 15)):
                acc = jnp.zeros((16,), jnp.float32)
                for d in range(lo, hi):
                    col = jnp.full((16,), d, jnp.int32)
                    gi = plsc.load_gather(ci_v, [rows, col])
                    gj = plsc.load_gather(cj_v, [rows, col])
                    acc = acc + gi * gj
                sums.append(acc)
            for dcol, s in enumerate(sums):
                plsc.store_scatter(m_v, [rows, jnp.full((16,), dcol, jnp.int32)], s)

        pltpu.sync_copy(m_v, out_hbm.at[pl.ds(off, C1)])


def _mchi_sc(chi_pad, idx_i, idx_j):
    mesh = plsc.VectorSubcoreMesh(core_axis_name="c", subcore_axis_name="s")
    k = functools.partial(
        pl.kernel,
        mesh=mesh,
        out_type=jax.ShapeDtypeStruct((E, 16), jnp.float32),
        scratch_types=[
            pltpu.VMEM((C1,), jnp.int32),
            pltpu.VMEM((C1,), jnp.int32),
            pltpu.VMEM((C1, 16), jnp.float32),
            pltpu.VMEM((C1, 16), jnp.float32),
            pltpu.VMEM((C1, 16), jnp.float32),
            pltpu.SemaphoreType.DMA,
        ],
        compiler_params=_sc_compiler_params(),
    )(_mchi_body)
    return k(chi_pad, idx_i, idx_j)


CE = 80
NCHUNK = EPW // CE
RB = 16
OW = F + 16


def _sca(vec_ref, pos):
    v = plsc.load_gather(vec_ref, [jnp.full((16,), pos, jnp.int32)])
    return jnp.max(v)


def _edge_body(k_hbm, v_hbm, kg_hbm, q_hbm, qg_hbm, w_hbm, sph_hbm,
               ii_hbm, ij_hbm,
               out_hbm, carry_hbm,
               ii_v, ij_v, b_v, bp_v, w_v, sph_v, k_v, v_v, kg_v, q_v, qg_v,
               rowbuf, zrow,
               gsem, rsem, zsem):
    cid = lax.axis_index("c")
    sid = lax.axis_index("s")
    wid = cid * NS + sid
    base = pl.multiple_of(wid * EPW, EPW)

    for r in range(9):
        zrow[0, pl.ds(16 * r, 16)] = jnp.zeros((16,), jnp.float32)

    @pl.when(wid > 0)
    def _():
        pltpu.sync_copy(ii_hbm.at[pl.ds(base - 8, 8)], bp_v)
    pltpu.sync_copy(ii_hbm.at[pl.ds(base, 8)], b_v)
    prev_last = jnp.where(wid > 0, _sca(bp_v, 7), jnp.int32(-1))
    i0 = _sca(b_v, 0)
    owned0 = jnp.logical_or(wid == 0, prev_last != i0)

    zero16 = jnp.zeros((16,), jnp.float32)



    def flush(nseg, cur, accs, is_last):
        for r in range(9):
            rowbuf[0, pl.ds(16 * r, 16)] = accs[r]
        to_carry = jnp.logical_and(nseg == 0, jnp.logical_not(owned0))

        @pl.when(to_carry)
        def _():
            pltpu.sync_copy(rowbuf.at[pl.ds(0, 1)],
                            carry_hbm.at[pl.ds(wid, 1)])

        @pl.when(jnp.logical_not(to_carry))
        def _():
            pltpu.sync_copy(rowbuf.at[pl.ds(0, 1)],
                            out_hbm.at[pl.ds(cur, 1)])

    def edge_step(el, state):
        cur, nseg = state[0], state[1]
        accs = state[2]

        ie = _sca(ii_v, el)
        changed = ie != cur

        @pl.when(changed)
        def _():
            flush(nseg, cur, accs, False)

        acc = zero16
        accg = zero16
        for r in range(8):
            wr = w_v[el, pl.ds(16 * r, 16)]
            qr = q_v[el, pl.ds(16 * r, 16)]
            kr = k_v[el, pl.ds(16 * r, 16)]
            acc = acc + (qr * wr) * kr
            qgr = qg_v[el, pl.ds(16 * r, 16)]
            kgr = kg_v[el, pl.ds(16 * r, 16)]
            accg = accg + (qgr * wr) * kgr
        alpha = jnp.sum(acc)
        alphag = jnp.sum(accg)

        new_accs = []
        for r in range(8):
            vr = v_v[el, pl.ds(16 * r, 16)]
            prev = jnp.where(changed, zero16, accs[r])
            new_accs.append(prev + alpha * vr)
        prevc = jnp.where(changed, zero16, accs[8])
        new_accs.append(prevc + alphag * sph_v[el, :])

        cur2 = jnp.where(changed, ie, cur)
        nseg2 = nseg + changed.astype(jnp.int32)
        return (cur2, nseg2, tuple(new_accs))

    def chunk_body(c, state):
        off = pl.multiple_of(base + c * CE, 8)
        pltpu.sync_copy(ii_hbm.at[pl.ds(off, CE)], ii_v)
        pltpu.sync_copy(ij_hbm.at[pl.ds(off, CE)], ij_v)
        pltpu.sync_copy(w_hbm.at[pl.ds(off, CE)], w_v)
        pltpu.sync_copy(sph_hbm.at[pl.ds(off, CE)], sph_v)
        pltpu.async_copy(k_hbm.at[ij_v], k_v, gsem).wait()
        pltpu.async_copy(v_hbm.at[ij_v], v_v, gsem).wait()
        pltpu.async_copy(kg_hbm.at[ij_v], kg_v, gsem).wait()
        pltpu.async_copy(q_hbm.at[ii_v], q_v, gsem).wait()
        pltpu.async_copy(qg_hbm.at[ii_v], qg_v, gsem).wait()
        return pl.loop(0, CE, init_carry=state)(edge_step)

    init = (i0, jnp.int32(0), (zero16,) * 9)
    cur, nseg, accs = pl.loop(0, NCHUNK, init_carry=init)(chunk_body)

    flush(nseg, cur, accs, True)

    @pl.when(owned0)
    def _():
        pltpu.sync_copy(zrow, carry_hbm.at[pl.ds(wid, 1)])


def _edge_sc(kk, vv, kg, q, qg, wprime, sph_pad, idx_i, idx_j):
    mesh = plsc.VectorSubcoreMesh(core_axis_name="c", subcore_axis_name="s")
    k = functools.partial(
        pl.kernel,
        mesh=mesh,
        out_type=[jax.ShapeDtypeStruct((N, OW), jnp.float32),
                  jax.ShapeDtypeStruct((NW, OW), jnp.float32)],
        scratch_types=[
            pltpu.VMEM((CE,), jnp.int32),
            pltpu.VMEM((CE,), jnp.int32),
            pltpu.VMEM((8,), jnp.int32),
            pltpu.VMEM((8,), jnp.int32),
            pltpu.VMEM((CE, F), jnp.float32),
            pltpu.VMEM((CE, 16), jnp.float32),
            pltpu.VMEM((CE, F), jnp.float32),
            pltpu.VMEM((CE, F), jnp.float32),
            pltpu.VMEM((CE, F), jnp.float32),
            pltpu.VMEM((CE, F), jnp.float32),
            pltpu.VMEM((CE, F), jnp.float32),
            pltpu.VMEM((RB, OW), jnp.float32),
            pltpu.VMEM((1, OW), jnp.float32),
            pltpu.SemaphoreType.DMA,
            pltpu.SemaphoreType.DMA,
            pltpu.SemaphoreType.DMA,
        ],
        compiler_params=_sc_compiler_params(),
    )(_edge_body)
    return k(kk, vv, kg, q, qg, wprime, sph_pad, idx_i, idx_j)


def _deg_onehot_np():
    sizes = [2 * l + 1 for l in DEGREES]
    D = np.zeros((sum(sizes), len(sizes)), dtype=np.float32)
    off = 0
    for i, s in enumerate(sizes):
        D[off:off + s, i] = 1.0
        off += s
    return D


def _final_block(x_ref, chi_ref, loc_ref, carry_ref, heads_ref, wx_ref,
                 wc_ref, b_ref, dexp_ref, xout_ref, chiout_ref):
    x = x_ref[...]
    chi = chi_ref[...]
    bn = x.shape[0]
    row0 = pl.program_id(0) * bn
    rows = row0 + jax.lax.broadcasted_iota(jnp.int32, (bn, NW), 0)
    hot = (rows == heads_ref[...][None, :]).astype(jnp.float32)
    loc = loc_ref[...] + jnp.dot(hot, carry_ref[...],
                                 preferred_element_type=jnp.float32)
    x_skip = x + loc[:, :F]
    chi_skip = chi + loc[:, F:]
    chi_sq = chi_skip * chi_skip
    y = (jnp.dot(x_skip, wx_ref[...], preferred_element_type=jnp.float32)
         + jnp.dot(chi_sq, wc_ref[...], preferred_element_type=jnp.float32)
         + b_ref[...])
    delta_x = y[:, :F]
    dchi_mult = jnp.dot(y, dexp_ref[...], preferred_element_type=jnp.float32)
    xout_ref[...] = x_skip + delta_x
    chiout_ref[...] = chi_skip + dchi_mult * chi_skip


def _final_phase(x, chi_pad, loc, carry, heads, W_mix, b_mix):
    D = _deg_onehot_np()
    wx = jnp.zeros((F, 256), jnp.float32).at[:, :F + ND].set(W_mix[:F])
    Dpad = jnp.zeros((16, ND), jnp.float32).at[:SPH_DIM].set(jnp.asarray(D))
    wc = jnp.zeros((16, 256), jnp.float32).at[:, :F + ND].set(Dpad @ W_mix[F:])
    b = jnp.zeros((256,), jnp.float32).at[:F + ND].set(b_mix)
    dexp = jnp.zeros((256, 16), jnp.float32).at[F:F + ND, :].set(Dpad.T)

    BN = 1000
    grid = (N // BN,)
    xout, chiout = pl.pallas_call(
        _final_block,
        grid=grid,
        in_specs=[
            pl.BlockSpec((BN, F), lambda i: (i, 0)),
            pl.BlockSpec((BN, 16), lambda i: (i, 0)),
            pl.BlockSpec((BN, OW), lambda i: (i, 0)),
            pl.BlockSpec((NW, OW), lambda i: (0, 0)),
            pl.BlockSpec((NW,), lambda i: (0,)),
            pl.BlockSpec((F, 256), lambda i: (0, 0)),
            pl.BlockSpec((16, 256), lambda i: (0, 0)),
            pl.BlockSpec((256,), lambda i: (0,)),
            pl.BlockSpec((256, 16), lambda i: (0, 0)),
        ],
        out_specs=[
            pl.BlockSpec((BN, F), lambda i: (i, 0)),
            pl.BlockSpec((BN, 16), lambda i: (i, 0)),
        ],
        out_shape=[
            jax.ShapeDtypeStruct((N, F), jnp.float32),
            jax.ShapeDtypeStruct((N, 16), jnp.float32),
        ],
    )(x, chi_pad, loc, carry, heads, wx, wc, b, dexp)
    return xout, chiout[:, :SPH_DIM]


def kernel(sph_ij, chi, idx_j, idx_i, x, rbf, phi_r_cut, W_rad1, b_rad1,
           W_rad2, W_sph1, b_sph1, W_sph2, Wq_f, Wk_f, Wv_f, Wq_g, Wk_g,
           W_mix, b_mix):
    chi_pad = jnp.zeros((N, 16), jnp.float32).at[:, :SPH_DIM].set(chi)
    m_chi_ij = _mchi_sc(chi_pad, idx_i, idx_j)[:, :ND]
    rad_filter = jax.nn.silu(rbf @ W_rad1 + b_rad1) @ W_rad2
    sph_filter = jax.nn.silu(m_chi_ij @ W_sph1 + b_sph1) @ W_sph2
    wprime = (rad_filter + sph_filter) * (phi_r_cut / np.sqrt(float(F)))
    q = x @ Wq_f
    k = x @ Wk_f
    v = x @ Wv_f
    qg = x @ Wq_g
    kg = x @ Wk_g
    sph_pad = jnp.zeros((E, 16), jnp.float32).at[:, :SPH_DIM].set(sph_ij)
    loc, carry = _edge_sc(k, v, kg, q, qg, wprime, sph_pad, idx_i, idx_j)
    heads = idx_i[::EPW]
    loc = loc.at[heads].add(carry)
    carry = jnp.zeros((NW, OW), jnp.float32)
    return _final_phase(x, chi_pad, loc, carry, heads, W_mix, b_mix)

# --- scband reference (transcript-rebuilt; emitter-appended) ---
"""Pipeline reference for scband-so3krates-62053687492653 (READ-ONLY COPY).

The authoritative reference and input builder live on the scoring server;
editing this copy changes nothing except your own understanding.
"""

import jax, jax.numpy as jnp
import numpy as np

N = 10000
E = 320000
F = 128
NRBF = 32
DEGREES = [1, 2, 3]
SPH_DIM = sum(2 * l + 1 for l in DEGREES)


def _deg_onehot():
    sizes = [2 * l + 1 for l in DEGREES]
    D = np.zeros((sum(sizes), len(sizes)), dtype=np.float32)
    off = 0
    for i, s in enumerate(sizes):
        D[off:off + s, i] = 1.0
        off += s
    return jnp.asarray(D)


def setup_inputs(seed: int = 0) -> dict:
    key = jax.random.key(seed)
    ks = jax.random.split(key, 20)
    nd = len(DEGREES)
    inp = {}
    inp['sph_ij'] = jax.random.normal(ks[0], (E, SPH_DIM), dtype=jnp.float32)
    inp['chi'] = 0.1 * jax.random.normal(ks[1], (N, SPH_DIM), dtype=jnp.float32)
    inp['idx_j'] = jax.random.randint(ks[2], (E,), 0, N)
    inp['idx_i'] = jnp.sort(jax.random.randint(ks[3], (E,), 0, N))
    inp['x'] = jax.random.normal(ks[4], (N, F), dtype=jnp.float32)
    inp['rbf'] = jax.random.normal(ks[5], (E, NRBF), dtype=jnp.float32)
    inp['phi_r_cut'] = jax.random.uniform(ks[6], (E, 1), dtype=jnp.float32)
    inp['W_rad1'] = jax.random.normal(ks[7], (NRBF, F), dtype=jnp.float32) / np.sqrt(NRBF)
    inp['b_rad1'] = jnp.zeros((F,), dtype=jnp.float32)
    inp['W_rad2'] = jax.random.normal(ks[8], (F, F), dtype=jnp.float32) / np.sqrt(F)
    inp['W_sph1'] = jax.random.normal(ks[9], (nd, F), dtype=jnp.float32) / np.sqrt(nd)
    inp['b_sph1'] = jnp.zeros((F,), dtype=jnp.float32)
    inp['W_sph2'] = jax.random.normal(ks[10], (F, F), dtype=jnp.float32) / np.sqrt(F)
    inp['Wq_f'] = jax.random.normal(ks[11], (F, F), dtype=jnp.float32) / np.sqrt(F)
    inp['Wk_f'] = jax.random.normal(ks[12], (F, F), dtype=jnp.float32) / np.sqrt(F)
    inp['Wv_f'] = jax.random.normal(ks[13], (F, F), dtype=jnp.float32) / np.sqrt(F)
    inp['Wq_g'] = jax.random.normal(ks[14], (F, F), dtype=jnp.float32) / np.sqrt(F)
    inp['Wk_g'] = jax.random.normal(ks[15], (F, F), dtype=jnp.float32) / np.sqrt(F)
    inp['W_mix'] = jax.random.normal(ks[16], (F + nd, F + nd), dtype=jnp.float32) / np.sqrt(F + nd)
    inp['b_mix'] = jnp.zeros((F + nd,), dtype=jnp.float32)
    return inp


def reference(sph_ij, chi, idx_j, idx_i, x, rbf, phi_r_cut,
              W_rad1, b_rad1, W_rad2, W_sph1, b_sph1, W_sph2,
              Wq_f, Wk_f, Wv_f, Wq_g, Wk_g, W_mix, b_mix):
    D = _deg_onehot()
    # order_contraction: per-edge, per-degree inner product of chi_i and chi_j
    chi_i = jnp.take(chi, idx_i, axis=0)
    chi_j = jnp.take(chi, idx_j, axis=0)
    m_chi_ij = (chi_i * chi_j) @ D  # [E, n_degrees]
    # layer_normalization = Identity
    x_pre_1 = x
    # chi_cut_fn_dynamic = ZeroCutoff
    phi_chi_cut = jnp.zeros((m_chi_ij.shape[0], 1), dtype=m_chi_ij.dtype)
    # shared radial + spherical filter
    rad_filter = jax.nn.silu(rbf @ W_rad1 + b_rad1) @ W_rad2
    sph_filter = jax.nn.silu(m_chi_ij @ W_sph1 + b_sph1) @ W_sph2
    w_ij = rad_filter + sph_filter  # [E, F]
    # feature_block: attention over edges, aggregated to dst nodes
    q = x_pre_1 @ Wq_f
    k = x_pre_1 @ Wk_f
    v = x_pre_1 @ Wv_f
    alpha = jnp.sum(jnp.take(q, idx_i, axis=0) * w_ij * jnp.take(k, idx_j, axis=0), axis=-1) / jnp.sqrt(float(F))
    alpha = alpha * phi_r_cut[:, 0]
    x_local = jax.ops.segment_sum(alpha[:, None] * jnp.take(v, idx_j, axis=0), idx_i, num_segments=N)
    # geometry_block: attention-weighted aggregation of sph_ij
    qg = x_pre_1 @ Wq_g
    kg = x_pre_1 @ Wk_g
    alpha_g = jnp.sum(jnp.take(qg, idx_i, axis=0) * w_ij * jnp.take(kg, idx_j, axis=0), axis=-1) / jnp.sqrt(float(F))
    alpha_g = alpha_g * phi_r_cut[:, 0] + alpha_g * phi_chi_cut[:, 0]
    chi_local = jax.ops.segment_sum(alpha_g[:, None] * sph_ij, idx_i, num_segments=N)
    # skip connections
    x_skip_1 = x + x_local
    chi_skip_1 = chi + chi_local
    # residual_mlp = Identity, layer_normalization = Identity
    x_pre_2 = x_skip_1
    # interaction_block: mix invariants of chi with x via mixing_layer
    chi_inv = (chi_skip_1 * chi_skip_1) @ D  # [N, n_degrees]
    y = jnp.concatenate([x_pre_2, chi_inv], axis=-1) @ W_mix + b_mix
    delta_x = y[:, :F]
    c = y[:, F:]
    delta_chi = (c @ D.T) * chi_skip_1
    x_skip_2 = x_skip_1 + delta_x
    chi_skip_2 = chi_skip_1 + delta_chi
    return (x_skip_2, chi_skip_2)

if __name__ == "__main__":
    import jax
    _d = setup_inputs()
    print(jax.jit(kernel)(*tuple(_d.values())))

</pallas_src>

<mosaic_0001>
#map = affine_map<(d0, d1) -> (0, 0)>
#map1 = affine_map<(d0, d1) -> (0)>
module attributes {stable_mosaic.version = 14 : i64} {
  func.func @_edge_body(%arg0: i32, %arg1: i32, %arg2: memref<10000x128xf32, #tpu.memory_space<hbm>>, %arg3: memref<10000x128xf32, #tpu.memory_space<hbm>>, %arg4: memref<10000x128xf32, #tpu.memory_space<hbm>>, %arg5: memref<10000x128xf32, #tpu.memory_space<hbm>>, %arg6: memref<10000x128xf32, #tpu.memory_space<hbm>>, %arg7: memref<320000x128xf32, #tpu.memory_space<hbm>>, %arg8: memref<320000x16xf32, #tpu.memory_space<hbm>>, %arg9: memref<320000xi32, #tpu.memory_space<hbm>>, %arg10: memref<320000xi32, #tpu.memory_space<hbm>>, %arg11: memref<10000x144xf32, #tpu.memory_space<hbm>>, %arg12: memref<32x144xf32, #tpu.memory_space<hbm>>, %arg13: memref<80xi32, #tpu.memory_space<vmem>>, %arg14: memref<80xi32, #tpu.memory_space<vmem>>, %arg15: memref<8xi32, #tpu.memory_space<vmem>>, %arg16: memref<8xi32, #tpu.memory_space<vmem>>, %arg17: memref<80x128xf32, #tpu.memory_space<vmem>>, %arg18: memref<80x16xf32, #tpu.memory_space<vmem>>, %arg19: memref<80x128xf32, #tpu.memory_space<vmem>>, %arg20: memref<80x128xf32, #tpu.memory_space<vmem>>, %arg21: memref<80x128xf32, #tpu.memory_space<vmem>>, %arg22: memref<80x128xf32, #tpu.memory_space<vmem>>, %arg23: memref<80x128xf32, #tpu.memory_space<vmem>>, %arg24: memref<16x144xf32, #tpu.memory_space<vmem>>, %arg25: memref<1x144xf32, #tpu.memory_space<vmem>>, %arg26: memref<!tpu.dma_semaphore, #tpu.memory_space<semaphore_mem>>, %arg27: memref<!tpu.dma_semaphore, #tpu.memory_space<semaphore_mem>>, %arg28: memref<!tpu.dma_semaphore, #tpu.memory_space<semaphore_mem>>) attributes {dimension_semantics = [#tpu.dimension_semantics<core_parallel>, #tpu.dimension_semantics<subcore_parallel>], iteration_bounds = array<i64: 2, 16>, scalar_prefetch = 0 : i64, scratch_operands = 16 : i64, tpu.core_type = #tpu.core_type<sc_vector_subcore>, window_params = [{transform_indices = #map}, {transform_indices = #map}, {transform_indices = #map}, {transform_indices = #map}, {transform_indices = #map}, {transform_indices = #map}, {transform_indices = #map}, {transform_indices = #map1}, {transform_indices = #map1}, {transform_indices = #map}, {transform_indices = #map}]} {
    %mul3A = arith.constant 16 : i32
    %mul3A_0 = arith.muli %arg0, %mul3A : i32
    %add3A = arith.addi %mul3A_0, %arg1 : i32
    %mul3A_1 = arith.constant 10000 : i32
    %mul3A_2 = arith.muli %add3A, %mul3A_1 : i32
    %multiple_of3A = tpu.assume_multiple %mul3A_2, 10000 : i32
    %broadcast_in_dim3A = arith.constant 0.000000e+00 : f32
    %broadcast_in_dim3A_3 = vector.broadcast %broadcast_in_dim3A : f32 to vector<16xf32>
    %swap3A = arith.constant 0 : i32
    %swap3A_4 = arith.index_cast %swap3A : i32 to index
    %swap3A_5 = arith.constant 0 : index
    %swap3A_6 = tpu.vector_load %arg25[%swap3A_4, %swap3A_5] {strides = array<i32>} : memref<1x144xf32, #tpu.memory_space<vmem>>, vector<16xf32>,
    tpu.vector_store %arg25[%swap3A_4, %swap3A_5], %broadcast_in_dim3A_3 {strides = array<i32>} : memref<1x144xf32, #tpu.memory_space<vmem>>, vector<16xf32>,
    %broadcast_in_dim3A_7 = arith.constant 0.000000e+00 : f32
    %broadcast_in_dim3A_8 = vector.broadcast %broadcast_in_dim3A_7 : f32 to vector<16xf32>
    %swap3A_9 = arith.constant 0 : i32
    %swap3A_10 = arith.index_cast %swap3A_9 : i32 to index
    %swap3A_11 = arith.constant 16 : index
    %swap3A_12 = tpu.vector_load %arg25[%swap3A_10, %swap3A_11] {strides = array<i32>} : memref<1x144xf32, #tpu.memory_space<vmem>>, vector<16xf32>,
    tpu.vector_store %arg25[%swap3A_10, %swap3A_11], %broadcast_in_dim3A_8 {strides = array<i32>} : memref<1x144xf32, #tpu.memory_space<vmem>>, vector<16xf32>,
    %broadcast_in_dim3A_13 = arith.constant 0.000000e+00 : f32
    %broadcast_in_dim3A_14 = vector.broadcast %broadcast_in_dim3A_13 : f32 to vector<16xf32>
    %swap3A_15 = arith.constant 0 : i32
    %swap3A_16 = arith.index_cast %swap3A_15 : i32 to index
    %swap3A_17 = arith.constant 32 : index
    %swap3A_18 = tpu.vector_load %arg25[%swap3A_16, %swap3A_17] {strides = array<i32>} : memref<1x144xf32, #tpu.memory_space<vmem>>, vector<16xf32>,
    tpu.vector_store %arg25[%swap3A_16, %swap3A_17], %broadcast_in_dim3A_14 {strides = array<i32>} : memref<1x144xf32, #tpu.memory_space<vmem>>, vector<16xf32>,
    %broadcast_in_dim3A_19 = arith.constant 0.000000e+00 : f32
    %broadcast_in_dim3A_20 = vector.broadcast %broadcast_in_dim3A_19 : f32 to vector<16xf32>
    %swap3A_21 = arith.constant 0 : i32
    %swap3A_22 = arith.index_cast %swap3A_21 : i32 to index
    %swap3A_23 = arith.constant 48 : index
    %swap3A_24 = tpu.vector_load %arg25[%swap3A_22, %swap3A_23] {strides = array<i32>} : memref<1x144xf32, #tpu.memory_space<vmem>>, vector<16xf32>,
    tpu.vector_store %arg25[%swap3A_22, %swap3A_23], %broadcast_in_dim3A_20 {strides = array<i32>} : memref<1x144xf32, #tpu.memory_space<vmem>>, vector<16xf32>,
    %broadcast_in_dim3A_25 = arith.constant 0.000000e+00 : f32
    %broadcast_in_dim3A_26 = vector.broadcast %broadcast_in_dim3A_25 : f32 to vector<16xf32>
    %swap3A_27 = arith.constant 0 : i32
    %swap3A_28 = arith.index_cast %swap3A_27 : i32 to index
    %swap3A_29 = arith.constant 64 : index
    %swap3A_30 = tpu.vector_load %arg25[%swap3A_28, %swap3A_29] {strides = array<i32>} : memref<1x144xf32, #tpu.memory_space<vmem>>, vector<16xf32>,
    tpu.vector_store %arg25[%swap3A_28, %swap3A_29], %broadcast_in_dim3A_26 {strides = array<i32>} : memref<1x144xf32, #tpu.memory_space<vmem>>, vector<16xf32>,
    %broadcast_in_dim3A_31 = arith.constant 0.000000e+00 : f32
    %broadcast_in_dim3A_32 = vector.broadcast %broadcast_in_dim3A_31 : f32 to vector<16xf32>
    %swap3A_33 = arith.constant 0 : i32
    %swap3A_34 = arith.index_cast %swap3A_33 : i32 to index
    %swap3A_35 = arith.constant 80 : index
    %swap3A_36 = tpu.vector_load %arg25[%swap3A_34, %swap3A_35] {strides = array<i32>} : memref<1x144xf32, #tpu.memory_space<vmem>>, vector<16xf32>,
    tpu.vector_store %arg25[%swap3A_34, %swap3A_35], %broadcast_in_dim3A_32 {strides = array<i32>} : memref<1x144xf32, #tpu.memory_space<vmem>>, vector<16xf32>,
    %broadcast_in_dim3A_37 = arith.constant 0.000000e+00 : f32
    %broadcast_in_dim3A_38 = vector.broadcast %broadcast_in_dim3A_37 : f32 to vector<16xf32>
    %swap3A_39 = arith.constant 0 : i32
    %swap3A_40 = arith.index_cast %swap3A_39 : i32 to index
    %swap3A_41 = arith.constant 96 : index
    %swap3A_42 = tpu.vector_load %arg25[%swap3A_40, %swap3A_41] {strides = array<i32>} : memref<1x144xf32, #tpu.memory_space<vmem>>, vector<16xf32>,
    tpu.vector_store %arg25[%swap3A_40, %swap3A_41], %broadcast_in_dim3A_38 {strides = array<i32>} : memref<1x144xf32, #tpu.memory_space<vmem>>, vector<16xf32>,
    %broadcast_in_dim3A_43 = arith.constant 0.000000e+00 : f32
    %broadcast_in_dim3A_44 = vector.broadcast %broadcast_in_dim3A_43 : f32 to vector<16xf32>
    %swap3A_45 = arith.constant 0 : i32
    %swap3A_46 = arith.index_cast %swap3A_45 : i32 to index
    %swap3A_47 = arith.constant 112 : index
    %swap3A_48 = tpu.vector_load %arg25[%swap3A_46, %swap3A_47] {strides = array<i32>} : memref<1x144xf32, #tpu.memory_space<vmem>>, vector<16xf32>,
    tpu.vector_store %arg25[%swap3A_46, %swap3A_47], %broadcast_in_dim3A_44 {strides = array<i32>} : memref<1x144xf32, #tpu.memory_space<vmem>>, vector<16xf32>,
    %broadcast_in_dim3A_49 = arith.constant 0.000000e+00 : f32
    %broadcast_in_dim3A_50 = vector.broadcast %broadcast_in_dim3A_49 : f32 to vector<16xf32>
    %swap3A_51 = arith.constant 0 : i32
    %swap3A_52 = arith.index_cast %swap3A_51 : i32 to index
    %swap3A_53 = arith.constant 128 : index
    %swap3A_54 = tpu.vector_load %arg25[%swap3A_52, %swap3A_53] {strides = array<i32>} : memref<1x144xf32, #tpu.memory_space<vmem>>, vector<16xf32>,
    tpu.vector_store %arg25[%swap3A_52, %swap3A_53], %broadcast_in_dim3A_50 {strides = array<i32>} : memref<1x144xf32, #tpu.memory_space<vmem>>, vector<16xf32>,
    %gt3A = arith.constant 0 : i32
    %gt3A_55 = arith.cmpi sgt, %add3A, %gt3A : i32
    %convert_element_type3A = arith.extui %gt3A_55 : i1 to i32
    %cond3A = arith.constant 0 : i32
    %cond3A_56 = arith.cmpi ne, %convert_element_type3A, %cond3A : i32
    scf.if %cond3A_56 {
      %sub3A = arith.constant 8 : i32
      %sub3A_138 = arith.subi %multiple_of3A, %sub3A : i32
      "tpu.region"() ({
        %run_scoped3A = tpu.sem_alloc : memref<!tpu.dma_semaphore, #tpu.memory_space<semaphore_mem>>
        %dma_start3A = tpu.memref_slice %arg9[%sub3A_138] : memref<320000xi32, #tpu.memory_space<hbm>> -> memref<8xi32, #tpu.memory_space<hbm>>
        %dma_start3A_139 = tpu.memref_slice %arg9[%sub3A_138] : memref<320000xi32, #tpu.memory_space<hbm>> -> memref<8xi32, #tpu.memory_space<hbm>>
        tpu.enqueue_dma source(%dma_start3A_139 : memref<8xi32, #tpu.memory_space<hbm>>) target(%arg16 : memref<8xi32, #tpu.memory_space<vmem>>) target_semaphore(%run_scoped3A : memref<!tpu.dma_semaphore, #tpu.memory_space<semaphore_mem>>)
        %dma_wait3A = tpu.memref_slice %arg9[%sub3A_138] : memref<320000xi32, #tpu.memory_space<hbm>> -> memref<8xi32, #tpu.memory_space<hbm>>
        %dma_wait3A_140 = tpu.memref_slice %arg9[%sub3A_138] : memref<320000xi32, #tpu.memory_space<hbm>> -> memref<8xi32, #tpu.memory_space<hbm>>
        tpu.wait_dma2 semaphore(%run_scoped3A : memref<!tpu.dma_semaphore, #tpu.memory_space<semaphore_mem>>) src(%dma_wait3A_140 : memref<8xi32, #tpu.memory_space<hbm>>) dst(%arg16 : memref<8xi32, #tpu.memory_space<vmem>>)
        tpu.yield
      }) : () -> ()
    } else {
    }
    "tpu.region"() ({
      %run_scoped3A = tpu.sem_alloc : memref<!tpu.dma_semaphore, #tpu.memory_space<semaphore_mem>>
      %dma_start3A = tpu.memref_slice %arg9[%multiple_of3A] : memref<320000xi32, #tpu.memory_space<hbm>> -> memref<8xi32, #tpu.memory_space<hbm>>
      %dma_start3A_138 = tpu.memref_slice %arg9[%multiple_of3A] : memref<320000xi32, #tpu.memory_space<hbm>> -> memref<8xi32, #tpu.memory_space<hbm>>
      tpu.enqueue_dma source(%dma_start3A_138 : memref<8xi32, #tpu.memory_space<hbm>>) target(%arg15 : memref<8xi32, #tpu.memory_space<vmem>>) target_semaphore(%run_scoped3A : memref<!tpu.dma_semaphore, #tpu.memory_space<semaphore_mem>>)
      %dma_wait3A = tpu.memref_slice %arg9[%multiple_of3A] : memref<320000xi32, #tpu.memory_space<hbm>> -> memref<8xi32, #tpu.memory_space<hbm>>
      %dma_wait3A_139 = tpu.memref_slice %arg9[%multiple_of3A] : memref<320000xi32, #tpu.memory_space<hbm>> -> memref<8xi32, #tpu.memory_space<hbm>>
      tpu.wait_dma2 semaphore(%run_scoped3A : memref<!tpu.dma_semaphore, #tpu.memory_space<semaphore_mem>>) src(%dma_wait3A_139 : memref<8xi32, #tpu.memory_space<hbm>>) dst(%arg15 : memref<8xi32, #tpu.memory_space<vmem>>)
      tpu.yield
    }) : () -> ()
    %gt3A_57 = arith.constant 0 : i32
    %gt3A_58 = arith.cmpi sgt, %add3A, %gt3A_57 : i32
    %broadcast_in_dim3A_59 = arith.constant 7 : i32
    %broadcast_in_dim3A_60 = vector.broadcast %broadcast_in_dim3A_59 : i32 to vector<16xi32>
    %gather3A = tpu.vector_load_idx %arg16[%broadcast_in_dim3A_60] : memref<8xi32, #tpu.memory_space<vmem>>[vector<16xi32>], vector<16xi32>,
    %reduce_max3A = arith.constant true
    %reduce_max3A_61 = vector.broadcast %reduce_max3A : i1 to vector<16xi1>
    %reduce_max3A_62 = arith.constant -2147483648 : i32
    %reduce_max3A_63 = vector.broadcast %reduce_max3A_62 : i32 to vector<16xi32>
    %reduce_max3A_64 = arith.xori %gather3A, %reduce_max3A_63 : vector<16xi32>
    %reduce_max3A_65 = tpu.scan <max>, %reduce_max3A_64 masked %reduce_max3A_61 : vector<16xi32>, vector<16xi1> -> vector<16xi32>
    %reduce_max3A_66 = arith.xori %reduce_max3A_65, %reduce_max3A_63 : vector<16xi32>
    %reduce_max3A_67 = vector.extract %reduce_max3A_66[15] : i32 from vector<16xi32>
    %jit3A = arith.constant -1 : i32
    %select_n3A = arith.select %gt3A_58, %reduce_max3A_67, %jit3A : i32
    %broadcast_in_dim3A_68 = arith.constant 0 : i32
    %broadcast_in_dim3A_69 = vector.broadcast %broadcast_in_dim3A_68 : i32 to vector<16xi32>
    %gather3A_70 = tpu.vector_load_idx %arg15[%broadcast_in_dim3A_69] : memref<8xi32, #tpu.memory_space<vmem>>[vector<16xi32>], vector<16xi32>,
    %reduce_max3A_71 = arith.constant true
    %reduce_max3A_72 = vector.broadcast %reduce_max3A_71 : i1 to vector<16xi1>
    %reduce_max3A_73 = arith.constant -2147483648 : i32
    %reduce_max3A_74 = vector.broadcast %reduce_max3A_73 : i32 to vector<16xi32>
    %reduce_max3A_75 = arith.xori %gather3A_70, %reduce_max3A_74 : vector<16xi32>
    %reduce_max3A_76 = tpu.scan <max>, %reduce_max3A_75 masked %reduce_max3A_72 : vector<16xi32>, vector<16xi1> -> vector<16xi32>
    %reduce_max3A_77 = arith.xori %reduce_max3A_76, %reduce_max3A_74 : vector<16xi32>
    %reduce_max3A_78 = vector.extract %reduce_max3A_77[15] : i32 from vector<16xi32>
    %eq3A = arith.constant 0 : i32
    %eq3A_79 = arith.cmpi eq, %add3A, %eq3A : i32
    %ne3A = arith.cmpi ne, %select_n3A, %reduce_max3A_78 : i32
    %or3A = arith.ori %eq3A_79, %ne3A : i1
    %broadcast_in_dim3A_80 = arith.constant 0.000000e+00 : f32
    %broadcast_in_dim3A_81 = vector.broadcast %broadcast_in_dim3A_80 : f32 to vector<16xf32>
    %scan3A = arith.constant 0 : i32
    %scan3A_82 = arith.constant 0 : i32
    %scan3A_83 = arith.constant 125 : i32
    %scan3A_84 = arith.addi %scan3A_82, %scan3A_83 : i32
    %scan3A_85 = arith.constant 1 : i32
    %scan3A_86:11 = scf.for %scan3A_138 = %scan3A_82 to %scan3A_84 step %scan3A_85 iter_args(%scan3A_139 = %reduce_max3A_78, %scan3A_140 = %scan3A, %scan3A_141 = %broadcast_in_dim3A_81, %scan3A_142 = %broadcast_in_dim3A_81, %scan3A_143 = %broadcast_in_dim3A_81, %scan3A_144 = %broadcast_in_dim3A_81, %scan3A_145 = %broadcast_in_dim3A_81, %scan3A_146 = %broadcast_in_dim3A_81, %scan3A_147 = %broadcast_in_dim3A_81, %scan3A_148 = %broadcast_in_dim3A_81, %scan3A_149 = %broadcast_in_dim3A_81) -> (i32, i32, vector<16xf32>, vector<16xf32>, vector<16xf32>, vector<16xf32>, vector<16xf32>, vector<16xf32>, vector<16xf32>, vector<16xf32>, vector<16xf32>)  : i32 {
      %mul3A_150 = arith.constant 1 : i32
      %mul3A_151 = arith.muli %scan3A_138, %mul3A_150 : i32
      %add3A_152 = arith.constant 0 : i32
      %add3A_153 = arith.addi %add3A_152, %mul3A_151 : i32
      %mul3A_154 = arith.constant 80 : i32
      %mul3A_155 = arith.muli %add3A_153, %mul3A_154 : i32
      %add3A_156 = arith.addi %multiple_of3A, %mul3A_155 : i32
      %multiple_of3A_157 = tpu.assume_multiple %add3A_156, 8 : i32
      "tpu.region"() ({
        %run_scoped3A = tpu.sem_alloc : memref<!tpu.dma_semaphore, #tpu.memory_space<semaphore_mem>>
        %dma_start3A_192 = tpu.memref_slice %arg9[%multiple_of3A_157] : memref<320000xi32, #tpu.memory_space<hbm>> -> memref<80xi32, #tpu.memory_space<hbm>>
        %dma_start3A_193 = tpu.memref_slice %arg9[%multiple_of3A_157] : memref<320000xi32, #tpu.memory_space<hbm>> -> memref<80xi32, #tpu.memory_space<hbm>>
        tpu.enqueue_dma source(%dma_start3A_193 : memref<80xi32, #tpu.memory_space<hbm>>) target(%arg13 : memref<80xi32, #tpu.memory_space<vmem>>) target_semaphore(%run_scoped3A : memref<!tpu.dma_semaphore, #tpu.memory_space<semaphore_mem>>)
        %dma_wait3A_194 = tpu.memref_slice %arg9[%multiple_of3A_157] : memref<320000xi32, #tpu.memory_space<hbm>> -> memref<80xi32, #tpu.memory_space<hbm>>
        %dma_wait3A_195 = tpu.memref_slice %arg9[%multiple_of3A_157] : memref<320000xi32, #tpu.memory_space<hbm>> -> memref<80xi32, #tpu.memory_space<hbm>>
        tpu.wait_dma2 semaphore(%run_scoped3A : memref<!tpu.dma_semaphore, #tpu.memory_space<semaphore_mem>>) src(%dma_wait3A_195 : memref<80xi32, #tpu.memory_space<hbm>>) dst(%arg13 : memref<80xi32, #tpu.memory_space<vmem>>)
        tpu.yield
      }) : () -> ()
      "tpu.region"() ({
        %run_scoped3A = tpu.sem_alloc : memref<!tpu.dma_semaphore, #tpu.memory_space<semaphore_mem>>
        %dma_start3A_192 = tpu.memref_slice %arg10[%multiple_of3A_157] : memref<320000xi32, #tpu.memory_space<hbm>> -> memref<80xi32, #tpu.memory_space<hbm>>
        %dma_start3A_193 = tpu.memref_slice %arg10[%multiple_of3A_157] : memref<320000xi32, #tpu.memory_space<hbm>> -> memref<80xi32, #tpu.memory_space<hbm>>
        tpu.enqueue_dma source(%dma_start3A_193 : memref<80xi32, #tpu.memory_space<hbm>>) target(%arg14 : memref<80xi32, #tpu.memory_space<vmem>>) target_semaphore(%run_scoped3A : memref<!tpu.dma_semaphore, #tpu.memory_space<semaphore_mem>>)
        %dma_wait3A_194 = tpu.memref_slice %arg10[%multiple_of3A_157] : memref<320000xi32, #tpu.memory_space<hbm>> -> memref<80xi32, #tpu.memory_space<hbm>>
        %dma_wait3A_195 = tpu.memref_slice %arg10[%multiple_of3A_157] : memref<320000xi32, #tpu.memory_space<hbm>> -> memref<80xi32, #tpu.memory_space<hbm>>
        tpu.wait_dma2 semaphore(%run_scoped3A : memref<!tpu.dma_semaphore, #tpu.memory_space<semaphore_mem>>) src(%dma_wait3A_195 : memref<80xi32, #tpu.memory_space<hbm>>) dst(%arg14 : memref<80xi32, #tpu.memory_space<vmem>>)
        tpu.yield
      }) : () -> ()
      "tpu.region"() ({
        %run_scoped3A = tpu.sem_alloc : memref<!tpu.dma_semaphore, #tpu.memory_space<semaphore_mem>>
        %dma_start3A_192 = arith.constant 0 : i32
        %dma_start3A_193 = tpu.memref_slice %arg7[%multiple_of3A_157, %dma_start3A_192] : memref<320000x128xf32, #tpu.memory_space<hbm>> -> memref<80x128xf32, #tpu.memory_space<hbm>>
        %dma_start3A_194 = arith.constant 0 : i32
        %dma_start3A_195 = tpu.memref_slice %arg7[%multiple_of3A_157, %dma_start3A_194] : memref<320000x128xf32, #tpu.memory_space<hbm>> -> memref<80x128xf32, #tpu.memory_space<hbm>>
        tpu.enqueue_dma source(%dma_start3A_195 : memref<80x128xf32, #tpu.memory_space<hbm>>) target(%arg17 : memref<80x128xf32, #tpu.memory_space<vmem>>) target_semaphore(%run_scoped3A : memref<!tpu.dma_semaphore, #tpu.memory_space<semaphore_mem>>)
        %dma_wait3A_196 = arith.constant 0 : i32
        %dma_wait3A_197 = tpu.memref_slice %arg7[%multiple_of3A_157, %dma_wait3A_196] : memref<320000x128xf32, #tpu.memory_space<hbm>> -> memref<80x128xf32, #tpu.memory_space<hbm>>
        %dma_wait3A_198 = arith.constant 0 : i32
        %dma_wait3A_199 = tpu.memref_slice %arg7[%multiple_of3A_157, %dma_wait3A_198] : memref<320000x128xf32, #tpu.memory_space<hbm>> -> memref<80x128xf32, #tpu.memory_space<hbm>>
        tpu.wait_dma2 semaphore(%run_scoped3A : memref<!tpu.dma_semaphore, #tpu.memory_space<semaphore_mem>>) src(%dma_wait3A_199 : memref<80x128xf32, #tpu.memory_space<hbm>>) dst(%arg17 : memref<80x128xf32, #tpu.memory_space<vmem>>)
        tpu.yield
      }) : () -> ()
      "tpu.region"() ({
        %run_scoped3A = tpu.sem_alloc : memref<!tpu.dma_semaphore, #tpu.memory_space<semaphore_mem>>
        %dma_start3A_192 = arith.constant 0 : i32
        %dma_start3A_193 = tpu.memref_slice %arg8[%multiple_of3A_157, %dma_start3A_192] : memref<320000x16xf32, #tpu.memory_space<hbm>> -> memref<80x16xf32, #tpu.memory_space<hbm>>
        %dma_start3A_194 = arith.constant 0 : i32
        %dma_start3A_195 = tpu.memref_slice %arg8[%multiple_of3A_157, %dma_start3A_194] : memref<320000x16xf32, #tpu.memory_space<hbm>> -> memref<80x16xf32, #tpu.memory_space<hbm>>
        tpu.enqueue_dma source(%dma_start3A_195 : memref<80x16xf32, #tpu.memory_space<hbm>>) target(%arg18 : memref<80x16xf32, #tpu.memory_space<vmem>>) target_semaphore(%run_scoped3A : memref<!tpu.dma_semaphore, #tpu.memory_space<semaphore_mem>>)
        %dma_wait3A_196 = arith.constant 0 : i32
        %dma_wait3A_197 = tpu.memref_slice %arg8[%multiple_of3A_157, %dma_wait3A_196] : memref<320000x16xf32, #tpu.memory_space<hbm>> -> memref<80x16xf32, #tpu.memory_space<hbm>>
        %dma_wait3A_198 = arith.constant 0 : i32
        %dma_wait3A_199 = tpu.memref_slice %arg8[%multiple_of3A_157, %dma_wait3A_198] : memref<320000x16xf32, #tpu.memory_space<hbm>> -> memref<80x16xf32, #tpu.memory_space<hbm>>
        tpu.wait_dma2 semaphore(%run_scoped3A : memref<!tpu.dma_semaphore, #tpu.memory_space<semaphore_mem>>) src(%dma_wait3A_199 : memref<80x16xf32, #tpu.memory_space<hbm>>) dst(%arg18 : memref<80x16xf32, #tpu.memory_space<vmem>>)
        tpu.yield
      }) : () -> ()
      %dma_start3A = arith.constant 0 : i32
      %dma_start3A_158 = arith.constant 0 : i32
      %dma_start3A_159 = tpu.memref_slice %arg2[%dma_start3A, %dma_start3A_158] : memref<10000x128xf32, #tpu.memory_space<hbm>> -> memref<10000x128xf32, #tpu.memory_space<hbm>>
      tpu.enqueue_indirect_dma source(%dma_start3A_159 : memref<10000x128xf32, #tpu.memory_space<hbm>>) target(%arg19 : memref<80x128xf32, #tpu.memory_space<vmem>>) offsets(%arg14 : memref<80xi32, #tpu.memory_space<vmem>>) semaphore(%arg26 : memref<!tpu.dma_semaphore, #tpu.memory_space<semaphore_mem>>)
      %dma_wait3A = arith.constant 0 : i32
      %dma_wait3A_160 = arith.constant 0 : i32
      %dma_wait3A_161 = tpu.memref_slice %arg2[%dma_wait3A, %dma_wait3A_160] : memref<10000x128xf32, #tpu.memory_space<hbm>> -> memref<10000x128xf32, #tpu.memory_space<hbm>>
      tpu.wait_indirect_dma semaphore(%arg26 : memref<!tpu.dma_semaphore, #tpu.memory_space<semaphore_mem>>) src(%dma_wait3A_161 : memref<10000x128xf32, #tpu.memory_space<hbm>>) dst(%arg19 : memref<80x128xf32, #tpu.memory_space<vmem>>)
      %dma_start3A_162 = arith.constant 0 : i32
      %dma_start3A_163 = arith.constant 0 : i32
      %dma_start3A_164 = tpu.memref_slice %arg3[%dma_start3A_162, %dma_start3A_163] : memref<10000x128xf32, #tpu.memory_space<hbm>> -> memref<10000x128xf32, #tpu.memory_space<hbm>>
      tpu.enqueue_indirect_dma source(%dma_start3A_164 : memref<10000x128xf32, #tpu.memory_space<hbm>>) target(%arg20 : memref<80x128xf32, #tpu.memory_space<vmem>>) offsets(%arg14 : memref<80xi32, #tpu.memory_space<vmem>>) semaphore(%arg26 : memref<!tpu.dma_semaphore, #tpu.memory_space<semaphore_mem>>)
      %dma_wait3A_165 = arith.constant 0 : i32
      %dma_wait3A_166 = arith.constant 0 : i32
      %dma_wait3A_167 = tpu.memref_slice %arg3[%dma_wait3A_165, %dma_wait3A_166] : memref<10000x128xf32, #tpu.memory_space<hbm>> -> memref<10000x128xf32, #tpu.memory_space<hbm>>
      tpu.wait_indirect_dma semaphore(%arg26 : memref<!tpu.dma_semaphore, #tpu.memory_space<semaphore_mem>>) src(%dma_wait3A_167 : memref<10000x128xf32, #tpu.memory_space<hbm>>) dst(%arg20 : memref<80x128xf32, #tpu.memory_space<vmem>>)
      %dma_start3A_168 = arith.constant 0 : i32
      %dma_start3A_169 = arith.constant 0 : i32
      %dma_start3A_170 = tpu.memref_slice %arg4[%dma_start3A_168, %dma_start3A_169] : memref<10000x128xf32, #tpu.memory_space<hbm>> -> memref<10000x128xf32, #tpu.memory_space<hbm>>
      tpu.enqueue_indirect_dma source(%dma_start3A_170 : memref<10000x128xf32, #tpu.memory_space<hbm>>) target(%arg21 : memref<80x128xf32, #tpu.memory_space<vmem>>) offsets(%arg14 : memref<80xi32, #tpu.memory_space<vmem>>) semaphore(%arg26 : memref<!tpu.dma_semaphore, #tpu.memory_space<semaphore_mem>>)
      %dma_wait3A_171 = arith.constant 0 : i32
      %dma_wait3A_172 = arith.constant 0 : i32
      %dma_wait3A_173 = tpu.memref_slice %arg4[%dma_wait3A_171, %dma_wait3A_172] : memref<10000x128xf32, #tpu.memory_space<hbm>> -> memref<10000x128xf32, #tpu.memory_space<hbm>>
      tpu.wait_indirect_dma semaphore(%arg26 : memref<!tpu.dma_semaphore, #tpu.memory_space<semaphore_mem>>) src(%dma_wait3A_173 : memref<10000x128xf32, #tpu.memory_space<hbm>>) dst(%arg21 : memref<80x128xf32, #tpu.memory_space<vmem>>)
      %dma_start3A_174 = arith.constant 0 : i32
      %dma_start3A_175 = arith.constant 0 : i32
      %dma_start3A_176 = tpu.memref_slice %arg5[%dma_start3A_174, %dma_start3A_175] : memref<10000x128xf32, #tpu.memory_space<hbm>> -> memref<10000x128xf32, #tpu.memory_space<hbm>>
      tpu.enqueue_indirect_dma source(%dma_start3A_176 : memref<10000x128xf32, #tpu.memory_space<hbm>>) target(%arg22 : memref<80x128xf32, #tpu.memory_space<vmem>>) offsets(%arg13 : memref<80xi32, #tpu.memory_space<vmem>>) semaphore(%arg26 : memref<!tpu.dma_semaphore, #tpu.memory_space<semaphore_mem>>)
      %dma_wait3A_177 = arith.constant 0 : i32
      %dma_wait3A_178 = arith.constant 0 : i32
      %dma_wait3A_179 = tpu.memref_slice %arg5[%dma_wait3A_177, %dma_wait3A_178] : memref<10000x128xf32, #tpu.memory_space<hbm>> -> memref<10000x128xf32, #tpu.memory_space<hbm>>
      tpu.wait_indirect_dma semaphore(%arg26 : memref<!tpu.dma_semaphore, #tpu.memory_space<semaphore_mem>>) src(%dma_wait3A_179 : memref<10000x128xf32, #tpu.memory_space<hbm>>) dst(%arg22 : memref<80x128xf32, #tpu.memory_space<vmem>>)
      %dma_start3A_180 = arith.constant 0 : i32
      %dma_start3A_181 = arith.constant 0 : i32
      %dma_start3A_182 = tpu.memref_slice %arg6[%dma_start3A_180, %dma_start3A_181] : memref<10000x128xf32, #tpu.memory_space<hbm>> -> memref<10000x128xf32, #tpu.memory_space<hbm>>
      tpu.enqueue_indirect_dma source(%dma_start3A_182 : memref<10000x128xf32, #tpu.memory_space<hbm>>) target(%arg23 : memref<80x128xf32, #tpu.memory_space<vmem>>) offsets(%arg13 : memref<80xi32, #tpu.memory_space<vmem>>) semaphore(%arg26 : memref<!tpu.dma_semaphore, #tpu.memory_space<semaphore_mem>>)
      %dma_wait3A_183 = arith.constant 0 : i32
      %dma_wait3A_184 = arith.constant 0 : i32
      %dma_wait3A_185 = tpu.memref_slice %arg6[%dma_wait3A_183, %dma_wait3A_184] : memref<10000x128xf32, #tpu.memory_space<hbm>> -> memref<10000x128xf32, #tpu.memory_space<hbm>>
      tpu.wait_indirect_dma semaphore(%arg26 : memref<!tpu.dma_semaphore, #tpu.memory_space<semaphore_mem>>) src(%dma_wait3A_185 : memref<10000x128xf32, #tpu.memory_space<hbm>>) dst(%arg23 : memref<80x128xf32, #tpu.memory_space<vmem>>)
      %scan3A_186 = arith.constant 0 : i32
      %scan3A_187 = arith.constant 80 : i32
      %scan3A_188 = arith.addi %scan3A_186, %scan3A_187 : i32
      %scan3A_189 = arith.constant 1 : i32
      %scan3A_190:11 = scf.for %scan3A_192 = %scan3A_186 to %scan3A_188 step %scan3A_189 iter_args(%scan3A_193 = %scan3A_139, %scan3A_194 = %scan3A_140, %scan3A_195 = %scan3A_141, %scan3A_196 = %scan3A_142, %scan3A_197 = %scan3A_143, %scan3A_198 = %scan3A_144, %scan3A_199 = %scan3A_145, %scan3A_200 = %scan3A_146, %scan3A_201 = %scan3A_147, %scan3A_202 = %scan3A_148, %scan3A_203 = %scan3A_149) -> (i32, i32, vector<16xf32>, vector<16xf32>, vector<16xf32>, vector<16xf32>, vector<16xf32>, vector<16xf32>, vector<16xf32>, vector<16xf32>, vector<16xf32>)  : i32 {
        %mul3A_204 = arith.constant 1 : i32
        %mul3A_205 = arith.muli %scan3A_192, %mul3A_204 : i32
        %add3A_206 = arith.constant 0 : i32
        %add3A_207 = arith.addi %add3A_206, %mul3A_205 : i32
        %broadcast_in_dim3A_208 = vector.broadcast %add3A_207 : i32 to vector<16xi32>
        %gather3A_209 = tpu.vector_load_idx %arg13[%broadcast_in_dim3A_208] : memref<80xi32, #tpu.memory_space<vmem>>[vector<16xi32>], vector<16xi32>,
        %reduce_max3A_210 = arith.constant true
        %reduce_max3A_211 = vector.broadcast %reduce_max3A_210 : i1 to vector<16xi1>
        %reduce_max3A_212 = arith.constant -2147483648 : i32
        %reduce_max3A_213 = vector.broadcast %reduce_max3A_212 : i32 to vector<16xi32>
        %reduce_max3A_214 = arith.xori %gather3A_209, %reduce_max3A_213 : vector<16xi32>
        %reduce_max3A_215 = tpu.scan <max>, %reduce_max3A_214 masked %reduce_max3A_211 : vector<16xi32>, vector<16xi1> -> vector<16xi32>
        %reduce_max3A_216 = arith.xori %reduce_max3A_215, %reduce_max3A_213 : vector<16xi32>
        %reduce_max3A_217 = vector.extract %reduce_max3A_216[15] : i32 from vector<16xi32>
        %ne3A_218 = arith.cmpi ne, %reduce_max3A_217, %scan3A_193 : i32
        %convert_element_type3A_219 = arith.extui %ne3A_218 : i1 to i32
        %cond3A_220 = arith.constant 0 : i32
        %cond3A_221 = arith.cmpi ne, %convert_element_type3A_219, %cond3A_220 : i32
        scf.if %cond3A_221 {
          %swap3A_462 = arith.constant 0 : i32
          %swap3A_463 = arith.index_cast %swap3A_462 : i32 to index
          %swap3A_464 = arith.constant 0 : index
          %swap3A_465 = tpu.vector_load %arg24[%swap3A_463, %swap3A_464] {strides = array<i32>} : memref<16x144xf32, #tpu.memory_space<vmem>>, vector<16xf32>,
          tpu.vector_store %arg24[%swap3A_463, %swap3A_464], %scan3A_195 {strides = array<i32>} : memref<16x144xf32, #tpu.memory_space<vmem>>, vector<16xf32>,
          %swap3A_466 = arith.constant 0 : i32
          %swap3A_467 = arith.index_cast %swap3A_466 : i32 to index
          %swap3A_468 = arith.constant 16 : index
          %swap3A_469 = tpu.vector_load %arg24[%swap3A_467, %swap3A_468] {strides = array<i32>} : memref<16x144xf32, #tpu.memory_space<vmem>>, vector<16xf32>,
          tpu.vector_store %arg24[%swap3A_467, %swap3A_468], %scan3A_196 {strides = array<i32>} : memref<16x144xf32, #tpu.memory_space<vmem>>, vector<16xf32>,
          %swap3A_470 = arith.constant 0 : i32
          %swap3A_471 = arith.index_cast %swap3A_470 : i32 to index
          %swap3A_472 = arith.constant 32 : index
          %swap3A_473 = tpu.vector_load %arg24[%swap3A_471, %swap3A_472] {strides = array<i32>} : memref<16x144xf32, #tpu.memory_space<vmem>>, vector<16xf32>,
          tpu.vector_store %arg24[%swap3A_471, %swap3A_472], %scan3A_197 {strides = array<i32>} : memref<16x144xf32, #tpu.memory_space<vmem>>, vector<16xf32>,
          %swap3A_474 = arith.constant 0 : i32
          %swap3A_475 = arith.index_cast %swap3A_474 : i32 to index
          %swap3A_476 = arith.constant 48 : index
          %swap3A_477 = tpu.vector_load %arg24[%swap3A_475, %swap3A_476] {strides = array<i32>} : memref<16x144xf32, #tpu.memory_space<vmem>>, vector<16xf32>,
          tpu.vector_store %arg24[%swap3A_475, %swap3A_476], %scan3A_198 {strides = array<i32>} : memref<16x144xf32, #tpu.memory_space<vmem>>, vector<16xf32>,
          %swap3A_478 = arith.constant 0 : i32
          %swap3A_479 = arith.index_cast %swap3A_478 : i32 to index
          %swap3A_480 = arith.constant 64 : index
          %swap3A_481 = tpu.vector_load %arg24[%swap3A_479, %swap3A_480] {strides = array<i32>} : memref<16x144xf32, #tpu.memory_space<vmem>>, vector<16xf32>,
          tpu.vector_store %arg24[%swap3A_479, %swap3A_480], %scan3A_199 {strides = array<i32>} : memref<16x144xf32, #tpu.memory_space<vmem>>, vector<16xf32>,
          %swap3A_482 = arith.constant 0 : i32
          %swap3A_483 = arith.index_cast %swap3A_482 : i32 to index
          %swap3A_484 = arith.constant 80 : index
          %swap3A_485 = tpu.vector_load %arg24[%swap3A_483, %swap3A_484] {strides = array<i32>} : memref<16x144xf32, #tpu.memory_space<vmem>>, vector<16xf32>,
          tpu.vector_store %arg24[%swap3A_483, %swap3A_484], %scan3A_200 {strides = array<i32>} : memref<16x144xf32, #tpu.memory_space<vmem>>, vector<16xf32>,
          %swap3A_486 = arith.constant 0 : i32
          %swap3A_487 = arith.index_cast %swap3A_486 : i32 to index
          %swap3A_488 = arith.constant 96 : index
          %swap3A_489 = tpu.vector_load %arg24[%swap3A_487, %swap3A_488] {strides = array<i32>} : memref<16x144xf32, #tpu.memory_space<vmem>>, vector<16xf32>,
          tpu.vector_store %arg24[%swap3A_487, %swap3A_488], %scan3A_201 {strides = array<i32>} : memref<16x144xf32, #tpu.memory_space<vmem>>, vector<16xf32>,
          %swap3A_490 = arith.constant 0 : i32
          %swap3A_491 = arith.index_cast %swap3A_490 : i32 to index
          %swap3A_492 = arith.constant 112 : index
          %swap3A_493 = tpu.vector_load %arg24[%swap3A_491, %swap3A_492] {strides = array<i32>} : memref<16x144xf32, #tpu.memory_space<vmem>>, vector<16xf32>,
          tpu.vector_store %arg24[%swap3A_491, %swap3A_492], %scan3A_202 {strides = array<i32>} : memref<16x144xf32, #tpu.memory_space<vmem>>, vector<16xf32>,
          %swap3A_494 = arith.constant 0 : i32
          %swap3A_495 = arith.index_cast %swap3A_494 : i32 to index
          %swap3A_496 = arith.constant 128 : index
          %swap3A_497 = tpu.vector_load %arg24[%swap3A_495, %swap3A_496] {strides = array<i32>} : memref<16x144xf32, #tpu.memory_space<vmem>>, vector<16xf32>,
          tpu.vector_store %arg24[%swap3A_495, %swap3A_496], %scan3A_203 {strides = array<i32>} : memref<16x144xf32, #tpu.memory_space<vmem>>, vector<16xf32>,
          %eq3A_498 = arith.constant 0 : i32
          %eq3A_499 = arith.cmpi eq, %scan3A_194, %eq3A_498 : i32
          %not3A_500 = arith.constant true
          %not3A_501 = arith.xori %or3A, %not3A_500 : i1
          %and3A_502 = arith.andi %eq3A_499, %not3A_501 : i1
          %convert_element_type3A_503 = arith.extui %and3A_502 : i1 to i32
          %cond3A_504 = arith.constant 0 : i32
          %cond3A_505 = arith.cmpi ne, %convert_element_type3A_503, %cond3A_504 : i32
          scf.if %cond3A_505 {
            "tpu.region"() ({
              %run_scoped3A = tpu.sem_alloc : memref<!tpu.dma_semaphore, #tpu.memory_space<semaphore_mem>>
              %dma_start3A_511 = arith.constant 0 : i32
              %dma_start3A_512 = arith.constant 0 : i32
              %dma_start3A_513 = tpu.memref_slice %arg24[%dma_start3A_511, %dma_start3A_512] : memref<16x144xf32, #tpu.memory_space<vmem>> -> memref<1x144xf32, #tpu.memory_space<vmem>>
              %dma_start3A_514 = arith.constant 0 : i32
              %dma_start3A_515 = tpu.memref_slice %arg12[%add3A, %dma_start3A_514] : memref<32x144xf32, #tpu.memory_space<hbm>> -> memref<1x144xf32, #tpu.memory_space<hbm>>
              %dma_start3A_516 = arith.constant 0 : i32
              %dma_start3A_517 = tpu.memref_slice %arg12[%add3A, %dma_start3A_516] : memref<32x144xf32, #tpu.memory_space<hbm>> -> memref<1x144xf32, #tpu.memory_space<hbm>>
              %dma_start3A_518 = arith.constant 0 : i32
              %dma_start3A_519 = arith.constant 0 : i32
              %dma_start3A_520 = tpu.memref_slice %arg24[%dma_start3A_518, %dma_start3A_519] : memref<16x144xf32, #tpu.memory_space<vmem>> -> memref<1x144xf32, #tpu.memory_space<vmem>>
              tpu.enqueue_dma source(%dma_start3A_520 : memref<1x144xf32, #tpu.memory_space<vmem>>) target(%dma_start3A_517 : memref<1x144xf32, #tpu.memory_space<hbm>>) target_semaphore(%run_scoped3A : memref<!tpu.dma_semaphore, #tpu.memory_space<semaphore_mem>>)
              %dma_wait3A_521 = arith.constant 0 : i32
              %dma_wait3A_522 = arith.constant 0 : i32
              %dma_wait3A_523 = tpu.memref_slice %arg24[%dma_wait3A_521, %dma_wait3A_522] : memref<16x144xf32, #tpu.memory_space<vmem>> -> memref<1x144xf32, #tpu.memory_space<vmem>>
              %dma_wait3A_524 = arith.constant 0 : i32
              %dma_wait3A_525 = tpu.memref_slice %arg12[%add3A, %dma_wait3A_524] : memref<32x144xf32, #tpu.memory_space<hbm>> -> memref<1x144xf32, #tpu.memory_space<hbm>>
              %dma_wait3A_526 = arith.constant 0 : i32
              %dma_wait3A_527 = tpu.memref_slice %arg12[%add3A, %dma_wait3A_526] : memref<32x144xf32, #tpu.memory_space<hbm>> -> memref<1x144xf32, #tpu.memory_space<hbm>>
              %dma_wait3A_528 = arith.constant 0 : i32
              %dma_wait3A_529 = arith.constant 0 : i32
              %dma_wait3A_530 = tpu.memref_slice %arg24[%dma_wait3A_528, %dma_wait3A_529] : memref<16x144xf32, #tpu.memory_space<vmem>> -> memref<1x144xf32, #tpu.memory_space<vmem>>
              tpu.wait_dma2 semaphore(%run_scoped3A : memref<!tpu.dma_semaphore, #tpu.memory_space<semaphore_mem>>) src(%dma_wait3A_530 : memref<1x144xf32, #tpu.memory_space<vmem>>) dst(%dma_wait3A_527 : memref<1x144xf32, #tpu.memory_space<hbm>>)
              tpu.yield
            }) : () -> ()
          } else {
          }
          %not3A_506 = arith.constant true
          %not3A_507 = arith.xori %and3A_502, %not3A_506 : i1
          %convert_element_type3A_508 = arith.extui %not3A_507 : i1 to i32
          %cond3A_509 = arith.constant 0 : i32
          %cond3A_510 = arith.cmpi ne, %convert_element_type3A_508, %cond3A_509 : i32
          scf.if %cond3A_510 {
            "tpu.region"() ({
              %run_scoped3A = tpu.sem_alloc : memref<!tpu.dma_semaphore, #tpu.memory_space<semaphore_mem>>
              %dma_start3A_511 = arith.constant 0 : i32
              %dma_start3A_512 = arith.constant 0 : i32
              %dma_start3A_513 = tpu.memref_slice %arg24[%dma_start3A_511, %dma_start3A_512] : memref<16x144xf32, #tpu.memory_space<vmem>> -> memref<1x144xf32, #tpu.memory_space<vmem>>
              %dma_start3A_514 = arith.constant 0 : i32
              %dma_start3A_515 = tpu.memref_slice %arg11[%scan3A_193, %dma_start3A_514] : memref<10000x144xf32, #tpu.memory_space<hbm>> -> memref<1x144xf32, #tpu.memory_space<hbm>>
              %dma_start3A_516 = arith.constant 0 : i32
              %dma_start3A_517 = tpu.memref_slice %arg11[%scan3A_193, %dma_start3A_516] : memref<10000x144xf32, #tpu.memory_space<hbm>> -> memref<1x144xf32, #tpu.memory_space<hbm>>
              %dma_start3A_518 = arith.constant 0 : i32
              %dma_start3A_519 = arith.constant 0 : i32
              %dma_start3A_520 = tpu.memref_slice %arg24[%dma_start3A_518, %dma_start3A_519] : memref<16x144xf32, #tpu.memory_space<vmem>> -> memref<1x144xf32, #tpu.memory_space<vmem>>
              tpu.enqueue_dma source(%dma_start3A_520 : memref<1x144xf32, #tpu.memory_space<vmem>>) target(%dma_start3A_517 : memref<1x144xf32, #tpu.memory_space<hbm>>) target_semaphore(%run_scoped3A : memref<!tpu.dma_semaphore, #tpu.memory_space<semaphore_mem>>)
              %dma_wait3A_521 = arith.constant 0 : i32
              %dma_wait3A_522 = arith.constant 0 : i32
              %dma_wait3A_523 = tpu.memref_slice %arg24[%dma_wait3A_521, %dma_wait3A_522] : memref<16x144xf32, #tpu.memory_space<vmem>> -> memref<1x144xf32, #tpu.memory_space<vmem>>
              %dma_wait3A_524 = arith.constant 0 : i32
              %dma_wait3A_525 = tpu.memref_slice %arg11[%scan3A_193, %dma_wait3A_524] : memref<10000x144xf32, #tpu.memory_space<hbm>> -> memref<1x144xf32, #tpu.memory_space<hbm>>
              %dma_wait3A_526 = arith.constant 0 : i32
              %dma_wait3A_527 = tpu.memref_slice %arg11[%scan3A_193, %dma_wait3A_526] : memref<10000x144xf32, #tpu.memory_space<hbm>> -> memref<1x144xf32, #tpu.memory_space<hbm>>
              %dma_wait3A_528 = arith.constant 0 : i32
              %dma_wait3A_529 = arith.constant 0 : i32
              %dma_wait3A_530 = tpu.memref_slice %arg24[%dma_wait3A_528, %dma_wait3A_529] : memref<16x144xf32, #tpu.memory_space<vmem>> -> memref<1x144xf32, #tpu.memory_space<vmem>>
              tpu.wait_dma2 semaphore(%run_scoped3A : memref<!tpu.dma_semaphore, #tpu.memory_space<semaphore_mem>>) src(%dma_wait3A_530 : memref<1x144xf32, #tpu.memory_space<vmem>>) dst(%dma_wait3A_527 : memref<1x144xf32, #tpu.memory_space<hbm>>)
              tpu.yield
            }) : () -> ()
          } else {
          }
        } else {
        }
        %get3A = arith.index_cast %add3A_207 : i32 to index
        %get3A_222 = arith.constant 0 : index
        %get3A_223 = tpu.vector_load %arg17[%get3A, %get3A_222] {strides = array<i32>} : memref<80x128xf32, #tpu.memory_space<vmem>>, vector<16xf32>,
        %get3A_224 = arith.index_cast %add3A_207 : i32 to index
        %get3A_225 = arith.constant 0 : index
        %get3A_226 = tpu.vector_load %arg22[%get3A_224, %get3A_225] {strides = array<i32>} : memref<80x128xf32, #tpu.memory_space<vmem>>, vector<16xf32>,
        %get3A_227 = arith.index_cast %add3A_207 : i32 to index
        %get3A_228 = arith.constant 0 : index
        %get3A_229 = tpu.vector_load %arg19[%get3A_227, %get3A_228] {strides = array<i32>} : memref<80x128xf32, #tpu.memory_space<vmem>>, vector<16xf32>,
        %mul3A_230 = arith.mulf %get3A_226, %get3A_223 : vector<16xf32>
        %mul3A_231 = arith.mulf %mul3A_230, %get3A_229 : vector<16xf32>
        %add3A_232 = arith.addf %broadcast_in_dim3A_81, %mul3A_231 : vector<16xf32>
        %get3A_233 = arith.index_cast %add3A_207 : i32 to index
        %get3A_234 = arith.constant 0 : index
        %get3A_235 = tpu.vector_load %arg23[%get3A_233, %get3A_234] {strides = array<i32>} : memref<80x128xf32, #tpu.memory_space<vmem>>, vector<16xf32>,
        %get3A_236 = arith.index_cast %add3A_207 : i32 to index
        %get3A_237 = arith.constant 0 : index
        %get3A_238 = tpu.vector_load %arg21[%get3A_236, %get3A_237] {strides = array<i32>} : memref<80x128xf32, #tpu.memory_space<vmem>>, vector<16xf32>,
        %mul3A_239 = arith.mulf %get3A_235, %get3A_223 : vector<16xf32>
        %mul3A_240 = arith.mulf %mul3A_239, %get3A_238 : vector<16xf32>
        %add3A_241 = arith.addf %broadcast_in_dim3A_81, %mul3A_240 : vector<16xf32>
        %get3A_242 = arith.index_cast %add3A_207 : i32 to index
        %get3A_243 = arith.constant 16 : index
        %get3A_244 = tpu.vector_load %arg17[%get3A_242, %get3A_243] {strides = array<i32>} : memref<80x128xf32, #tpu.memory_space<vmem>>, vector<16xf32>,
        %get3A_245 = arith.index_cast %add3A_207 : i32 to index
        %get3A_246 = arith.constant 16 : index
        %get3A_247 = tpu.vector_load %arg22[%get3A_245, %get3A_246] {strides = array<i32>} : memref<80x128xf32, #tpu.memory_space<vmem>>, vector<16xf32>,
        %get3A_248 = arith.index_cast %add3A_207 : i32 to index
        %get3A_249 = arith.constant 16 : index
        %get3A_250 = tpu.vector_load %arg19[%get3A_248, %get3A_249] {strides = array<i32>} : memref<80x128xf32, #tpu.memory_space<vmem>>, vector<16xf32>,
        %mul3A_251 = arith.mulf %get3A_247, %get3A_244 : vector<16xf32>
        %mul3A_252 = arith.mulf %mul3A_251, %get3A_250 : vector<16xf32>
        %add3A_253 = arith.addf %add3A_232, %mul3A_252 : vector<16xf32>
        %get3A_254 = arith.index_cast %add3A_207 : i32 to index
        %get3A_255 = arith.constant 16 : index
        %get3A_256 = tpu.vector_load %arg23[%get3A_254, %get3A_255] {strides = array<i32>} : memref<80x128xf32, #tpu.memory_space<vmem>>, vector<16xf32>,
        %get3A_257 = arith.index_cast %add3A_207 : i32 to index
        %get3A_258 = arith.constant 16 : index
        %get3A_259 = tpu.vector_load %arg21[%get3A_257, %get3A_258] {strides = array<i32>} : memref<80x128xf32, #tpu.memory_space<vmem>>, vector<16xf32>,
        %mul3A_260 = arith.mulf %get3A_256, %get3A_244 : vector<16xf32>
        %mul3A_261 = arith.mulf %mul3A_260, %get3A_259 : vector<16xf32>
        %add3A_262 = arith.addf %add3A_241, %mul3A_261 : vector<16xf32>
        %get3A_263 = arith.index_cast %add3A_207 : i32 to index
        %get3A_264 = arith.constant 32 : index
        %get3A_265 = tpu.vector_load %arg17[%get3A_263, %get3A_264] {strides = array<i32>} : memref<80x128xf32, #tpu.memory_space<vmem>>, vector<16xf32>,
        %get3A_266 = arith.index_cast %add3A_207 : i32 to index
        %get3A_267 = arith.constant 32 : index
        %get3A_268 = tpu.vector_load %arg22[%get3A_266, %get3A_267] {strides = array<i32>} : memref<80x128xf32, #tpu.memory_space<vmem>>, vector<16xf32>,
        %get3A_269 = arith.index_cast %add3A_207 : i32 to index
        %get3A_270 = arith.constant 32 : index
        %get3A_271 = tpu.vector_load %arg19[%get3A_269, %get3A_270] {strides = array<i32>} : memref<80x128xf32, #tpu.memory_space<vmem>>, vector<16xf32>,
        %mul3A_272 = arith.mulf %get3A_268, %get3A_265 : vector<16xf32>
        %mul3A_273 = arith.mulf %mul3A_272, %get3A_271 : vector<16xf32>
        %add3A_274 = arith.addf %add3A_253, %mul3A_273 : vector<16xf32>
        %get3A_275 = arith.index_cast %add3A_207 : i32 to index
        %get3A_276 = arith.constant 32 : index
        %get3A_277 = tpu.vector_load %arg23[%get3A_275, %get3A_276] {strides = array<i32>} : memref<80x128xf32, #tpu.memory_space<vmem>>, vector<16xf32>,
        %get3A_278 = arith.index_cast %add3A_207 : i32 to index
        %get3A_279 = arith.constant 32 : index
        %get3A_280 = tpu.vector_load %arg21[%get3A_278, %get3A_279] {strides = array<i32>} : memref<80x128xf32, #tpu.memory_space<vmem>>, vector<16xf32>,
        %mul3A_281 = arith.mulf %get3A_277, %get3A_265 : vector<16xf32>
        %mul3A_282 = arith.mulf %mul3A_281, %get3A_280 : vector<16xf32>
        %add3A_283 = arith.addf %add3A_262, %mul3A_282 : vector<16xf32>
        %get3A_284 = arith.index_cast %add3A_207 : i32 to index
        %get3A_285 = arith.constant 48 : index
        %get3A_286 = tpu.vector_load %arg17[%get3A_284, %get3A_285] {strides = array<i32>} : memref<80x128xf32, #tpu.memory_space<vmem>>, vector<16xf32>,
        %get3A_287 = arith.index_cast %add3A_207 : i32 to index
        %get3A_288 = arith.constant 48 : index
        %get3A_289 = tpu.vector_load %arg22[%get3A_287, %get3A_288] {strides = array<i32>} : memref<80x128xf32, #tpu.memory_space<vmem>>, vector<16xf32>,
        %get3A_290 = arith.index_cast %add3A_207 : i32 to index
        %get3A_291 = arith.constant 48 : index
        %get3A_292 = tpu.vector_load %arg19[%get3A_290, %get3A_291] {strides = array<i32>} : memref<80x128xf32, #tpu.memory_space<vmem>>, vector<16xf32>,
        %mul3A_293 = arith.mulf %get3A_289, %get3A_286 : vector<16xf32>
        %mul3A_294 = arith.mulf %mul3A_293, %get3A_292 : vector<16xf32>
        %add3A_295 = arith.addf %add3A_274, %mul3A_294 : vector<16xf32>
        %get3A_296 = arith.index_cast %add3A_207 : i32 to index
        %get3A_297 = arith.constant 48 : index
        %get3A_298 = tpu.vector_load %arg23[%get3A_296, %get3A_297] {strides = array<i32>} : memref<80x128xf32, #tpu.memory_space<vmem>>, vector<16xf32>,
        %get3A_299 = arith.index_cast %add3A_207 : i32 to index
        %get3A_300 = arith.constant 48 : index
        %get3A_301 = tpu.vector_load %arg21[%get3A_299, %get3A_300] {strides = array<i32>} : memref<80x128xf32, #tpu.memory_space<vmem>>, vector<16xf32>,
        %mul3A_302 = arith.mulf %get3A_298, %get3A_286 : vector<16xf32>
        %mul3A_303 = arith.mulf %mul3A_302, %get3A_301 : vector<16xf32>
        %add3A_304 = arith.addf %add3A_283, %mul3A_303 : vector<16xf32>
        %get3A_305 = arith.index_cast %add3A_207 : i32 to index
        %get3A_306 = arith.constant 64 : index
        %get3A_307 = tpu.vector_load %arg17[%get3A_305, %get3A_306] {strides = array<i32>} : memref<80x128xf32, #tpu.memory_space<vmem>>, vector<16xf32>,
        %get3A_308 = arith.index_cast %add3A_207 : i32 to index
        %get3A_309 = arith.constant 64 : index
        %get3A_310 = tpu.vector_load %arg22[%get3A_308, %get3A_309] {strides = array<i32>} : memref<80x128xf32, #tpu.memory_space<vmem>>, vector<16xf32>,
        %get3A_311 = arith.index_cast %add3A_207 : i32 to index
        %get3A_312 = arith.constant 64 : index
        %get3A_313 = tpu.vector_load %arg19[%get3A_311, %get3A_312] {strides = array<i32>} : memref<80x128xf32, #tpu.memory_space<vmem>>, vector<16xf32>,
        %mul3A_314 = arith.mulf %get3A_310, %get3A_307 : vector<16xf32>
        %mul3A_315 = arith.mulf %mul3A_314, %get3A_313 : vector<16xf32>
        %add3A_316 = arith.addf %add3A_295, %mul3A_315 : vector<16xf32>
        %get3A_317 = arith.index_cast %add3A_207 : i32 to index
        %get3A_318 = arith.constant 64 : index
        %get3A_319 = tpu.vector_load %arg23[%get3A_317, %get3A_318] {strides = array<i32>} : memref<80x128xf32, #tpu.memory_space<vmem>>, vector<16xf32>,
        %get3A_320 = arith.index_cast %add3A_207 : i32 to index
        %get3A_321 = arith.constant 64 : index
        %get3A_322 = tpu.vector_load %arg21[%get3A_320, %get3A_321] {strides = array<i32>} : memref<80x128xf32, #tpu.memory_space<vmem>>, vector<16xf32>,
        %mul3A_323 = arith.mulf %get3A_319, %get3A_307 : vector<16xf32>
        %mul3A_324 = arith.mulf %mul3A_323, %get3A_322 : vector<16xf32>
        %add3A_325 = arith.addf %add3A_304, %mul3A_324 : vector<16xf32>
        %get3A_326 = arith.index_cast %add3A_207 : i32 to index
        %get3A_327 = arith.constant 80 : index
        %get3A_328 = tpu.vector_load %arg17[%get3A_326, %get3A_327] {strides = array<i32>} : memref<80x128xf32, #tpu.memory_space<vmem>>, vector<16xf32>,
        %get3A_329 = arith.index_cast %add3A_207 : i32 to index
        %get3A_330 = arith.constant 80 : index
        %get3A_331 = tpu.vector_load %arg22[%get3A_329, %get3A_330] {strides = array<i32>} : memref<80x128xf32, #tpu.memory_space<vmem>>, vector<16xf32>,
        %get3A_332 = arith.index_cast %add3A_207 : i32 to index
        %get3A_333 = arith.constant 80 : index
        %get3A_334 = tpu.vector_load %arg19[%get3A_332, %get3A_333] {strides = array<i32>} : memref<80x128xf32, #tpu.memory_space<vmem>>, vector<16xf32>,
        %mul3A_335 = arith.mulf %get3A_331, %get3A_328 : vector<16xf32>
        %mul3A_336 = arith.mulf %mul3A_335, %get3A_334 : vector<16xf32>
        %add3A_337 = arith.addf %add3A_316, %mul3A_336 : vector<16xf32>
        %get3A_338 = arith.index_cast %add3A_207 : i32 to index
        %get3A_339 = arith.constant 80 : index
        %get3A_340 = tpu.vector_load %arg23[%get3A_338, %get3A_339] {strides = array<i32>} : memref<80x128xf32, #tpu.memory_space<vmem>>, vector<16xf32>,
        %get3A_341 = arith.index_cast %add3A_207 : i32 to index
        %get3A_342 = arith.constant 80 : index
        %get3A_343 = tpu.vector_load %arg21[%get3A_341, %get3A_342] {strides = array<i32>} : memref<80x128xf32, #tpu.memory_space<vmem>>, vector<16xf32>,
        %mul3A_344 = arith.mulf %get3A_340, %get3A_328 : vector<16xf32>
        %mul3A_345 = arith.mulf %mul3A_344, %get3A_343 : vector<16xf32>
        %add3A_346 = arith.addf %add3A_325, %mul3A_345 : vector<16xf32>
        %get3A_347 = arith.index_cast %add3A_207 : i32 to index
        %get3A_348 = arith.constant 96 : index
        %get3A_349 = tpu.vector_load %arg17[%get3A_347, %get3A_348] {strides = array<i32>} : memref<80x128xf32, #tpu.memory_space<vmem>>, vector<16xf32>,
        %get3A_350 = arith.index_cast %add3A_207 : i32 to index
        %get3A_351 = arith.constant 96 : index
        %get3A_352 = tpu.vector_load %arg22[%get3A_350, %get3A_351] {strides = array<i32>} : memref<80x128xf32, #tpu.memory_space<vmem>>, vector<16xf32>,
        %get3A_353 = arith.index_cast %add3A_207 : i32 to index
        %get3A_354 = arith.constant 96 : index
        %get3A_355 = tpu.vector_load %arg19[%get3A_353, %get3A_354] {strides = array<i32>} : memref<80x128xf32, #tpu.memory_space<vmem>>, vector<16xf32>,
        %mul3A_356 = arith.mulf %get3A_352, %get3A_349 : vector<16xf32>
        %mul3A_357 = arith.mulf %mul3A_356, %get3A_355 : vector<16xf32>
        %add3A_358 = arith.addf %add3A_337, %mul3A_357 : vector<16xf32>
        %get3A_359 = arith.index_cast %add3A_207 : i32 to index
        %get3A_360 = arith.constant 96 : index
        %get3A_361 = tpu.vector_load %arg23[%get3A_359, %get3A_360] {strides = array<i32>} : memref<80x128xf32, #tpu.memory_space<vmem>>, vector<16xf32>,
        %get3A_362 = arith.index_cast %add3A_207 : i32 to index
        %get3A_363 = arith.constant 96 : index
        %get3A_364 = tpu.vector_load %arg21[%get3A_362, %get3A_363] {strides = array<i32>} : memref<80x128xf32, #tpu.memory_space<vmem>>, vector<16xf32>,
        %mul3A_365 = arith.mulf %get3A_361, %get3A_349 : vector<16xf32>
        %mul3A_366 = arith.mulf %mul3A_365, %get3A_364 : vector<16xf32>
        %add3A_367 = arith.addf %add3A_346, %mul3A_366 : vector<16xf32>
        %get3A_368 = arith.index_cast %add3A_207 : i32 to index
        %get3A_369 = arith.constant 112 : index
        %get3A_370 = tpu.vector_load %arg17[%get3A_368, %get3A_369] {strides = array<i32>} : memref<80x128xf32, #tpu.memory_space<vmem>>, vector<16xf32>,
        %get3A_371 = arith.index_cast %add3A_207 : i32 to index
        %get3A_372 = arith.constant 112 : index
        %get3A_373 = tpu.vector_load %arg22[%get3A_371, %get3A_372] {strides = array<i32>} : memref<80x128xf32, #tpu.memory_space<vmem>>, vector<16xf32>,
        %get3A_374 = arith.index_cast %add3A_207 : i32 to index
        %get3A_375 = arith.constant 112 : index
        %get3A_376 = tpu.vector_load %arg19[%get3A_374, %get3A_375] {strides = array<i32>} : memref<80x128xf32, #tpu.memory_space<vmem>>, vector<16xf32>,
        %mul3A_377 = arith.mulf %get3A_373, %get3A_370 : vector<16xf32>
        %mul3A_378 = arith.mulf %mul3A_377, %get3A_376 : vector<16xf32>
        %add3A_379 = arith.addf %add3A_358, %mul3A_378 : vector<16xf32>
        %get3A_380 = arith.index_cast %add3A_207 : i32 to index
        %get3A_381 = arith.constant 112 : index
        %get3A_382 = tpu.vector_load %arg23[%get3A_380, %get3A_381] {strides = array<i32>} : memref<80x128xf32, #tpu.memory_space<vmem>>, vector<16xf32>,
        %get3A_383 = arith.index_cast %add3A_207 : i32 to index
        %get3A_384 = arith.constant 112 : index
        %get3A_385 = tpu.vector_load %arg21[%get3A_383, %get3A_384] {strides = array<i32>} : memref<80x128xf32, #tpu.memory_space<vmem>>, vector<16xf32>,
        %mul3A_386 = arith.mulf %get3A_382, %get3A_370 : vector<16xf32>
        %mul3A_387 = arith.mulf %mul3A_386, %get3A_385 : vector<16xf32>
        %add3A_388 = arith.addf %add3A_367, %mul3A_387 : vector<16xf32>
        %reduce_sum3A = arith.constant true
        %reduce_sum3A_389 = vector.broadcast %reduce_sum3A : i1 to vector<16xi1>
        %reduce_sum3A_390 = tpu.scan <sum>, %add3A_379 masked %reduce_sum3A_389 : vector<16xf32>, vector<16xi1> -> vector<16xf32>
        %reduce_sum3A_391 = vector.extract %reduce_sum3A_390[15] : f32 from vector<16xf32>
        %reduce_sum3A_392 = arith.constant true
        %reduce_sum3A_393 = vector.broadcast %reduce_sum3A_392 : i1 to vector<16xi1>
        %reduce_sum3A_394 = tpu.scan <sum>, %add3A_388 masked %reduce_sum3A_393 : vector<16xf32>, vector<16xi1> -> vector<16xf32>
        %reduce_sum3A_395 = vector.extract %reduce_sum3A_394[15] : f32 from vector<16xf32>
        %get3A_396 = arith.index_cast %add3A_207 : i32 to index
        %get3A_397 = arith.constant 0 : index
        %get3A_398 = tpu.vector_load %arg20[%get3A_396, %get3A_397] {strides = array<i32>} : memref<80x128xf32, #tpu.memory_space<vmem>>, vector<16xf32>,
        %select_n3A_399 = arith.select %ne3A_218, %broadcast_in_dim3A_81, %scan3A_195 : vector<16xf32>
        %mul3A_400 = vector.broadcast %reduce_sum3A_391 : f32 to vector<16xf32>
        %mul3A_401 = arith.mulf %mul3A_400, %get3A_398 : vector<16xf32>
        %add3A_402 = arith.addf %select_n3A_399, %mul3A_401 : vector<16xf32>
        %get3A_403 = arith.index_cast %add3A_207 : i32 to index
        %get3A_404 = arith.constant 16 : index
        %get3A_405 = tpu.vector_load %arg20[%get3A_403, %get3A_404] {strides = array<i32>} : memref<80x128xf32, #tpu.memory_space<vmem>>, vector<16xf32>,
        %select_n3A_406 = arith.select %ne3A_218, %broadcast_in_dim3A_81, %scan3A_196 : vector<16xf32>
        %mul3A_407 = vector.broadcast %reduce_sum3A_391 : f32 to vector<16xf32>
        %mul3A_408 = arith.mulf %mul3A_407, %get3A_405 : vector<16xf32>
        %add3A_409 = arith.addf %select_n3A_406, %mul3A_408 : vector<16xf32>
        %get3A_410 = arith.index_cast %add3A_207 : i32 to index
        %get3A_411 = arith.constant 32 : index
        %get3A_412 = tpu.vector_load %arg20[%get3A_410, %get3A_411] {strides = array<i32>} : memref<80x128xf32, #tpu.memory_space<vmem>>, vector<16xf32>,
        %select_n3A_413 = arith.select %ne3A_218, %broadcast_in_dim3A_81, %scan3A_197 : vector<16xf32>
        %mul3A_414 = vector.broadcast %reduce_sum3A_391 : f32 to vector<16xf32>
        %mul3A_415 = arith.mulf %mul3A_414, %get3A_412 : vector<16xf32>
        %add3A_416 = arith.addf %select_n3A_413, %mul3A_415 : vector<16xf32>
        %get3A_417 = arith.index_cast %add3A_207 : i32 to index
        %get3A_418 = arith.constant 48 : index
        %get3A_419 = tpu.vector_load %arg20[%get3A_417, %get3A_418] {strides = array<i32>} : memref<80x128xf32, #tpu.memory_space<vmem>>, vector<16xf32>,
        %select_n3A_420 = arith.select %ne3A_218, %broadcast_in_dim3A_81, %scan3A_198 : vector<16xf32>
        %mul3A_421 = vector.broadcast %reduce_sum3A_391 : f32 to vector<16xf32>
        %mul3A_422 = arith.mulf %mul3A_421, %get3A_419 : vector<16xf32>
        %add3A_423 = arith.addf %select_n3A_420, %mul3A_422 : vector<16xf32>
        %get3A_424 = arith.index_cast %add3A_207 : i32 to index
        %get3A_425 = arith.constant 64 : index
        %get3A_426 = tpu.vector_load %arg20[%get3A_424, %get3A_425] {strides = array<i32>} : memref<80x128xf32, #tpu.memory_space<vmem>>, vector<16xf32>,
        %select_n3A_427 = arith.select %ne3A_218, %broadcast_in_dim3A_81, %scan3A_199 : vector<16xf32>
        %mul3A_428 = vector.broadcast %reduce_sum3A_391 : f32 to vector<16xf32>
        %mul3A_429 = arith.mulf %mul3A_428, %get3A_426 : vector<16xf32>
        %add3A_430 = arith.addf %select_n3A_427, %mul3A_429 : vector<16xf32>
        %get3A_431 = arith.index_cast %add3A_207 : i32 to index
        %get3A_432 = arith.constant 80 : index
        %get3A_433 = tpu.vector_load %arg20[%get3A_431, %get3A_432] {strides = array<i32>} : memref<80x128xf32, #tpu.memory_space<vmem>>, vector<16xf32>,
        %select_n3A_434 = arith.select %ne3A_218, %broadcast_in_dim3A_81, %scan3A_200 : vector<16xf32>
        %mul3A_435 = vector.broadcast %reduce_sum3A_391 : f32 to vector<16xf32>
        %mul3A_436 = arith.mulf %mul3A_435, %get3A_433 : vector<16xf32>
        %add3A_437 = arith.addf %select_n3A_434, %mul3A_436 : vector<16xf32>
        %get3A_438 = arith.index_cast %add3A_207 : i32 to index
        %get3A_439 = arith.constant 96 : index
        %get3A_440 = tpu.vector_load %arg20[%get3A_438, %get3A_439] {strides = array<i32>} : memref<80x128xf32, #tpu.memory_space<vmem>>, vector<16xf32>,
        %select_n3A_441 = arith.select %ne3A_218, %broadcast_in_dim3A_81, %scan3A_201 : vector<16xf32>
        %mul3A_442 = vector.broadcast %reduce_sum3A_391 : f32 to vector<16xf32>
        %mul3A_443 = arith.mulf %mul3A_442, %get3A_440 : vector<16xf32>
        %add3A_444 = arith.addf %select_n3A_441, %mul3A_443 : vector<16xf32>
        %get3A_445 = arith.index_cast %add3A_207 : i32 to index
        %get3A_446 = arith.constant 112 : index
        %get3A_447 = tpu.vector_load %arg20[%get3A_445, %get3A_446] {strides = array<i32>} : memref<80x128xf32, #tpu.memory_space<vmem>>, vector<16xf32>,
        %select_n3A_448 = arith.select %ne3A_218, %broadcast_in_dim3A_81, %scan3A_202 : vector<16xf32>
        %mul3A_449 = vector.broadcast %reduce_sum3A_391 : f32 to vector<16xf32>
        %mul3A_450 = arith.mulf %mul3A_449, %get3A_447 : vector<16xf32>
        %add3A_451 = arith.addf %select_n3A_448, %mul3A_450 : vector<16xf32>
        %select_n3A_452 = arith.select %ne3A_218, %broadcast_in_dim3A_81, %scan3A_203 : vector<16xf32>
        %get3A_453 = arith.index_cast %add3A_207 : i32 to index
        %get3A_454 = arith.constant 0 : index
        %get3A_455 = tpu.vector_load %arg18[%get3A_453, %get3A_454] {strides = array<i32>} : memref<80x16xf32, #tpu.memory_space<vmem>>, vector<16xf32>,
        %mul3A_456 = vector.broadcast %reduce_sum3A_395 : f32 to vector<16xf32>
        %mul3A_457 = arith.mulf %mul3A_456, %get3A_455 : vector<16xf32>
        %add3A_458 = arith.addf %select_n3A_452, %mul3A_457 : vector<16xf32>
        %select_n3A_459 = arith.select %ne3A_218, %reduce_max3A_217, %scan3A_193 : i32
        %convert_element_type3A_460 = arith.extui %ne3A_218 : i1 to i32
        %add3A_461 = arith.addi %scan3A_194, %convert_element_type3A_460 : i32
        scf.yield %select_n3A_459, %add3A_461, %add3A_402, %add3A_409, %add3A_416, %add3A_423, %add3A_430, %add3A_437, %add3A_444, %add3A_451, %add3A_458 : i32, i32, vector<16xf32>, vector<16xf32>, vector<16xf32>, vector<16xf32>, vector<16xf32>, vector<16xf32>, vector<16xf32>, vector<16xf32>, vector<16xf32>
      }
      %scan3A_191 = arith.constant 80 : i32
      scf.yield %scan3A_190#0, %scan3A_190#1, %scan3A_190#2, %scan3A_190#3, %scan3A_190#4, %scan3A_190#5, %scan3A_190#6, %scan3A_190#7, %scan3A_190#8, %scan3A_190#9, %scan3A_190#10 : i32, i32, vector<16xf32>, vector<16xf32>, vector<16xf32>, vector<16xf32>, vector<16xf32>, vector<16xf32>, vector<16xf32>, vector<16xf32>, vector<16xf32>
    }
    %scan3A_87 = arith.constant 125 : i32
    %swap3A_88 = arith.constant 0 : i32
    %swap3A_89 = arith.index_cast %swap3A_88 : i32 to index
    %swap3A_90 = arith.constant 0 : index
    %swap3A_91 = tpu.vector_load %arg24[%swap3A_89, %swap3A_90] {strides = array<i32>} : memref<16x144xf32, #tpu.memory_space<vmem>>, vector<16xf32>,
    tpu.vector_store %arg24[%swap3A_89, %swap3A_90], %scan3A_86#2 {strides = array<i32>} : memref<16x144xf32, #tpu.memory_space<vmem>>, vector<16xf32>,
    %swap3A_92 = arith.constant 0 : i32
    %swap3A_93 = arith.index_cast %swap3A_92 : i32 to index
    %swap3A_94 = arith.constant 16 : index
    %swap3A_95 = tpu.vector_load %arg24[%swap3A_93, %swap3A_94] {strides = array<i32>} : memref<16x144xf32, #tpu.memory_space<vmem>>, vector<16xf32>,
    tpu.vector_store %arg24[%swap3A_93, %swap3A_94], %scan3A_86#3 {strides = array<i32>} : memref<16x144xf32, #tpu.memory_space<vmem>>, vector<16xf32>,
    %swap3A_96 = arith.constant 0 : i32
    %swap3A_97 = arith.index_cast %swap3A_96 : i32 to index
    %swap3A_98 = arith.constant 32 : index
    %swap3A_99 = tpu.vector_load %arg24[%swap3A_97, %swap3A_98] {strides = array<i32>} : memref<16x144xf32, #tpu.memory_space<vmem>>, vector<16xf32>,
    tpu.vector_store %arg24[%swap3A_97, %swap3A_98], %scan3A_86#4 {strides = array<i32>} : memref<16x144xf32, #tpu.memory_space<vmem>>, vector<16xf32>,
    %swap3A_100 = arith.constant 0 : i32
    %swap3A_101 = arith.index_cast %swap3A_100 : i32 to index
    %swap3A_102 = arith.constant 48 : index
    %swap3A_103 = tpu.vector_load %arg24[%swap3A_101, %swap3A_102] {strides = array<i32>} : memref<16x144xf32, #tpu.memory_space<vmem>>, vector<16xf32>,
    tpu.vector_store %arg24[%swap3A_101, %swap3A_102], %scan3A_86#5 {strides = array<i32>} : memref<16x144xf32, #tpu.memory_space<vmem>>, vector<16xf32>,
    %swap3A_104 = arith.constant 0 : i32
    %swap3A_105 = arith.index_cast %swap3A_104 : i32 to index
    %swap3A_106 = arith.constant 64 : index
    %swap3A_107 = tpu.vector_load %arg24[%swap3A_105, %swap3A_106] {strides = array<i32>} : memref<16x144xf32, #tpu.memory_space<vmem>>, vector<16xf32>,
    tpu.vector_store %arg24[%swap3A_105, %swap3A_106], %scan3A_86#6 {strides = array<i32>} : memref<16x144xf32, #tpu.memory_space<vmem>>, vector<16xf32>,
    %swap3A_108 = arith.constant 0 : i32
    %swap3A_109 = arith.index_cast %swap3A_108 : i32 to index
    %swap3A_110 = arith.constant 80 : index
    %swap3A_111 = tpu.vector_load %arg24[%swap3A_109, %swap3A_110] {strides = array<i32>} : memref<16x144xf32, #tpu.memory_space<vmem>>, vector<16xf32>,
    tpu.vector_store %arg24[%swap3A_109, %swap3A_110], %scan3A_86#7 {strides = array<i32>} : memref<16x144xf32, #tpu.memory_space<vmem>>, vector<16xf32>,
    %swap3A_112 = arith.constant 0 : i32
    %swap3A_113 = arith.index_cast %swap3A_112 : i32 to index
    %swap3A_114 = arith.constant 96 : index
    %swap3A_115 = tpu.vector_load %arg24[%swap3A_113, %swap3A_114] {strides = array<i32>} : memref<16x144xf32, #tpu.memory_space<vmem>>, vector<16xf32>,
    tpu.vector_store %arg24[%swap3A_113, %swap3A_114], %scan3A_86#8 {strides = array<i32>} : memref<16x144xf32, #tpu.memory_space<vmem>>, vector<16xf32>,
    %swap3A_116 = arith.constant 0 : i32
    %swap3A_117 = arith.index_cast %swap3A_116 : i32 to index
    %swap3A_118 = arith.constant 112 : index
    %swap3A_119 = tpu.vector_load %arg24[%swap3A_117, %swap3A_118] {strides = array<i32>} : memref<16x144xf32, #tpu.memory_space<vmem>>, vector<16xf32>,
    tpu.vector_store %arg24[%swap3A_117, %swap3A_118], %scan3A_86#9 {strides = array<i32>} : memref<16x144xf32, #tpu.memory_space<vmem>>, vector<16xf32>,
    %swap3A_120 = arith.constant 0 : i32
    %swap3A_121 = arith.index_cast %swap3A_120 : i32 to index
    %swap3A_122 = arith.constant 128 : index
    %swap3A_123 = tpu.vector_load %arg24[%swap3A_121, %swap3A_122] {strides = array<i32>} : memref<16x144xf32, #tpu.memory_space<vmem>>, vector<16xf32>,
    tpu.vector_store %arg24[%swap3A_121, %swap3A_122], %scan3A_86#10 {strides = array<i32>} : memref<16x144xf32, #tpu.memory_space<vmem>>, vector<16xf32>,
    %eq3A_124 = arith.constant 0 : i32
    %eq3A_125 = arith.cmpi eq, %scan3A_86#1, %eq3A_124 : i32
    %not3A = arith.constant true
    %not3A_126 = arith.xori %or3A, %not3A : i1
    %and3A = arith.andi %eq3A_125, %not3A_126 : i1
    %convert_element_type3A_127 = arith.extui %and3A : i1 to i32
    %cond3A_128 = arith.constant 0 : i32
    %cond3A_129 = arith.cmpi ne, %convert_element_type3A_127, %cond3A_128 : i32
    scf.if %cond3A_129 {
      "tpu.region"() ({
        %run_scoped3A = tpu.sem_alloc : memref<!tpu.dma_semaphore, #tpu.memory_space<semaphore_mem>>
        %dma_start3A = arith.constant 0 : i32
        %dma_start3A_138 = arith.constant 0 : i32
        %dma_start3A_139 = tpu.memref_slice %arg24[%dma_start3A, %dma_start3A_138] : memref<16x144xf32, #tpu.memory_space<vmem>> -> memref<1x144xf32, #tpu.memory_space<vmem>>
        %dma_start3A_140 = arith.constant 0 : i32
        %dma_start3A_141 = tpu.memref_slice %arg12[%add3A, %dma_start3A_140] : memref<32x144xf32, #tpu.memory_space<hbm>> -> memref<1x144xf32, #tpu.memory_space<hbm>>
        %dma_start3A_142 = arith.constant 0 : i32
        %dma_start3A_143 = tpu.memref_slice %arg12[%add3A, %dma_start3A_142] : memref<32x144xf32, #tpu.memory_space<hbm>> -> memref<1x144xf32, #tpu.memory_space<hbm>>
        %dma_start3A_144 = arith.constant 0 : i32
        %dma_start3A_145 = arith.constant 0 : i32
        %dma_start3A_146 = tpu.memref_slice %arg24[%dma_start3A_144, %dma_start3A_145] : memref<16x144xf32, #tpu.memory_space<vmem>> -> memref<1x144xf32, #tpu.memory_space<vmem>>
        tpu.enqueue_dma source(%dma_start3A_146 : memref<1x144xf32, #tpu.memory_space<vmem>>) target(%dma_start3A_143 : memref<1x144xf32, #tpu.memory_space<hbm>>) target_semaphore(%run_scoped3A : memref<!tpu.dma_semaphore, #tpu.memory_space<semaphore_mem>>)
        %dma_wait3A = arith.constant 0 : i32
        %dma_wait3A_147 = arith.constant 0 : i32
        %dma_wait3A_148 = tpu.memref_slice %arg24[%dma_wait3A, %dma_wait3A_147] : memref<16x144xf32, #tpu.memory_space<vmem>> -> memref<1x144xf32, #tpu.memory_space<vmem>>
        %dma_wait3A_149 = arith.constant 0 : i32
        %dma_wait3A_150 = tpu.memref_slice %arg12[%add3A, %dma_wait3A_149] : memref<32x144xf32, #tpu.memory_space<hbm>> -> memref<1x144xf32, #tpu.memory_space<hbm>>
        %dma_wait3A_151 = arith.constant 0 : i32
        %dma_wait3A_152 = tpu.memref_slice %arg12[%add3A, %dma_wait3A_151] : memref<32x144xf32, #tpu.memory_space<hbm>> -> memref<1x144xf32, #tpu.memory_space<hbm>>
        %dma_wait3A_153 = arith.constant 0 : i32
        %dma_wait3A_154 = arith.constant 0 : i32
        %dma_wait3A_155 = tpu.memref_slice %arg24[%dma_wait3A_153, %dma_wait3A_154] : memref<16x144xf32, #tpu.memory_space<vmem>> -> memref<1x144xf32, #tpu.memory_space<vmem>>
        tpu.wait_dma2 semaphore(%run_scoped3A : memref<!tpu.dma_semaphore, #tpu.memory_space<semaphore_mem>>) src(%dma_wait3A_155 : memref<1x144xf32, #tpu.memory_space<vmem>>) dst(%dma_wait3A_152 : memref<1x144xf32, #tpu.memory_space<hbm>>)
        tpu.yield
      }) : () -> ()
    } else {
    }
    %not3A_130 = arith.constant true
    %not3A_131 = arith.xori %and3A, %not3A_130 : i1
    %convert_element_type3A_132 = arith.extui %not3A_131 : i1 to i32
    %cond3A_133 = arith.constant 0 : i32
    %cond3A_134 = arith.cmpi ne, %convert_element_type3A_132, %cond3A_133 : i32
    scf.if %cond3A_134 {
      "tpu.region"() ({
        %run_scoped3A = tpu.sem_alloc : memref<!tpu.dma_semaphore, #tpu.memory_space<semaphore_mem>>
        %dma_start3A = arith.constant 0 : i32
        %dma_start3A_138 = arith.constant 0 : i32
        %dma_start3A_139 = tpu.memref_slice %arg24[%dma_start3A, %dma_start3A_138] : memref<16x144xf32, #tpu.memory_space<vmem>> -> memref<1x144xf32, #tpu.memory_space<vmem>>
        %dma_start3A_140 = arith.constant 0 : i32
        %dma_start3A_141 = tpu.memref_slice %arg11[%scan3A_86#0, %dma_start3A_140] : memref<10000x144xf32, #tpu.memory_space<hbm>> -> memref<1x144xf32, #tpu.memory_space<hbm>>
        %dma_start3A_142 = arith.constant 0 : i32
        %dma_start3A_143 = tpu.memref_slice %arg11[%scan3A_86#0, %dma_start3A_142] : memref<10000x144xf32, #tpu.memory_space<hbm>> -> memref<1x144xf32, #tpu.memory_space<hbm>>
        %dma_start3A_144 = arith.constant 0 : i32
        %dma_start3A_145 = arith.constant 0 : i32
        %dma_start3A_146 = tpu.memref_slice %arg24[%dma_start3A_144, %dma_start3A_145] : memref<16x144xf32, #tpu.memory_space<vmem>> -> memref<1x144xf32, #tpu.memory_space<vmem>>
        tpu.enqueue_dma source(%dma_start3A_146 : memref<1x144xf32, #tpu.memory_space<vmem>>) target(%dma_start3A_143 : memref<1x144xf32, #tpu.memory_space<hbm>>) target_semaphore(%run_scoped3A : memref<!tpu.dma_semaphore, #tpu.memory_space<semaphore_mem>>)
        %dma_wait3A = arith.constant 0 : i32
        %dma_wait3A_147 = arith.constant 0 : i32
        %dma_wait3A_148 = tpu.memref_slice %arg24[%dma_wait3A, %dma_wait3A_147] : memref<16x144xf32, #tpu.memory_space<vmem>> -> memref<1x144xf32, #tpu.memory_space<vmem>>
        %dma_wait3A_149 = arith.constant 0 : i32
        %dma_wait3A_150 = tpu.memref_slice %arg11[%scan3A_86#0, %dma_wait3A_149] : memref<10000x144xf32, #tpu.memory_space<hbm>> -> memref<1x144xf32, #tpu.memory_space<hbm>>
        %dma_wait3A_151 = arith.constant 0 : i32
        %dma_wait3A_152 = tpu.memref_slice %arg11[%scan3A_86#0, %dma_wait3A_151] : memref<10000x144xf32, #tpu.memory_space<hbm>> -> memref<1x144xf32, #tpu.memory_space<hbm>>
        %dma_wait3A_153 = arith.constant 0 : i32
        %dma_wait3A_154 = arith.constant 0 : i32
        %dma_wait3A_155 = tpu.memref_slice %arg24[%dma_wait3A_153, %dma_wait3A_154] : memref<16x144xf32, #tpu.memory_space<vmem>> -> memref<1x144xf32, #tpu.memory_space<vmem>>
        tpu.wait_dma2 semaphore(%run_scoped3A : memref<!tpu.dma_semaphore, #tpu.memory_space<semaphore_mem>>) src(%dma_wait3A_155 : memref<1x144xf32, #tpu.memory_space<vmem>>) dst(%dma_wait3A_152 : memref<1x144xf32, #tpu.memory_space<hbm>>)
        tpu.yield
      }) : () -> ()
    } else {
    }
    %convert_element_type3A_135 = arith.extui %or3A : i1 to i32
    %cond3A_136 = arith.constant 0 : i32
    %cond3A_137 = arith.cmpi ne, %convert_element_type3A_135, %cond3A_136 : i32
    scf.if %cond3A_137 {
      "tpu.region"() ({
        %run_scoped3A = tpu.sem_alloc : memref<!tpu.dma_semaphore, #tpu.memory_space<semaphore_mem>>
        %dma_start3A = arith.constant 0 : i32
        %dma_start3A_138 = tpu.memref_slice %arg12[%add3A, %dma_start3A] : memref<32x144xf32, #tpu.memory_space<hbm>> -> memref<1x144xf32, #tpu.memory_space<hbm>>
        %dma_start3A_139 = arith.constant 0 : i32
        %dma_start3A_140 = tpu.memref_slice %arg12[%add3A, %dma_start3A_139] : memref<32x144xf32, #tpu.memory_space<hbm>> -> memref<1x144xf32, #tpu.memory_space<hbm>>
        tpu.enqueue_dma source(%arg25 : memref<1x144xf32, #tpu.memory_space<vmem>>) target(%dma_start3A_140 : memref<1x144xf32, #tpu.memory_space<hbm>>) target_semaphore(%run_scoped3A : memref<!tpu.dma_semaphore, #tpu.memory_space<semaphore_mem>>)
        %dma_wait3A = arith.constant 0 : i32
        %dma_wait3A_141 = tpu.memref_slice %arg12[%add3A, %dma_wait3A] : memref<32x144xf32, #tpu.memory_space<hbm>> -> memref<1x144xf32, #tpu.memory_space<hbm>>
        %dma_wait3A_142 = arith.constant 0 : i32
        %dma_wait3A_143 = tpu.memref_slice %arg12[%add3A, %dma_wait3A_142] : memref<32x144xf32, #tpu.memory_space<hbm>> -> memref<1x144xf32, #tpu.memory_space<hbm>>
        tpu.wait_dma2 semaphore(%run_scoped3A : memref<!tpu.dma_semaphore, #tpu.memory_space<semaphore_mem>>) src(%arg25 : memref<1x144xf32, #tpu.memory_space<vmem>>) dst(%dma_wait3A_143 : memref<1x144xf32, #tpu.memory_space<hbm>>)
        tpu.yield
      }) : () -> ()
    } else {
    }
    return
  }
}

#map = affine_map<(d0, d1) -> (0, 0)>
#map1 = affine_map<(d0, d1) -> (0)>
module attributes {stable_mosaic.version = 14 : i64} {
  func.func @_mchi_body(%arg0: i32, %arg1: i32, %arg2: memref<10000x16xf32, #tpu.memory_space<hbm>>, %arg3: memref<320000xi32, #tpu.memory_space<hbm>>, %arg4: memref<320000xi32, #tpu.memory_space<hbm>>, %arg5: memref<320000x16xf32, #tpu.memory_space<hbm>>, %arg6: memref<400xi32, #tpu.memory_space<vmem>>, %arg7: memref<400xi32, #tpu.memory_space<vmem>>, %arg8: memref<400x16xf32, #tpu.memory_space<vmem>>, %arg9: memref<400x16xf32, #tpu.memory_space<vmem>>, %arg10: memref<400x16xf32, #tpu.memory_space<vmem>>, %arg11: memref<!tpu.dma_semaphore, #tpu.memory_space<semaphore_mem>>) attributes {dimension_semantics = [#tpu.dimension_semantics<core_parallel>, #tpu.dimension_semantics<subcore_parallel>], iteration_bounds = array<i64: 2, 16>, scalar_prefetch = 0 : i64, scratch_operands = 6 : i64, tpu.core_type = #tpu.core_type<sc_vector_subcore>, window_params = [{transform_indices = #map}, {transform_indices = #map1}, {transform_indices = #map1}, {transform_indices = #map}]} {
    %mul3A = arith.constant 16 : i32
    %mul3A_0 = arith.muli %arg0, %mul3A : i32
    %add3A = arith.addi %mul3A_0, %arg1 : i32
    %mul3A_1 = arith.constant 10000 : i32
    %mul3A_2 = arith.muli %add3A, %mul3A_1 : i32
    %scan3A = arith.constant 0 : i32
    %scan3A_3 = arith.constant 400 : i32
    %scan3A_4 = arith.addi %scan3A, %scan3A_3 : i32
    %scan3A_5 = arith.constant 1 : i32
    scf.for %scan3A_12 = %scan3A to %scan3A_4 step %scan3A_5  : i32 {
      %mul3A_13 = arith.constant 1 : i32
      %mul3A_14 = arith.muli %scan3A_12, %mul3A_13 : i32
      %add3A_15 = arith.constant 0 : i32
      %add3A_16 = arith.addi %add3A_15, %mul3A_14 : i32
      %broadcast_in_dim3A = arith.constant 0.000000e+00 : f32
      %broadcast_in_dim3A_17 = vector.broadcast %broadcast_in_dim3A : f32 to vector<16xf32>
      %swap3A = arith.index_cast %add3A_16 : i32 to index
      %swap3A_18 = arith.constant 0 : index
      %swap3A_19 = tpu.vector_load %arg10[%swap3A, %swap3A_18] {strides = array<i32>} : memref<400x16xf32, #tpu.memory_space<vmem>>, vector<16xf32>,
      tpu.vector_store %arg10[%swap3A, %swap3A_18], %broadcast_in_dim3A_17 {strides = array<i32>} : memref<400x16xf32, #tpu.memory_space<vmem>>, vector<16xf32>,
    }
    %scan3A_6 = arith.constant 400 : i32
    %scan3A_7 = arith.constant 0 : i32
    %scan3A_8 = arith.constant 25 : i32
    %scan3A_9 = arith.addi %scan3A_7, %scan3A_8 : i32
    %scan3A_10 = arith.constant 1 : i32
    scf.for %scan3A_12 = %scan3A_7 to %scan3A_9 step %scan3A_10  : i32 {
      %mul3A_13 = arith.constant 1 : i32
      %mul3A_14 = arith.muli %scan3A_12, %mul3A_13 : i32
      %add3A_15 = arith.constant 0 : i32
      %add3A_16 = arith.addi %add3A_15, %mul3A_14 : i32
      %mul3A_17 = arith.constant 400 : i32
      %mul3A_18 = arith.muli %add3A_16, %mul3A_17 : i32
      %add3A_19 = arith.addi %mul3A_2, %mul3A_18 : i32
      "tpu.region"() ({
        %run_scoped3A = tpu.sem_alloc : memref<!tpu.dma_semaphore, #tpu.memory_space<semaphore_mem>>
        %dma_start3A_35 = tpu.memref_slice %arg3[%add3A_19] : memref<320000xi32, #tpu.memory_space<hbm>> -> memref<400xi32, #tpu.memory_space<hbm>>
        %dma_start3A_36 = tpu.memref_slice %arg3[%add3A_19] : memref<320000xi32, #tpu.memory_space<hbm>> -> memref<400xi32, #tpu.memory_space<hbm>>
        tpu.enqueue_dma source(%dma_start3A_36 : memref<400xi32, #tpu.memory_space<hbm>>) target(%arg6 : memref<400xi32, #tpu.memory_space<vmem>>) target_semaphore(%run_scoped3A : memref<!tpu.dma_semaphore, #tpu.memory_space<semaphore_mem>>)
        %dma_wait3A_37 = tpu.memref_slice %arg3[%add3A_19] : memref<320000xi32, #tpu.memory_space<hbm>> -> memref<400xi32, #tpu.memory_space<hbm>>
        %dma_wait3A_38 = tpu.memref_slice %arg3[%add3A_19] : memref<320000xi32, #tpu.memory_space<hbm>> -> memref<400xi32, #tpu.memory_space<hbm>>
        tpu.wait_dma2 semaphore(%run_scoped3A : memref<!tpu.dma_semaphore, #tpu.memory_space<semaphore_mem>>) src(%dma_wait3A_38 : memref<400xi32, #tpu.memory_space<hbm>>) dst(%arg6 : memref<400xi32, #tpu.memory_space<vmem>>)
        tpu.yield
      }) : () -> ()
      "tpu.region"() ({
        %run_scoped3A = tpu.sem_alloc : memref<!tpu.dma_semaphore, #tpu.memory_space<semaphore_mem>>
        %dma_start3A_35 = tpu.memref_slice %arg4[%add3A_19] : memref<320000xi32, #tpu.memory_space<hbm>> -> memref<400xi32, #tpu.memory_space<hbm>>
        %dma_start3A_36 = tpu.memref_slice %arg4[%add3A_19] : memref<320000xi32, #tpu.memory_space<hbm>> -> memref<400xi32, #tpu.memory_space<hbm>>
        tpu.enqueue_dma source(%dma_start3A_36 : memref<400xi32, #tpu.memory_space<hbm>>) target(%arg7 : memref<400xi32, #tpu.memory_space<vmem>>) target_semaphore(%run_scoped3A : memref<!tpu.dma_semaphore, #tpu.memory_space<semaphore_mem>>)
        %dma_wait3A_37 = tpu.memref_slice %arg4[%add3A_19] : memref<320000xi32, #tpu.memory_space<hbm>> -> memref<400xi32, #tpu.memory_space<hbm>>
        %dma_wait3A_38 = tpu.memref_slice %arg4[%add3A_19] : memref<320000xi32, #tpu.memory_space<hbm>> -> memref<400xi32, #tpu.memory_space<hbm>>
        tpu.wait_dma2 semaphore(%run_scoped3A : memref<!tpu.dma_semaphore, #tpu.memory_space<semaphore_mem>>) src(%dma_wait3A_38 : memref<400xi32, #tpu.memory_space<hbm>>) dst(%arg7 : memref<400xi32, #tpu.memory_space<vmem>>)
        tpu.yield
      }) : () -> ()
      %dma_start3A = arith.constant 0 : i32
      %dma_start3A_20 = arith.constant 0 : i32
      %dma_start3A_21 = tpu.memref_slice %arg2[%dma_start3A, %dma_start3A_20] : memref<10000x16xf32, #tpu.memory_space<hbm>> -> memref<10000x16xf32, #tpu.memory_space<hbm>>
      tpu.enqueue_indirect_dma source(%dma_start3A_21 : memref<10000x16xf32, #tpu.memory_space<hbm>>) target(%arg8 : memref<400x16xf32, #tpu.memory_space<vmem>>) offsets(%arg6 : memref<400xi32, #tpu.memory_space<vmem>>) semaphore(%arg11 : memref<!tpu.dma_semaphore, #tpu.memory_space<semaphore_mem>>)
      %dma_wait3A = arith.constant 0 : i32
      %dma_wait3A_22 = arith.constant 0 : i32
      %dma_wait3A_23 = tpu.memref_slice %arg2[%dma_wait3A, %dma_wait3A_22] : memref<10000x16xf32, #tpu.memory_space<hbm>> -> memref<10000x16xf32, #tpu.memory_space<hbm>>
      tpu.wait_indirect_dma semaphore(%arg11 : memref<!tpu.dma_semaphore, #tpu.memory_space<semaphore_mem>>) src(%dma_wait3A_23 : memref<10000x16xf32, #tpu.memory_space<hbm>>) dst(%arg8 : memref<400x16xf32, #tpu.memory_space<vmem>>)
      %dma_start3A_24 = arith.constant 0 : i32
      %dma_start3A_25 = arith.constant 0 : i32
      %dma_start3A_26 = tpu.memref_slice %arg2[%dma_start3A_24, %dma_start3A_25] : memref<10000x16xf32, #tpu.memory_space<hbm>> -> memref<10000x16xf32, #tpu.memory_space<hbm>>
      tpu.enqueue_indirect_dma source(%dma_start3A_26 : memref<10000x16xf32, #tpu.memory_space<hbm>>) target(%arg9 : memref<400x16xf32, #tpu.memory_space<vmem>>) offsets(%arg7 : memref<400xi32, #tpu.memory_space<vmem>>) semaphore(%arg11 : memref<!tpu.dma_semaphore, #tpu.memory_space<semaphore_mem>>)
      %dma_wait3A_27 = arith.constant 0 : i32
      %dma_wait3A_28 = arith.constant 0 : i32
      %dma_wait3A_29 = tpu.memref_slice %arg2[%dma_wait3A_27, %dma_wait3A_28] : memref<10000x16xf32, #tpu.memory_space<hbm>> -> memref<10000x16xf32, #tpu.memory_space<hbm>>
      tpu.wait_indirect_dma semaphore(%arg11 : memref<!tpu.dma_semaphore, #tpu.memory_space<semaphore_mem>>) src(%dma_wait3A_29 : memref<10000x16xf32, #tpu.memory_space<hbm>>) dst(%arg9 : memref<400x16xf32, #tpu.memory_space<vmem>>)
      %scan3A_30 = arith.constant 0 : i32
      %scan3A_31 = arith.constant 25 : i32
      %scan3A_32 = arith.addi %scan3A_30, %scan3A_31 : i32
      %scan3A_33 = arith.constant 1 : i32
      scf.for %scan3A_35 = %scan3A_30 to %scan3A_32 step %scan3A_33  : i32 {
        %mul3A_36 = arith.constant 16 : i32
        %mul3A_37 = arith.muli %scan3A_35, %mul3A_36 : i32
        %add3A_38 = arith.constant 0 : i32
        %add3A_39 = arith.addi %add3A_38, %mul3A_37 : i32
        %iota3A = tpu.iota {dimensions = array<i32: 0>} : vector<16xi32>
        %add3A_40 = vector.broadcast %add3A_39 : i32 to vector<16xi32>
        %add3A_41 = arith.addi %add3A_40, %iota3A : vector<16xi32>
        %broadcast_in_dim3A = arith.constant 0.000000e+00 : f32
        %broadcast_in_dim3A_42 = vector.broadcast %broadcast_in_dim3A : f32 to vector<16xf32>
        %broadcast_in_dim3A_43 = arith.constant 0 : i32
        %broadcast_in_dim3A_44 = vector.broadcast %broadcast_in_dim3A_43 : i32 to vector<16xi32>
        %gather3A = tpu.vector_load_idx %arg8[%add3A_41, %broadcast_in_dim3A_44] : memref<400x16xf32, #tpu.memory_space<vmem>>[vector<16xi32>, vector<16xi32>], vector<16xf32>,
        %gather3A_45 = tpu.vector_load_idx %arg9[%add3A_41, %broadcast_in_dim3A_44] : memref<400x16xf32, #tpu.memory_space<vmem>>[vector<16xi32>, vector<16xi32>], vector<16xf32>,
        %mul3A_46 = arith.mulf %gather3A, %gather3A_45 : vector<16xf32>
        %add3A_47 = arith.addf %broadcast_in_dim3A_42, %mul3A_46 : vector<16xf32>
        %broadcast_in_dim3A_48 = arith.constant 1 : i32
        %broadcast_in_dim3A_49 = vector.broadcast %broadcast_in_dim3A_48 : i32 to vector<16xi32>
        %gather3A_50 = tpu.vector_load_idx %arg8[%add3A_41, %broadcast_in_dim3A_49] : memref<400x16xf32, #tpu.memory_space<vmem>>[vector<16xi32>, vector<16xi32>], vector<16xf32>,
        %gather3A_51 = tpu.vector_load_idx %arg9[%add3A_41, %broadcast_in_dim3A_49] : memref<400x16xf32, #tpu.memory_space<vmem>>[vector<16xi32>, vector<16xi32>], vector<16xf32>,
        %mul3A_52 = arith.mulf %gather3A_50, %gather3A_51 : vector<16xf32>
        %add3A_53 = arith.addf %add3A_47, %mul3A_52 : vector<16xf32>
        %broadcast_in_dim3A_54 = arith.constant 2 : i32
        %broadcast_in_dim3A_55 = vector.broadcast %broadcast_in_dim3A_54 : i32 to vector<16xi32>
        %gather3A_56 = tpu.vector_load_idx %arg8[%add3A_41, %broadcast_in_dim3A_55] : memref<400x16xf32, #tpu.memory_space<vmem>>[vector<16xi32>, vector<16xi32>], vector<16xf32>,
        %gather3A_57 = tpu.vector_load_idx %arg9[%add3A_41, %broadcast_in_dim3A_55] : memref<400x16xf32, #tpu.memory_space<vmem>>[vector<16xi32>, vector<16xi32>], vector<16xf32>,
        %mul3A_58 = arith.mulf %gather3A_56, %gather3A_57 : vector<16xf32>
        %add3A_59 = arith.addf %add3A_53, %mul3A_58 : vector<16xf32>
        %broadcast_in_dim3A_60 = arith.constant 0.000000e+00 : f32
        %broadcast_in_dim3A_61 = vector.broadcast %broadcast_in_dim3A_60 : f32 to vector<16xf32>
        %broadcast_in_dim3A_62 = arith.constant 3 : i32
        %broadcast_in_dim3A_63 = vector.broadcast %broadcast_in_dim3A_62 : i32 to vector<16xi32>
        %gather3A_64 = tpu.vector_load_idx %arg8[%add3A_41, %broadcast_in_dim3A_63] : memref<400x16xf32, #tpu.memory_space<vmem>>[vector<16xi32>, vector<16xi32>], vector<16xf32>,
        %gather3A_65 = tpu.vector_load_idx %arg9[%add3A_41, %broadcast_in_dim3A_63] : memref<400x16xf32, #tpu.memory_space<vmem>>[vector<16xi32>, vector<16xi32>], vector<16xf32>,
        %mul3A_66 = arith.mulf %gather3A_64, %gather3A_65 : vector<16xf32>
        %add3A_67 = arith.addf %broadcast_in_dim3A_61, %mul3A_66 : vector<16xf32>
        %broadcast_in_dim3A_68 = arith.constant 4 : i32
        %broadcast_in_dim3A_69 = vector.broadcast %broadcast_in_dim3A_68 : i32 to vector<16xi32>
        %gather3A_70 = tpu.vector_load_idx %arg8[%add3A_41, %broadcast_in_dim3A_69] : memref<400x16xf32, #tpu.memory_space<vmem>>[vector<16xi32>, vector<16xi32>], vector<16xf32>,
        %gather3A_71 = tpu.vector_load_idx %arg9[%add3A_41, %broadcast_in_dim3A_69] : memref<400x16xf32, #tpu.memory_space<vmem>>[vector<16xi32>, vector<16xi32>], vector<16xf32>,
        %mul3A_72 = arith.mulf %gather3A_70, %gather3A_71 : vector<16xf32>
        %add3A_73 = arith.addf %add3A_67, %mul3A_72 : vector<16xf32>
        %broadcast_in_dim3A_74 = arith.constant 5 : i32
        %broadcast_in_dim3A_75 = vector.broadcast %broadcast_in_dim3A_74 : i32 to vector<16xi32>
        %gather3A_76 = tpu.vector_load_idx %arg8[%add3A_41, %broadcast_in_dim3A_75] : memref<400x16xf32, #tpu.memory_space<vmem>>[vector<16xi32>, vector<16xi32>], vector<16xf32>,
        %gather3A_77 = tpu.vector_load_idx %arg9[%add3A_41, %broadcast_in_dim3A_75] : memref<400x16xf32, #tpu.memory_space<vmem>>[vector<16xi32>, vector<16xi32>], vector<16xf32>,
        %mul3A_78 = arith.mulf %gather3A_76, %gather3A_77 : vector<16xf32>
        %add3A_79 = arith.addf %add3A_73, %mul3A_78 : vector<16xf32>
        %broadcast_in_dim3A_80 = arith.constant 6 : i32
        %broadcast_in_dim3A_81 = vector.broadcast %broadcast_in_dim3A_80 : i32 to vector<16xi32>
        %gather3A_82 = tpu.vector_load_idx %arg8[%add3A_41, %broadcast_in_dim3A_81] : memref<400x16xf32, #tpu.memory_space<vmem>>[vector<16xi32>, vector<16xi32>], vector<16xf32>,
        %gather3A_83 = tpu.vector_load_idx %arg9[%add3A_41, %broadcast_in_dim3A_81] : memref<400x16xf32, #tpu.memory_space<vmem>>[vector<16xi32>, vector<16xi32>], vector<16xf32>,
        %mul3A_84 = arith.mulf %gather3A_82, %gather3A_83 : vector<16xf32>
        %add3A_85 = arith.addf %add3A_79, %mul3A_84 : vector<16xf32>
        %broadcast_in_dim3A_86 = arith.constant 7 : i32
        %broadcast_in_dim3A_87 = vector.broadcast %broadcast_in_dim3A_86 : i32 to vector<16xi32>
        %gather3A_88 = tpu.vector_load_idx %arg8[%add3A_41, %broadcast_in_dim3A_87] : memref<400x16xf32, #tpu.memory_space<vmem>>[vector<16xi32>, vector<16xi32>], vector<16xf32>,
        %gather3A_89 = tpu.vector_load_idx %arg9[%add3A_41, %broadcast_in_dim3A_87] : memref<400x16xf32, #tpu.memory_space<vmem>>[vector<16xi32>, vector<16xi32>], vector<16xf32>,
        %mul3A_90 = arith.mulf %gather3A_88, %gather3A_89 : vector<16xf32>
        %add3A_91 = arith.addf %add3A_85, %mul3A_90 : vector<16xf32>
        %broadcast_in_dim3A_92 = arith.constant 0.000000e+00 : f32
        %broadcast_in_dim3A_93 = vector.broadcast %broadcast_in_dim3A_92 : f32 to vector<16xf32>
        %broadcast_in_dim3A_94 = arith.constant 8 : i32
        %broadcast_in_dim3A_95 = vector.broadcast %broadcast_in_dim3A_94 : i32 to vector<16xi32>
        %gather3A_96 = tpu.vector_load_idx %arg8[%add3A_41, %broadcast_in_dim3A_95] : memref<400x16xf32, #tpu.memory_space<vmem>>[vector<16xi32>, vector<16xi32>], vector<16xf32>,
        %gather3A_97 = tpu.vector_load_idx %arg9[%add3A_41, %broadcast_in_dim3A_95] : memref<400x16xf32, #tpu.memory_space<vmem>>[vector<16xi32>, vector<16xi32>], vector<16xf32>,
        %mul3A_98 = arith.mulf %gather3A_96, %gather3A_97 : vector<16xf32>
        %add3A_99 = arith.addf %broadcast_in_dim3A_93, %mul3A_98 : vector<16xf32>
        %broadcast_in_dim3A_100 = arith.constant 9 : i32
        %broadcast_in_dim3A_101 = vector.broadcast %broadcast_in_dim3A_100 : i32 to vector<16xi32>
        %gather3A_102 = tpu.vector_load_idx %arg8[%add3A_41, %broadcast_in_dim3A_101] : memref<400x16xf32, #tpu.memory_space<vmem>>[vector<16xi32>, vector<16xi32>], vector<16xf32>,
        %gather3A_103 = tpu.vector_load_idx %arg9[%add3A_41, %broadcast_in_dim3A_101] : memref<400x16xf32, #tpu.memory_space<vmem>>[vector<16xi32>, vector<16xi32>], vector<16xf32>,
        %mul3A_104 = arith.mulf %gather3A_102, %gather3A_103 : vector<16xf32>
        %add3A_105 = arith.addf %add3A_99, %mul3A_104 : vector<16xf32>
        %broadcast_in_dim3A_106 = arith.constant 10 : i32
        %broadcast_in_dim3A_107 = vector.broadcast %broadcast_in_dim3A_106 : i32 to vector<16xi32>
        %gather3A_108 = tpu.vector_load_idx %arg8[%add3A_41, %broadcast_in_dim3A_107] : memref<400x16xf32, #tpu.memory_space<vmem>>[vector<16xi32>, vector<16xi32>], vector<16xf32>,
        %gather3A_109 = tpu.vector_load_idx %arg9[%add3A_41, %broadcast_in_dim3A_107] : memref<400x16xf32, #tpu.memory_space<vmem>>[vector<16xi32>, vector<16xi32>], vector<16xf32>,
        %mul3A_110 = arith.mulf %gather3A_108, %gather3A_109 : vector<16xf32>
        %add3A_111 = arith.addf %add3A_105, %mul3A_110 : vector<16xf32>
        %broadcast_in_dim3A_112 = arith.constant 11 : i32
        %broadcast_in_dim3A_113 = vector.broadcast %broadcast_in_dim3A_112 : i32 to vector<16xi32>
        %gather3A_114 = tpu.vector_load_idx %arg8[%add3A_41, %broadcast_in_dim3A_113] : memref<400x16xf32, #tpu.memory_space<vmem>>[vector<16xi32>, vector<16xi32>], vector<16xf32>,
        %gather3A_115 = tpu.vector_load_idx %arg9[%add3A_41, %broadcast_in_dim3A_113] : memref<400x16xf32, #tpu.memory_space<vmem>>[vector<16xi32>, vector<16xi32>], vector<16xf32>,
        %mul3A_116 = arith.mulf %gather3A_114, %gather3A_115 : vector<16xf32>
        %add3A_117 = arith.addf %add3A_111, %mul3A_116 : vector<16xf32>
        %broadcast_in_dim3A_118 = arith.constant 12 : i32
        %broadcast_in_dim3A_119 = vector.broadcast %broadcast_in_dim3A_118 : i32 to vector<16xi32>
        %gather3A_120 = tpu.vector_load_idx %arg8[%add3A_41, %broadcast_in_dim3A_119] : memref<400x16xf32, #tpu.memory_space<vmem>>[vector<16xi32>, vector<16xi32>], vector<16xf32>,
        %gather3A_121 = tpu.vector_load_idx %arg9[%add3A_41, %broadcast_in_dim3A_119] : memref<400x16xf32, #tpu.memory_space<vmem>>[vector<16xi32>, vector<16xi32>], vector<16xf32>,
        %mul3A_122 = arith.mulf %gather3A_120, %gather3A_121 : vector<16xf32>
        %add3A_123 = arith.addf %add3A_117, %mul3A_122 : vector<16xf32>
        %broadcast_in_dim3A_124 = arith.constant 13 : i32
        %broadcast_in_dim3A_125 = vector.broadcast %broadcast_in_dim3A_124 : i32 to vector<16xi32>
        %gather3A_126 = tpu.vector_load_idx %arg8[%add3A_41, %broadcast_in_dim3A_125] : memref<400x16xf32, #tpu.memory_space<vmem>>[vector<16xi32>, vector<16xi32>], vector<16xf32>,
        %gather3A_127 = tpu.vector_load_idx %arg9[%add3A_41, %broadcast_in_dim3A_125] : memref<400x16xf32, #tpu.memory_space<vmem>>[vector<16xi32>, vector<16xi32>], vector<16xf32>,
        %mul3A_128 = arith.mulf %gather3A_126, %gather3A_127 : vector<16xf32>
        %add3A_129 = arith.addf %add3A_123, %mul3A_128 : vector<16xf32>
        %broadcast_in_dim3A_130 = arith.constant 14 : i32
        %broadcast_in_dim3A_131 = vector.broadcast %broadcast_in_dim3A_130 : i32 to vector<16xi32>
        %gather3A_132 = tpu.vector_load_idx %arg8[%add3A_41, %broadcast_in_dim3A_131] : memref<400x16xf32, #tpu.memory_space<vmem>>[vector<16xi32>, vector<16xi32>], vector<16xf32>,
        %gather3A_133 = tpu.vector_load_idx %arg9[%add3A_41, %broadcast_in_dim3A_131] : memref<400x16xf32, #tpu.memory_space<vmem>>[vector<16xi32>, vector<16xi32>], vector<16xf32>,
        %mul3A_134 = arith.mulf %gather3A_132, %gather3A_133 : vector<16xf32>
        %add3A_135 = arith.addf %add3A_129, %mul3A_134 : vector<16xf32>
        %broadcast_in_dim3A_136 = arith.constant 0 : i32
        %broadcast_in_dim3A_137 = vector.broadcast %broadcast_in_dim3A_136 : i32 to vector<16xi32>
        tpu.vector_store_idx %arg10[%add3A_41, %broadcast_in_dim3A_137], %add3A_59 : memref<400x16xf32, #tpu.memory_space<vmem>>[vector<16xi32>, vector<16xi32>], vector<16xf32>,
        %broadcast_in_dim3A_138 = arith.constant 1 : i32
        %broadcast_in_dim3A_139 = vector.broadcast %broadcast_in_dim3A_138 : i32 to vector<16xi32>
        tpu.vector_store_idx %arg10[%add3A_41, %broadcast_in_dim3A_139], %add3A_91 : memref<400x16xf32, #tpu.memory_space<vmem>>[vector<16xi32>, vector<16xi32>], vector<16xf32>,
        %broadcast_in_dim3A_140 = arith.constant 2 : i32
        %broadcast_in_dim3A_141 = vector.broadcast %broadcast_in_dim3A_140 : i32 to vector<16xi32>
        tpu.vector_store_idx %arg10[%add3A_41, %broadcast_in_dim3A_141], %add3A_135 : memref<400x16xf32, #tpu.memory_space<vmem>>[vector<16xi32>, vector<16xi32>], vector<16xf32>,
      }
      %scan3A_34 = arith.constant 25 : i32
      "tpu.region"() ({
        %run_scoped3A = tpu.sem_alloc : memref<!tpu.dma_semaphore, #tpu.memory_space<semaphore_mem>>
        %dma_start3A_35 = arith.constant 0 : i32
        %dma_start3A_36 = tpu.memref_slice %arg5[%add3A_19, %dma_start3A_35] : memref<320000x16xf32, #tpu.memory_space<hbm>> -> memref<400x16xf32, #tpu.memory_space<hbm>>
        %dma_start3A_37 = arith.constant 0 : i32
        %dma_start3A_38 = tpu.memref_slice %arg5[%add3A_19, %dma_start3A_37] : memref<320000x16xf32, #tpu.memory_space<hbm>> -> memref<400x16xf32, #tpu.memory_space<hbm>>
        tpu.enqueue_dma source(%arg10 : memref<400x16xf32, #tpu.memory_space<vmem>>) target(%dma_start3A_38 : memref<400x16xf32, #tpu.memory_space<hbm>>) target_semaphore(%run_scoped3A : memref<!tpu.dma_semaphore, #tpu.memory_space<semaphore_mem>>)
        %dma_wait3A_39 = arith.constant 0 : i32
        %dma_wait3A_40 = tpu.memref_slice %arg5[%add3A_19, %dma_wait3A_39] : memref<320000x16xf32, #tpu.memory_space<hbm>> -> memref<400x16xf32, #tpu.memory_space<hbm>>
        %dma_wait3A_41 = arith.constant 0 : i32
        %dma_wait3A_42 = tpu.memref_slice %arg5[%add3A_19, %dma_wait3A_41] : memref<320000x16xf32, #tpu.memory_space<hbm>> -> memref<400x16xf32, #tpu.memory_space<hbm>>
        tpu.wait_dma2 semaphore(%run_scoped3A : memref<!tpu.dma_semaphore, #tpu.memory_space<semaphore_mem>>) src(%arg10 : memref<400x16xf32, #tpu.memory_space<vmem>>) dst(%dma_wait3A_42 : memref<400x16xf32, #tpu.memory_space<hbm>>)
        tpu.yield
      }) : () -> ()
    }
    %scan3A_11 = arith.constant 25 : i32
    return
  }
}

module attributes {stable_mosaic.version = 14 : i64} {
  func.func @_final_block(%arg0: i32, %arg1: memref<1000x128xf32, #tpu.memory_space<vmem>>, %arg2: memref<1000x16xf32, #tpu.memory_space<vmem>>, %arg3: memref<1000x144xf32, #tpu.memory_space<vmem>>, %arg4: memref<32x144xf32, #tpu.memory_space<vmem>>, %arg5: memref<32xi32, #tpu.memory_space<vmem>>, %arg6: memref<128x256xf32, #tpu.memory_space<vmem>>, %arg7: memref<16x256xf32, #tpu.memory_space<vmem>>, %arg8: memref<256xf32, #tpu.memory_space<vmem>>, %arg9: memref<256x16xf32, #tpu.memory_space<vmem>>, %arg10: memref<1000x128xf32, #tpu.memory_space<vmem>>, %arg11: memref<1000x16xf32, #tpu.memory_space<vmem>>) attributes {dimension_semantics = [#tpu.dimension_semantics<arbitrary>], iteration_bounds = array<i64: 10>, scalar_prefetch = 0 : i64, scratch_operands = 0 : i64, tpu.core_type = #tpu.core_type<tc>, window_params = [{transform_indices = @transform_0, window_bounds = array<i64: 1000, 128>}, {transform_indices = @transform_1, window_bounds = array<i64: 1000, 16>}, {transform_indices = @transform_2, window_bounds = array<i64: 1000, 144>}, {pipeline_mode = #tpu.pipeline_mode<synchronous>, transform_indices = @transform_3, window_bounds = array<i64: 32, 144>}, {pipeline_mode = #tpu.pipeline_mode<synchronous>, transform_indices = @transform_4, window_bounds = array<i64: 32>}, {pipeline_mode = #tpu.pipeline_mode<synchronous>, transform_indices = @transform_5, window_bounds = array<i64: 128, 256>}, {pipeline_mode = #tpu.pipeline_mode<synchronous>, transform_indices = @transform_6, window_bounds = array<i64: 16, 256>}, {pipeline_mode = #tpu.pipeline_mode<synchronous>, transform_indices = @transform_7, window_bounds = array<i64: 256>}, {pipeline_mode = #tpu.pipeline_mode<synchronous>, transform_indices = @transform_8, window_bounds = array<i64: 256, 16>}, {transform_indices = @transform_9, window_bounds = array<i64: 1000, 128>}, {transform_indices = @transform_10, window_bounds = array<i64: 1000, 16>}]} {
    %get3A = arith.constant 0 : index
    %get3A_0 = arith.constant 0 : index
    %get3A_1 = vector.load %arg1[%get3A, %get3A_0] : memref<1000x128xf32, #tpu.memory_space<vmem>>, vector<1000x128xf32>
    %get3A_2 = arith.constant 0 : index
    %get3A_3 = arith.constant 0 : index
    %get3A_4 = vector.load %arg2[%get3A_2, %get3A_3] : memref<1000x16xf32, #tpu.memory_space<vmem>>, vector<1000x16xf32>
    %mul3A = arith.constant 1000 : i32
    %mul3A_5 = arith.muli %arg0, %mul3A : i32
    %iota3A = tpu.iota {dimensions = array<i32: 0>} : vector<1000x32xi32>
    %add3A = vector.broadcast %mul3A_5 : i32 to vector<1000x32xi32>
    %add3A_6 = arith.addi %add3A, %iota3A : vector<1000x32xi32>
    %get3A_7 = arith.constant 0 : index
    %get3A_8 = vector.load %arg5[%get3A_7] : memref<32xi32, #tpu.memory_space<vmem>>, vector<32xi32>
    %broadcast_in_dim3A = vector.shape_cast %get3A_8 : vector<32xi32> to vector<1x32xi32>
    %eq3A = vector.broadcast %broadcast_in_dim3A : vector<1x32xi32> to vector<1000x32xi32>
    %eq3A_9 = arith.cmpi eq, %add3A_6, %eq3A : vector<1000x32xi32>
    %convert_element_type3A = arith.extui %eq3A_9 : vector<1000x32xi1> to vector<1000x32xi32>
    %convert_element_type3A_10 = arith.sitofp %convert_element_type3A : vector<1000x32xi32> to vector<1000x32xf32>
    %get3A_11 = arith.constant 0 : index
    %get3A_12 = arith.constant 0 : index
    %get3A_13 = vector.load %arg3[%get3A_11, %get3A_12] : memref<1000x144xf32, #tpu.memory_space<vmem>>, vector<1000x144xf32>
    %get3A_14 = arith.constant 0 : index
    %get3A_15 = arith.constant 0 : index
    %get3A_16 = vector.load %arg4[%get3A_14, %get3A_15] : memref<32x144xf32, #tpu.memory_space<vmem>>, vector<32x144xf32>
    %dot_general3A = arith.constant dense<0.000000e+00> : vector<1000x144xf32>
    %dot_general3A_17 = tpu.matmul %convert_element_type3A_10, %get3A_16, %dot_general3A {dimension_numbers = #tpu.dot_dimension_numbers<[1], [0], [0], [1], [0, 0, 1, 1], [], []>, transpose_lhs_hint = false} : vector<1000x32xf32>, vector<32x144xf32>, vector<1000x144xf32> -> vector<1000x144xf32>
    %add3A_18 = arith.addf %get3A_13, %dot_general3A_17 : vector<1000x144xf32>
    %slice3A = vector.extract_strided_slice %add3A_18 {offsets = [0, 0], sizes = [1000, 128], strides = [1, 1]} : vector<1000x144xf32> to vector<1000x128xf32>
    %add3A_19 = arith.addf %get3A_1, %slice3A : vector<1000x128xf32>
    %slice3A_20 = vector.extract_strided_slice %add3A_18 {offsets = [0, 128], sizes = [1000, 16], strides = [1, 1]} : vector<1000x144xf32> to vector<1000x16xf32>
    %add3A_21 = arith.addf %get3A_4, %slice3A_20 : vector<1000x16xf32>
    %mul3A_22 = arith.mulf %add3A_21, %add3A_21 : vector<1000x16xf32>
    %get3A_23 = arith.constant 0 : index
    %get3A_24 = arith.constant 0 : index
    %get3A_25 = vector.load %arg6[%get3A_23, %get3A_24] : memref<128x256xf32, #tpu.memory_space<vmem>>, vector<128x256xf32>
    %dot_general3A_26 = arith.constant dense<0.000000e+00> : vector<1000x256xf32>
    %dot_general3A_27 = tpu.matmul %add3A_19, %get3A_25, %dot_general3A_26 {dimension_numbers = #tpu.dot_dimension_numbers<[1], [0], [0], [1], [0, 0, 1, 1], [], []>, transpose_lhs_hint = false} : vector<1000x128xf32>, vector<128x256xf32>, vector<1000x256xf32> -> vector<1000x256xf32>
    %get3A_28 = arith.constant 0 : index
    %get3A_29 = arith.constant 0 : index
    %get3A_30 = vector.load %arg7[%get3A_28, %get3A_29] : memref<16x256xf32, #tpu.memory_space<vmem>>, vector<16x256xf32>
    %dot_general3A_31 = arith.constant dense<0.000000e+00> : vector<1000x256xf32>
    %dot_general3A_32 = tpu.matmul %mul3A_22, %get3A_30, %dot_general3A_31 {dimension_numbers = #tpu.dot_dimension_numbers<[1], [0], [0], [1], [0, 0, 1, 1], [], []>, transpose_lhs_hint = false} : vector<1000x16xf32>, vector<16x256xf32>, vector<1000x256xf32> -> vector<1000x256xf32>
    %add3A_33 = arith.addf %dot_general3A_27, %dot_general3A_32 : vector<1000x256xf32>
    %get3A_34 = arith.constant 0 : index
    %get3A_35 = vector.load %arg8[%get3A_34] : memref<256xf32, #tpu.memory_space<vmem>>, vector<256xf32>
    %broadcast_in_dim3A_36 = vector.shape_cast %get3A_35 : vector<256xf32> to vector<1x256xf32>
    %add3A_37 = vector.broadcast %broadcast_in_dim3A_36 : vector<1x256xf32> to vector<1000x256xf32>
    %add3A_38 = arith.addf %add3A_33, %add3A_37 : vector<1000x256xf32>
    %slice3A_39 = vector.extract_strided_slice %add3A_38 {offsets = [0, 0], sizes = [1000, 128], strides = [1, 1]} : vector<1000x256xf32> to vector<1000x128xf32>
    %get3A_40 = arith.constant 0 : index
    %get3A_41 = arith.constant 0 : index
    %get3A_42 = vector.load %arg9[%get3A_40, %get3A_41] : memref<256x16xf32, #tpu.memory_space<vmem>>, vector<256x16xf32>
    %dot_general3A_43 = arith.constant dense<0.000000e+00> : vector<1000x16xf32>
    %dot_general3A_44 = tpu.matmul %add3A_38, %get3A_42, %dot_general3A_43 {dimension_numbers = #tpu.dot_dimension_numbers<[1], [0], [0], [1], [0, 0, 1, 1], [], []>, transpose_lhs_hint = false} : vector<1000x256xf32>, vector<256x16xf32>, vector<1000x16xf32> -> vector<1000x16xf32>
    %add3A_45 = arith.addf %add3A_19, %slice3A_39 : vector<1000x128xf32>
    %swap3A = arith.constant 0 : index
    %swap3A_46 = arith.constant 0 : index
    %swap3A_47 = vector.load %arg10[%swap3A, %swap3A_46] : memref<1000x128xf32, #tpu.memory_space<vmem>>, vector<1000x128xf32>
    tpu.vector_store %arg10[%swap3A, %swap3A_46], %add3A_45 {strides = array<i32>} : memref<1000x128xf32, #tpu.memory_space<vmem>>, vector<1000x128xf32>,
    %mul3A_48 = arith.mulf %dot_general3A_44, %add3A_21 : vector<1000x16xf32>
    %add3A_49 = arith.addf %add3A_21, %mul3A_48 : vector<1000x16xf32>
    %swap3A_50 = arith.constant 0 : index
    %swap3A_51 = arith.constant 0 : index
    %swap3A_52 = vector.load %arg11[%swap3A_50, %swap3A_51] : memref<1000x16xf32, #tpu.memory_space<vmem>>, vector<1000x16xf32>
    tpu.vector_store %arg11[%swap3A_50, %swap3A_51], %add3A_49 {strides = array<i32>} : memref<1000x16xf32, #tpu.memory_space<vmem>>, vector<1000x16xf32>,
    return
  }
  func.func @transform_0(%arg0: i32) -> (i32, i32) {
    %c0_i32 = arith.constant 0 : i32
    %c0_i32_0 = arith.constant 0 : i32
    return %arg0, %c0_i32 : i32, i32
  }
  func.func @transform_1(%arg0: i32) -> (i32, i32) {
    %c0_i32 = arith.constant 0 : i32
    %c0_i32_0 = arith.constant 0 : i32
    return %arg0, %c0_i32 : i32, i32
  }
  func.func @transform_2(%arg0: i32) -> (i32, i32) {
    %c0_i32 = arith.constant 0 : i32
    %c0_i32_0 = arith.constant 0 : i32
    return %arg0, %c0_i32 : i32, i32
  }
  func.func @transform_3(%arg0: i32) -> (i32, i32) {
    %c0_i32 = arith.constant 0 : i32
    %c0_i32_0 = arith.constant 0 : i32
    %c0_i32_1 = arith.constant 0 : i32
    return %c0_i32, %c0_i32_0 : i32, i32
  }
  func.func @transform_4(%arg0: i32) -> i32 {
    %c0_i32 = arith.constant 0 : i32
    %c0_i32_0 = arith.constant 0 : i32
    return %c0_i32 : i32
  }
  func.func @transform_5(%arg0: i32) -> (i32, i32) {
    %c0_i32 = arith.constant 0 : i32
    %c0_i32_0 = arith.constant 0 : i32
    %c0_i32_1 = arith.constant 0 : i32
    return %c0_i32, %c0_i32_0 : i32, i32
  }
  func.func @transform_6(%arg0: i32) -> (i32, i32) {
    %c0_i32 = arith.constant 0 : i32
    %c0_i32_0 = arith.constant 0 : i32
    %c0_i32_1 = arith.constant 0 : i32
    return %c0_i32, %c0_i32_0 : i32, i32
  }
  func.func @transform_7(%arg0: i32) -> i32 {
    %c0_i32 = arith.constant 0 : i32
    %c0_i32_0 = arith.constant 0 : i32
    return %c0_i32 : i32
  }
  func.func @transform_8(%arg0: i32) -> (i32, i32) {
    %c0_i32 = arith.constant 0 : i32
    %c0_i32_0 = arith.constant 0 : i32
    %c0_i32_1 = arith.constant 0 : i32
    return %c0_i32, %c0_i32_0 : i32, i32
  }
  func.func @transform_9(%arg0: i32) -> (i32, i32) {
    %c0_i32 = arith.constant 0 : i32
    %c0_i32_0 = arith.constant 0 : i32
    return %arg0, %c0_i32 : i32, i32
  }
  func.func @transform_10(%arg0: i32) -> (i32, i32) {
    %c0_i32 = arith.constant 0 : i32
    %c0_i32_0 = arith.constant 0 : i32
    return %arg0, %c0_i32 : i32, i32
  }
}

</mosaic_0001>

<sc_bundles>
// kernel: kernel.5.cloned.1.call-start
scs
__scs_entry_jumppad:
0x0: {  	(pc) =	sbr.rel $0x88, $3  }
0x1: {  	(tag) =	ssettag $0x0;
	lr =	simm.s32 $0x1  }
0x2: {  	[smem:$0x3F8D] =	sst lr;
	_ =	strace $0xD0000000  }
0x3: {  	_ = 	snop  }
0x4: {  	_ = 	snop  }
0x5: {  	_ = 	snop  }
0x6: {  	_ = 	snop  }
0x7: {  	_ = 	snop  }
__scs_overlays_trampoline_lowered:
0x8: {  	[smem:$0x3F9C] =	sst s0  }
0x9: {  	[smem:$0x3F9D] =	sst s1  }
0xa: {  	[smem:$0x3F9E] =	sst s2  }
0xb: {  	[smem:$0x3F9F] =	sst s3  }
0xc: {  	[smem:$0x3FA0] =	sst s4  }
0xd: {  	[smem:$0x3FA1] =	sst s5  }
0xe: {  	[smem:$0x3FA2] =	sst s6  }
0xf: {  	[smem:$0x3FA3] =	sst s7  }
0x10: {  	[smem:$0x3FA4] =	sst s8  }
0x11: {  	[smem:$0x3FA5] =	sst s9;
	s0 =	simm.s32 @!p0 $0x0  }
0x12: {  	s1 =	sld [smem:$0x3F8B];
	s0 =	simm.s32 @p0 $0x1  }
0x13: {  	[smem:$0x3FA6] =	sst s0;
	s0 =	simm.s32 @!p1 $0x0  }
0x14: {  	s2 =	sld [smem:$0x3F8A];
	s0 =	simm.s32 @p1 $0x1  }
0x15: {  	[smem:$0x3FA7] =	sst s0;
	s0 =	simm.s32 @!p2 $0x0  }
0x16: {  	s3 =	sld [smem:$0x3FDB];
	s0 =	simm.s32 @p2 $0x1  }
0x17: {  	s4 =	simm.s32 $0x1BF5;
	[smem:$0x3FA9] =	sst s0  }
0x18: {  	s0 =	sld [smem:$0x3F8C];
	_ =	swait.ge [sflag:s4], $0x0  }
0x19: {  	s7 =	sld [smem:$0x3F8D]  }
0x1a: {  	s8 =	sadd.s32 $0xFFFFE003, lr  }
0x1b: {  	s9 =	sadd.s32 $0xFFFFFEF7, lr;
	s5 =	simm.s32 $0xFFFFFFFF;
	p2 =	slt.u32 s8, $0xFFFFF086  }
0x1c: {  	p1 =	slt.u32 s9, $0xF7A;
	s5 =	simm.s32 @!p2 $0x0  }
0x1d: {  	s5 =	simm.s32 @p1 $0x1;
	p0 =	seq.s32 s7, s2  }
0x1e: {  	s7 =	smul.u32 @!p0 $0xF7A, s2;
	p2 =	seq.s32 @!p0 s5, $0x0  }
0x1f: {  	s9 =	smul.u32 $0xF7A, s1;
	s8 =	simm.s32 @!p0 $0x1BF5;
	p2 =	por !p2, p0  }
0x20: {  	[sflag:s8] =	ssyncset.s32 @!p0 $0xFFFFF086;
	s6 =	sadd.s32 @!p0 s3, s7;
	s7 =	simm.s32 @!p0 $0x108  }
0x21: {  	s3 =	sadd.s32 s3, s9;
	s6 =	sadd.s32 @!p0 $0x88, s6;
	s7 =	simm.s32 @p2 $0x1082  }
0x22: {  	[simem:s7], [sflag:s8] =	dma.local @!p0 [hbm:s6], $0xF7A  }
0x23: {  	s9 =	sor.u32 $0xD0000000, s2;
	s6 =	simm.s32 $0x108;
	_ =	swait.ge @!p0 [sflag:s8], $0x0  }
0x24: {  	s3 =	sadd.s32 $0x88, s3;
	s6 =	simm.s32 @!p1 $0x1082;
	[sflag:s4] =	ssyncset.s32 $0xFFFFF086  }
0x25: {  	[simem:s6], [sflag:s4] =	dma.local [hbm:s3], $0xF7A  }
0x26: {  	[smem:$0x3F8D] =	sst s1;
	(tag) =	ssettag s2;
	_ =	strace s9  }
0x27: {  	s1 =	sld [smem:$0x3F9D]  }
0x28: {  	s2 =	sld [smem:$0x3F9E]  }
0x29: {  	s4 =	sld [smem:$0x3FA0]  }
0x2a: {  	p0 =	seq.s32 s5, $0x0;
	s5 =	sld [smem:$0x3FA1]  }
0x2b: {  	s6 =	sld [smem:$0x3FA2]  }
0x2c: {  	s7 =	sld [smem:$0x3FA3]  }
0x2d: {  	s3 =	simm.s32 $0x108;
	s8 =	sld [smem:$0x3FA4]  }
0x2e: {  	s3 =	simm.s32 @!p0 $0x1082;
	s9 =	sld [smem:$0x3FA5]  }
0x2f: {  	lr =	sadd.s32 s0, s3;
	s0 =	sld [smem:$0x3F9C]  }
0x30: {  	s3 =	sld [smem:$0x3F9F]  }
0x31: {  	[smem:$0x3FA8] =	sst s10  }
0x32: {  	s10 =	sld [smem:$0x3FA6];
	_ =	sdelay $0x3  }
0x33: {  	p0 =	seq.s32 s10, $0x1;
	s10 =	sld [smem:$0x3FA8];
	_ =	sdelay $0x3  }
0x34: {  	[smem:$0x3FA8] =	sst s10  }
0x35: {  	s10 =	sld [smem:$0x3FA7];
	_ =	sdelay $0x3  }
0x36: {  	p1 =	seq.s32 s10, $0x1;
	s10 =	sld [smem:$0x3FA8];
	_ =	sdelay $0x3  }
0x37: {  	[smem:$0x3FA8] =	sst s10  }
0x38: {  	s10 =	sld [smem:$0x3FA9]  }
0x39: {  	_ = 	snop;
	(pc) =	sbr.ind lr, $3  }
0x3a: {  	_ = 	snop  }
0x3b: {  	_ = 	snop  }
0x3c: {  	p2 =	seq.s32 s10, $0x1;
	s10 =	sld [smem:$0x3FA8]  }
0x3d: {  	_ =	shalt  }
0x3e: {  	_ =	shalt  }
0x3f: {  	_ =	shalt  }
0x40: {  	_ =	shalt  }
0x41: {  	_ =	shalt  }
0x42: {  	_ =	shalt  }
0x43: {  	_ =	shalt  }
0x44: {  	_ =	shalt  }
0x45: {  	_ =	shalt  }
0x46: {  	_ =	shalt  }
0x47: {  	_ =	shalt  }
0x48: {  	_ =	shalt  }
0x49: {  	_ =	shalt  }
0x4a: {  	_ =	shalt  }
0x4b: {  	_ =	shalt  }
0x4c: {  	_ =	shalt  }
0x4d: {  	_ =	shalt  }
0x4e: {  	_ =	shalt  }
0x4f: {  	_ =	shalt  }
0x50: {  	_ =	shalt  }
0x51: {  	_ =	shalt  }
0x52: {  	_ =	shalt  }
0x53: {  	_ =	shalt  }
0x54: {  	_ =	shalt  }
0x55: {  	_ =	shalt  }
0x56: {  	_ =	shalt  }
0x57: {  	_ =	shalt  }
0x58: {  	_ =	shalt  }
0x59: {  	_ =	shalt  }
0x5a: {  	_ =	shalt  }
0x5b: {  	_ =	shalt  }
0x5c: {  	_ =	shalt  }
0x5d: {  	_ =	shalt  }
0x5e: {  	_ =	shalt  }
0x5f: {  	_ =	shalt  }
0x60: {  	_ =	shalt  }
0x61: {  	_ =	shalt  }
0x62: {  	_ =	shalt  }
0x63: {  	_ =	shalt  }
0x64: {  	_ =	shalt  }
0x65: {  	_ =	shalt  }
0x66: {  	_ =	shalt  }
0x67: {  	_ =	shalt  }
0x68: {  	_ =	shalt  }
0x69: {  	_ =	shalt  }
0x6a: {  	_ =	shalt  }
0x6b: {  	_ =	shalt  }
0x6c: {  	_ =	shalt  }
0x6d: {  	_ =	shalt  }
0x6e: {  	_ =	shalt  }
0x6f: {  	_ =	shalt  }
0x70: {  	_ =	shalt  }
0x71: {  	_ =	shalt  }
0x72: {  	_ =	shalt  }
0x73: {  	_ =	shalt  }
0x74: {  	_ =	shalt  }
0x75: {  	_ =	shalt  }
0x76: {  	_ =	shalt  }
0x77: {  	_ =	shalt  }
0x78: {  	_ =	shalt  }
0x79: {  	_ =	shalt  }
0x7a: {  	_ =	shalt  }
0x7b: {  	_ =	shalt  }
0x7c: {  	_ =	shalt  }
0x7d: {  	_ =	shalt  }
0x7e: {  	_ =	shalt  }
0x7f: {  	_ =	shalt  }
0x80: {  	_ =	shalt  }
0x81: {  	_ =	shalt  }
0x82: {  	_ =	shalt  }
0x83: {  	_ =	shalt  }
0x84: {  	_ =	shalt  }
0x85: {  	_ =	shalt  }
0x86: {  	_ =	shalt  }
0x87: {  	_ =	shalt  }
.Lfunc_end0:
.L_simem_size_0:
called_computation.1_lowered:
.L_overlay_start_0:
0x88: {  	s2 =	sld [smem:$0x3FD9]  }
0x89: {  	s3 =	sld [smem:$0x3FFE];
	_ =	sdelay $0x1  }
0x8a: {  	s1 =	srdreg.scid  }
0x8b: {  	s0 =	sand.u32 $0x1, s1  }
0x8c: {  	s14 =	sshll.u32 s0, $0xA;
	s2 =	sadd.s32 s3, s2  }
0x8d: {  	s2 =	sadd.s32 s2, s14  }
0x8e: {  	[smem:$0x3FB4] =	sst s2  }
0x8f: {  	_ = 	snop  }
0x90: {  	s2 =	sld [smem:$0x3FD0];
	_ =	sdelay $0x1  }
0x91: {  	s15 =	sld [smem:$0x3FC7]  }
0x92: {  	s5 =	simm.s32 $0xA;
	s6 =	simm.s32 $0x10;
	s4 =	sld [smem:$0x3FC6]  }
0x93: {  	[smem:s6], [sflag:s5] =	dma.local [hbm:s2], $0x1  }
0x94: {  	_ =	swait.eq [sflag:s5], $0x1  }
0x95: {  	[sflag:s5] =	ssyncset.done $0x0  }
0x96: {  	[sflag:s5] =	ssyncadd.s32 $0xFFFFFFFF  }
0x97: {  	s16 =	sld [smem:$0x11];
	(tm) =	ssettm $0x1  }
0x98: {  	s17 =	sld [smem:$0x3FFB];
	_ =	sdelay $0x3  }
0x99: {  	_ =	strace s17  }
0x9a: {  	s5 =	sld [smem:$0x3FFC];
	_ =	sdelay $0x3  }
0x9b: {  	_ =	strace s5  }
0x9c: {  	s5 =	sld [smem:$0x3FFD];
	_ =	sdelay $0x3  }
0x9d: {  	_ =	strace s5  }
0x9e: {  	_ =	strace $0x8FFFFFFF  }
0x9f: {  	s18 =	sld [smem:$0x3FDB];
	_ =	sdelay $0x1  }
0xa0: {  	s19 =	simm.s32 $_scs_section_size  }
0xa1: {  	s7 =	simm.s32 $_size__tile_overlayer_lowered;
	s8 =	simm.s32 $_tile_overlayer_lowered  }
0xa2: {  	s22 =	simm.s32 $0x1BFF;
	s21 =	sshll.u32 s8, $0x1;
	s5 =	sadd.s32 s19, s18  }
0xa3: {  	s9 =	simm.s32 $0x0;
	s20 =	sshll.u32 s7, $0x1;
	s7 =	sadd.s32 s21, s5  }
0xa4: {  	[timem:s9], [sflag:s22] =	dma.local [hbm:s7], s20  }
0xa5: {  	_ =	swait.ge [sflag:s22], s20  }
0xa6: {  	s6 =	ssub.s32 $0x0, s20;
	[sflag:s22] =	ssyncset.done $0x0  }
0xa7: {  	[sflag:s22] =	ssyncadd.s32 s6;
	_ =	sdelay $0x1  }
0xa8: {  	s23 =	simm.s32 $0x1B8B  }
0xa9: {  	_ =	swait.ge [sflag:s23], $0x1  }
0xaa: {  	[sflag:s23] =	ssyncset.done $0x0  }
0xab: {  	s25 =	simm.s32 $0x1B8E;
	s24 =	sld [smem:$0x3FFE];
	[sflag:s23] =	ssyncadd.s32 $0xFFFFFFFF  }
0xac: {  	s26 =	simm.s32 $execute0_lowered;
	[smem:$0x3FD2] =	sst s25  }
0xad: {  	s7 =	sshll.u32 s26, $0x1;
	_ =	strace $0x80000046;
	[dreg:$0x1] =	wrdreg $0xFFFFFFFF  }
0xae: {  	s28 =	simm.s32 $_size_execute0_lowered;
	s5 =	sadd.s32 s5, s7;
	[dreg:$0x0] =	wrdreg $0x0  }
0xaf: {  	s7 =	sshll.u32 s28, $0x1;
	[dreg:$0x2] =	wrdreg s5  }
0xb0: {  	[dreg:$0x3] =	wrdreg s7  }
0xb1: {  	[dreg:$0x4] =	wrdreg $0xC0  }
0xb2: {  	_ =	task [dreg:s9], $0x5FFFF  }
0xb3: {  	[dreg:$0x1] =	wrdreg $0xFFFFFFFF  }
0xb4: {  	[dreg:$0x0] =	wrdreg $0x60  }
0xb5: {  	[dreg:$0x2] =	wrdreg s16  }
0xb6: {  	[dreg:$0x3] =	wrdreg s4  }
0xb7: {  	[dreg:$0x4] =	wrdreg s15  }
0xb8: {  	[dreg:$0x5] =	wrdreg s24  }
0xb9: {  	[dreg:$0x6] =	wrdreg $0x9  }
0xba: {  	_ =	task.clear_ibuf [dreg:s9], $0x7FFFF;
	_ =	strace $0x90000046  }
0xbb: {  	s29 =	simm.s32 $0x9;
	_ =	strace $0x80000048  }
0xbc: {  	_ =	swait.ge [sflag:s29], $0x1  }
0xbd: {  	[sflag:s29] =	ssyncadd.s32 $0xFFFFFFFF  }
0xbe: {  	_ =	strace $0x90000048  }
0xbf: {  	_ =	sfence  }
0xc0: {  	s30 =	sld [smem:$0x0];
	_ =	sdelay $0x2  }
0xc1: {  	s31 =	sshll.u32 s1, $0xD;
	s1 =	sshrl.u32 s1, $0x2  }
0xc2: {  	s3 =	sand.u32 $0x4000, s31;
	s1 =	sadd.s32 s1, s30  }
0xc3: {  	s0 =	sor.u32 s3, s0;
	s1 =	sshll.u32 s1, $0x11  }
0xc4: {  	s0 =	sor.u32 s1, s0  }
0xc5: {  	s0 =	sadd.s32 $0x8F2B, s0  }
0xc6: {  	[sflag:s0] =	ssyncadd.remote.s32 $0x1  }
0xc7: {  	_ =	sfence.sel $0xFFFF  }
0xc8: {  	[dreg:$0x0] =	wrdreg $0xFFFFFFFF;
	(pc) =	sbr.abs _section_cstart, $3  }
0xc9: {  	[dreg:$0x1] =	wrdreg $0xFFFFFFFF  }
0xca: {  	_ =	task.clear_ibuf [dreg:s9], $0x2FFFF;
	_ =	strace $0x9FFFFFFF  }
0xcb: {  	(tm) =	ssettm $0x7FFFFFFF  }
tec
execute0_lowered:
.L_overlay_start_1:
0x0: {  	(tag) =	ssettag $0x1  }
0x1: {  	s1 =	rddreg [dreg:$0x0]  }
0x2: {  	s2 =	rddreg [dreg:$0x1]  }
0x3: {  	s3 =	rddreg [dreg:$0x2]  }
0x4: {  	s6 =	rddreg [dreg:$0x3]  }
0x5: {  	s0 =	rddreg [dreg:$0x4]  }
0x6: {  	s4 =	simm.s32 $0x0;
	s5 =	srdreg.scid;
	s10 =	simm.s32 $0x190  }
0x7: {  	s11 =	simm.s32 $0x320;
	s12 =	simm.s32 $0x1;
	s13 =	simm.s32 $0x1C20  }
0x8: {  	s14 =	simm.s32 $0x3520;
	s15 =	simm.s32 $0x0;
	s7 =	sand.u32 $0x1, s5  }
0x9: {  	[smem:$0x7FF] =	sst s4;
	s5 =	stileid.u32;
	s8 =	ssub.s32 $0x2, s7  }
0xa: {  	s6 =	sadd.s32 $0x4000, s6;
	s7 =	sshll.u32 s7, $0x4;
	s9 =	sshrl.u32 s8, $0x1  }
0xb: {  	v1 =	vlaneseq.u32;
	_ =	strace $0x80000047;
	s7 =	sor.u32 s5, s7;
	s8 =	ssub.s32 s8, s9  }
0xc: {  	v0 =	vimm.f32 $0.0e+00;
	v1 =	vmul.u32 $0x10, v1;
	s7 =	smul.u32 $0x2710, s7;
	s9 =	simm.s32 $0x2;
	s8 =	smax.u32 s8, $0x1  }
.LBB2_1:
0xd: {  	s16 =	simm.s32 $0x40;
	s17 =	simm.s32 $0x0  }
.LBB2_2:
0xe: {  	p0 =	sne.s32 s16, $0x63C0;
	[tilespmem:s17+$0x3520] =	vst v0;
	s17 =	smov.u32 s16;
	s16 =	sadd.s32 $0x40, s16  }
.Ltmp0:
0xf: {  	(pc) =	sbr.rel @p0 .LBB2_2-.Ltmp0, $2  }
0x10: {  	_ =	sdelay $0x2  }
0x11: {  	s17 =	sshra.s32 s17, $0x2  }
0x12: {  	[tilespmem:s17+$0x3520] =	vst v0;
	s16 =	simm.s32 $0x0;
	s17 =	simm.s32 $0x0  }
.LBB2_4:
0x13: {  	s18 =	smul.u32 $0x190, s17;
	_ =	sdelay $0x1  }
0x14: {  	s18 =	sadd.s32 s7, s18  }
0x15: {  	s19 =	sshrl.u32 s18, $0x3  }
0x16: {  	s20 =	sadd.s32 s2, s19  }
0x17: {  	[tilespmem:s16], [sflag:$0x2] =	stream.linear.gather [hbm4b:s20+s16], $0x190, $0x38;
	[tilespmem:$0x4E20] =	vst v63  }
0x18: {  	_ =	swait.ge [sflag:s9], $0x190  }
0x19: {  	[sflag:s9] =	ssyncset.done $0x0  }
0x1a: {  	s19 =	sadd.s32 s3, s19;
	[sflag:s9] =	ssyncadd.s32 $0xFFFFFE70  }
0x1b: {  	[tilespmem:s10], [sflag:$0x2] =	stream.linear.gather [hbm4b:s19+s16], $0x190, $0x38;
	[tilespmem:$0x4E20] =	vst v63  }
0x1c: {  	_ =	swait.ge [sflag:s9], $0x190  }
0x1d: {  	[sflag:s9] =	ssyncset.done $0x0  }
0x1e: {  	[sflag:s9] =	ssyncadd.s32 $0xFFFFFE70  }
0x1f: {  	v2 =	vmov s16;
	[tilespmem:s11], [sflag:$0x1] =	stream.indirect.gather [hbm4b:s1+s10], $0x10, s16, s10, $0xb8;
	[tilespmem:$0x4E20] =	vst v63  }
0x20: {  	v2 =	vshll.u32 v2, $0x4;
	_ =	swait.ge [sflag:s12], $0x1900  }
0x21: {  	v2 =	vor.u32 v1, v2;
	[sflag:s12] =	ssyncset.done $0x0  }
0x22: {  	v4 =	vor.u32 $0xB, v2;
	[sflag:s12] =	ssyncadd.s32 $0xFFFFE700  }
0x23: {  	[tilespmem:s13], [sflag:$0x1] =	stream.indirect.gather [hbm4b:s1+s10], $0x10, s10, s10, $0xb8;
	[tilespmem:$0x4E20] =	vst v63  }
0x24: {  	v3 =	vor.u32 $0x1, v2;
	_ =	swait.ge [sflag:s12], $0x1900  }
0x25: {  	v5 =	vor.u32 $0x6, v2;
	[sflag:s12] =	ssyncset.done $0x0  }
0x26: {  	[sflag:s12] =	ssyncadd.s32 $0xFFFFE700  }
0x27: {  	v7 =	vor.u32 $0x5, v2;
	v6 =	vld.idx.msk [tilespmem:v4+s11+$0x0], $0xffff  }
0x28: {  	v8 =	vld.idx.msk [tilespmem:v4+s13+$0x0], $0xffff  }
0x29: {  	v4 =	vld.idx.msk [tilespmem:v3+s11+$0x0], $0xffff  }
0x2a: {  	v9 =	vor.u32 $0x4, v2;
	v10 =	vld.idx.msk [tilespmem:v5+s11+$0x0], $0xffff  }
0x2b: {  	v16 =	vor.u32 $0xA, v2;
	v18 =	vld.idx.msk [tilespmem:v3+s13+$0x0], $0xffff  }
0x2c: {  	v19 =	vld.idx.msk [tilespmem:v7+s13+$0x0], $0xffff  }
0x2d: {  	v20 =	vor.u32 $0x3, v2;
	v21 =	vld.idx.msk [tilespmem:v5+s13+$0x0], $0xffff  }
0x2e: {  	v22 =	vor.u32 $0x9, v2;
	v23 =	vld.idx.msk [tilespmem:v7+s11+$0x0], $0xffff  }
0x2f: {  	v11 =	vld.idx.msk [tilespmem:v9+s13+$0x0], $0xffff  }
0x30: {  	v13 =	vld.idx.msk [tilespmem:v16+s11+$0x0], $0xffff  }
0x31: {  	v12 =	vld.idx.msk [tilespmem:v9+s11+$0x0], $0xffff  }
0x32: {  	v14 =	vld.idx.msk [tilespmem:v20+s11+$0x0], $0xffff;
	v9 =	vor.u32 $0x8, v2  }
0x33: {  	v15 =	vld.idx.msk [tilespmem:v22+s11+$0x0], $0xffff  }
0x34: {  	v17 =	vld.idx.msk [tilespmem:v16+s13+$0x0], $0xffff  }
0x35: {  	v16 =	vld.idx.msk [tilespmem:v20+s13+$0x0], $0xffff;
	v5 =	vmul.f32 v18, v4  }
0x36: {  	s19 =	simm.s32 $0x10;
	v7 =	vmul.f32 v21, v10;
	v4 =	vor.u32 $0x2, v2;
	v10 =	vmul.f32 v19, v23;
	v18 =	vld.idx.msk [tilespmem:v22+s13+$0x0], $0xffff  }
.LBB2_5:
0x37: {  	p0 =	sne.s32 s19, $0x180;
	v19 =	vld.idx.msk [tilespmem:v9+s11+$0x0], $0xffff;
	s20 =	smov.u32 s19;
	s19 =	sadd.s32 $0x10, s19  }
0x38: {  	v9 =	vld.idx.msk [tilespmem:v9+s13+$0x0], $0xffff;
	_ =	sdelay $0x1  }
0x39: {  	v13 =	vmul.f32 v17, v13;
	v17 =	vor.u32 $0xC, v2;
	v20 =	vld.idx.msk [tilespmem:v2+s13+$0x0], $0xffff  }
0x3a: {  	v21 =	vld.idx.msk [tilespmem:v2+s11+$0x0], $0xffff  }
0x3b: {  	v6 =	vmul.f32 v8, v6;
	v15 =	vmul.f32 v18, v15  }
0x3c: {  	v8 =	vmul.f32 v16, v14;
	v14 =	vor.u32 $0xD, v2  }
0x3d: {  	v9 =	vmul.f32 v9, v19;
	v16 =	vld.idx.msk [tilespmem:v4+s13+$0x0], $0xffff  }
0x3e: {  	v11 =	vmul.f32 v11, v12;
	v12 =	vor.u32 $0x7, v2;
	v8 =	vadd.f32 $0.0e+00, v8;
	v18 =	vld.idx.msk [tilespmem:v17+s11+$0x0], $0xffff  }
0x3f: {  	v9 =	vadd.f32 $0.0e+00, v9;
	v19 =	vld.idx.msk [tilespmem:v4+s11+$0x0], $0xffff  }
0x40: {  	v8 =	vadd.f32 v11, v8;
	v20 =	vmul.f32 v20, v21;
	v11 =	vld.idx.msk [tilespmem:v17+s13+$0x0], $0xffff;
	v17 =	vor.u32 $0xE, v2  }
0x41: {  	v9 =	vadd.f32 v15, v9;
	v15 =	vld.idx.msk [tilespmem:v14+s13+$0x0], $0xffff  }
0x42: {  	v8 =	vadd.f32 v10, v8;
	v20 =	vadd.f32 $0.0e+00, v20;
	v10 =	vld.idx.msk [tilespmem:v14+s11+$0x0], $0xffff  }
0x43: {  	v14 =	vmov s20;
	v9 =	vadd.f32 v13, v9;
	v21 =	vld.idx.msk [tilespmem:v12+s13+$0x0], $0xffff  }
0x44: {  	v7 =	vadd.f32 v7, v8;
	v13 =	vshll.u32 v14, $0x4;
	v5 =	vadd.f32 v5, v20;
	v8 =	vld.idx.msk [tilespmem:v12+s11+$0x0], $0xffff  }
0x45: {  	v12 =	vor.u32 v1, v13;
	v13 =	vmul.f32 v16, v19;
	v6 =	vadd.f32 v6, v9;
	v14 =	vld.idx.msk [tilespmem:v17+s13+$0x0], $0xffff  }
0x46: {  	v9 =	vor.u32 $0x8, v12;
	v19 =	vor.u32 $0x9, v12;
	v11 =	vmul.f32 v11, v18;
	v16 =	vld.idx.msk [tilespmem:v17+s11+$0x0], $0xffff  }
0x47: {  	v18 =	vor.u32 $0xA, v12;
	v17 =	vor.u32 $0x4, v12;
	v5 =	vadd.f32 v13, v5  }
0x48: {  	v20 =	vor.u32 $0x6, v12;
	v13 =	vor.u32 $0x1, v12;
	v6 =	vadd.f32 v11, v6  }
0x49: {  	v11 =	vor.u32 $0xB, v12;
	v10 =	vmul.f32 v15, v10;
	[tilespmem:v2+s14+$0x0] =	vst.idx.msk $0xffff, v5;
	v2 =	vmov v12  }
0x4a: {  	v5 =	vmul.f32 v21, v8  }
0x4b: {  	v6 =	vadd.f32 v10, v6  }
0x4c: {  	v10 =	vor.u32 $0x5, v2;
	v8 =	vmul.f32 v14, v16  }
0x4d: {  	v5 =	vadd.f32 v5, v7  }
0x4e: {  	v6 =	vadd.f32 v8, v6  }
0x4f: {  	v7 =	vor.u32 $0x2, v2;
	[tilespmem:v3+s14+$0x0] =	vst.idx.msk $0xffff, v5;
	v3 =	vmov v13  }
0x50: {  	[tilespmem:v4+s14+$0x0] =	vst.idx.msk $0xffff, v6;
	v4 =	vmov v7  }
0x51: {  	v6 =	vld.idx.msk [tilespmem:v11+s11+$0x0], $0xffff  }
0x52: {  	v8 =	vld.idx.msk [tilespmem:v11+s13+$0x0], $0xffff  }
0x53: {  	v5 =	vld.idx.msk [tilespmem:v13+s11+$0x0], $0xffff  }
0x54: {  	v7 =	vld.idx.msk [tilespmem:v20+s11+$0x0], $0xffff  }
0x55: {  	v12 =	vld.idx.msk [tilespmem:v13+s13+$0x0], $0xffff  }
0x56: {  	v16 =	vor.u32 $0x3, v2;
	v21 =	vld.idx.msk [tilespmem:v10+s13+$0x0], $0xffff  }
0x57: {  	v15 =	vld.idx.msk [tilespmem:v20+s13+$0x0], $0xffff  }
0x58: {  	v10 =	vld.idx.msk [tilespmem:v10+s11+$0x0], $0xffff  }
0x59: {  	v11 =	vld.idx.msk [tilespmem:v17+s13+$0x0], $0xffff  }
0x5a: {  	v13 =	vld.idx.msk [tilespmem:v18+s11+$0x0], $0xffff  }
0x5b: {  	v5 =	vmul.f32 v12, v5;
	v12 =	vld.idx.msk [tilespmem:v17+s11+$0x0], $0xffff  }
.Ltmp1:
0x5c: {  	v14 =	vld.idx.msk [tilespmem:v16+s11+$0x0], $0xffff;
	(pc) =	sbr.rel @p0 .LBB2_5-.Ltmp1, $4  }
0x5d: {  	v7 =	vmul.f32 v15, v7;
	v15 =	vld.idx.msk [tilespmem:v19+s11+$0x0], $0xffff  }
0x5e: {  	v10 =	vmul.f32 v21, v10;
	v17 =	vld.idx.msk [tilespmem:v18+s13+$0x0], $0xffff  }
0x5f: {  	v16 =	vld.idx.msk [tilespmem:v16+s13+$0x0], $0xffff  }
0x60: {  	v18 =	vld.idx.msk [tilespmem:v19+s13+$0x0], $0xffff  }
0x61: {  	_ =	sdelay $0x3  }
0x62: {  	v19 =	vld.idx.msk [tilespmem:v9+s11+$0x0], $0xffff  }
0x63: {  	v20 =	vor.u32 $0xC, v2;
	v49 =	vld.idx.msk [tilespmem:v9+s13+$0x0], $0xffff  }
0x64: {  	v21 =	vld.idx.msk [tilespmem:v2+s13+$0x0], $0xffff  }
0x65: {  	v22 =	vld.idx.msk [tilespmem:v2+s11+$0x0], $0xffff;
	v23 =	vor.u32 $0xD, v2  }
0x66: {  	v24 =	vld.idx.msk [tilespmem:v4+s13+$0x0], $0xffff  }
0x67: {  	v25 =	vor.u32 $0x7, v2;
	v50 =	vld.idx.msk [tilespmem:v4+s11+$0x0], $0xffff  }
0x68: {  	v26 =	vld.idx.msk [tilespmem:v20+s11+$0x0], $0xffff;
	v9 =	vmul.f32 v49, v19  }
0x69: {  	v27 =	vor.u32 $0xE, v2;
	v20 =	vld.idx.msk [tilespmem:v20+s13+$0x0], $0xffff  }
0x6a: {  	v15 =	vmul.f32 v18, v15;
	v51 =	vld.idx.msk [tilespmem:v23+s13+$0x0], $0xffff;
	v9 =	vadd.f32 $0.0e+00, v9  }
0x6b: {  	v14 =	vmul.f32 v16, v14;
	v52 =	vld.idx.msk [tilespmem:v23+s11+$0x0], $0xffff  }
0x6c: {  	v13 =	vmul.f32 v17, v13;
	v53 =	vld.idx.msk [tilespmem:v25+s13+$0x0], $0xffff;
	v9 =	vadd.f32 v15, v9  }
0x6d: {  	v11 =	vmul.f32 v11, v12;
	v14 =	vadd.f32 $0.0e+00, v14;
	v55 =	vld.idx.msk [tilespmem:v25+s11+$0x0], $0xffff  }
0x6e: {  	v6 =	vmul.f32 v8, v6;
	v54 =	vmul.f32 v21, v22;
	v57 =	vld.idx.msk [tilespmem:v27+s13+$0x0], $0xffff;
	v56 =	vadd.f32 v13, v9  }
0x6f: {  	v58 =	vld.idx.msk [tilespmem:v27+s11+$0x0], $0xffff;
	v11 =	vadd.f32 v11, v14  }
0x70: {  	v12 =	vadd.f32 $0.0e+00, v54;
	v59 =	vmul.f32 v20, v26;
	v6 =	vadd.f32 v6, v56  }
0x71: {  	v60 =	vmul.f32 v24, v50;
	v10 =	vadd.f32 v10, v11  }
0x72: {  	v5 =	vadd.f32 v5, v12;
	v61 =	vmul.f32 v51, v52;
	v6 =	vadd.f32 v59, v6  }
0x73: {  	v62 =	vmul.f32 v53, v55;
	v7 =	vadd.f32 v7, v10  }
0x74: {  	v63 =	vmul.f32 v57, v58;
	v5 =	vadd.f32 v60, v5;
	v6 =	vadd.f32 v61, v6  }
0x75: {  	v7 =	vadd.f32 v62, v7  }
0x76: {  	s17 =	sadd.s32 $0x1, s17;
	[tilespmem:v2+s14+$0x0] =	vst.idx.msk $0xffff, v5;
	v2 =	vadd.f32 v63, v6  }
0x77: {  	s18 =	sshll.u32 s18, $0x1;
	p0 =	sne.s32 s17, $0x19;
	[tilespmem:v3+s14+$0x0] =	vst.idx.msk $0xffff, v7  }
.Ltmp2:
0x78: {  	s18 =	sadd.s32 s6, s18;
	[tilespmem:v4+s14+$0x0] =	vst.idx.msk $0xffff, v2;
	(pc) =	sbr.rel @p0 .LBB2_4-.Ltmp2, $4  }
0x79: {  	[hbm4b:s18+s4] =	stream.linear.scatter [tilespmem:s14], [sflag:$0x2], $0x1900, $0x38;
	[tilespmem:$0x4E20] =	vst v63  }
0x7a: {  	_ =	swait.ge [sflag:s9], $0x1900  }
0x7b: {  	[sflag:s9] =	ssyncset.done $0x0  }
0x7c: {  	[sflag:s9] =	ssyncadd.s32 $0xFFFFE700  }
0x7d: {  	s15 =	sadd.s32 $0x1, s15  }
0x7e: {  	p0 =	sne.s32 s15, s8  }
.Ltmp3:
0x7f: {  	_ = 	snop;
	(pc) =	sbr.rel @p0 .LBB2_1-.Ltmp3, $1  }
0x80: {  	_ =	sdelay $0x3  }
0x81: {  	_ =	sfence.sel $0x180000  }
0x82: {  	[bflag:$0x0] =	sbarrier.arrive $0xFFFF  }
0x83: {  	p0 =	sne.s32 s5, $0x0;
	_ =	strace $0x90000047  }
0x84: {  	s0 =	sadd.s32 @!p0 $0x100000, s0;
	[bflag:$0x2] =	sbarrier.arrive $0xFFFF  }
0x85: {  	[sflag:s0] =	ssyncadd.tile.s32 @!p0 $0x1;
	_ =	shalt  }
.Lfunc_end2:
_tile_overlayer_lowered:
.L_overlay_start_2:
0x86: {  	(tag) =	ssettag $0x2  }
0x87: {  	s0 =	rddreg [dreg:$0x0];
	s2 =	stileid.u32  }
0x88: {  	s1 =	rddreg [dreg:$0x1];
	p0 =	sne.s32 s2, $0x0  }
0x89: {  	s3 =	rddreg [dreg:$0x2];
	[bflag:$0x3] =	sbarrier.arrive $0xFFFF;
	s2 =	simm.s32 @!p0 $0x1C02  }
0x8a: {  	[timem:s3], [sflag:s2] =	dma.local @!p0 [hbm:s0], s1  }
0x8b: {  	s0 =	simm.s32 @!p0 $0x2  }
0x8c: {  	_ =	swait.ge @!p0 [sflag:s0], s1  }
0x8d: {  	s1 =	ssub.s32 @!p0 $0x0, s1;
	[sflag:s0] =	ssyncset.done @!p0 $0x0  }
0x8e: {  	[sflag:s0] =	ssyncadd.s32 @!p0 s1  }
0x8f: {  	[bflag:$0x3] =	sbarrier.arrive $0xFFFF  }
0x90: {  	_ =	shalt  }

// kernel: kernel.8.cloned.1.call-start
scs
__scs_entry_jumppad:
0x0: {  	(pc) =	sbr.rel $0x88, $3  }
0x1: {  	(tag) =	ssettag $0x0;
	lr =	simm.s32 $0x1  }
0x2: {  	[smem:$0x3F8D] =	sst lr;
	_ =	strace $0xD0000000  }
0x3: {  	_ = 	snop  }
0x4: {  	_ = 	snop  }
0x5: {  	_ = 	snop  }
0x6: {  	_ = 	snop  }
0x7: {  	_ = 	snop  }
__scs_overlays_trampoline_lowered:
0x8: {  	[smem:$0x3F9C] =	sst s0  }
0x9: {  	[smem:$0x3F9D] =	sst s1  }
0xa: {  	[smem:$0x3F9E] =	sst s2  }
0xb: {  	[smem:$0x3F9F] =	sst s3  }
0xc: {  	[smem:$0x3FA0] =	sst s4  }
0xd: {  	[smem:$0x3FA1] =	sst s5  }
0xe: {  	[smem:$0x3FA2] =	sst s6  }
0xf: {  	[smem:$0x3FA3] =	sst s7  }
0x10: {  	[smem:$0x3FA4] =	sst s8  }
0x11: {  	[smem:$0x3FA5] =	sst s9;
	s0 =	simm.s32 @!p0 $0x0  }
0x12: {  	s1 =	sld [smem:$0x3F8B];
	s0 =	simm.s32 @p0 $0x1  }
0x13: {  	[smem:$0x3FA6] =	sst s0;
	s0 =	simm.s32 @!p1 $0x0  }
0x14: {  	s2 =	sld [smem:$0x3F8A];
	s0 =	simm.s32 @p1 $0x1  }
0x15: {  	[smem:$0x3FA7] =	sst s0;
	s0 =	simm.s32 @!p2 $0x0  }
0x16: {  	s3 =	sld [smem:$0x3FDB];
	s0 =	simm.s32 @p2 $0x1  }
0x17: {  	s4 =	simm.s32 $0x1BF5;
	[smem:$0x3FA9] =	sst s0  }
0x18: {  	s0 =	sld [smem:$0x3F8C];
	_ =	swait.ge [sflag:s4], $0x0  }
0x19: {  	s7 =	sld [smem:$0x3F8D]  }
0x1a: {  	s8 =	sadd.s32 $0xFFFFE003, lr  }
0x1b: {  	s9 =	sadd.s32 $0xFFFFFEF7, lr;
	s5 =	simm.s32 $0xFFFFFFFF;
	p2 =	slt.u32 s8, $0xFFFFF086  }
0x1c: {  	p1 =	slt.u32 s9, $0xF7A;
	s5 =	simm.s32 @!p2 $0x0  }
0x1d: {  	s5 =	simm.s32 @p1 $0x1;
	p0 =	seq.s32 s7, s2  }
0x1e: {  	s7 =	smul.u32 @!p0 $0xF7A, s2;
	p2 =	seq.s32 @!p0 s5, $0x0  }
0x1f: {  	s9 =	smul.u32 $0xF7A, s1;
	s8 =	simm.s32 @!p0 $0x1BF5;
	p2 =	por !p2, p0  }
0x20: {  	[sflag:s8] =	ssyncset.s32 @!p0 $0xFFFFF086;
	s6 =	sadd.s32 @!p0 s3, s7;
	s7 =	simm.s32 @!p0 $0x108  }
0x21: {  	s3 =	sadd.s32 s3, s9;
	s6 =	sadd.s32 @!p0 $0x88, s6;
	s7 =	simm.s32 @p2 $0x1082  }
0x22: {  	[simem:s7], [sflag:s8] =	dma.local @!p0 [hbm:s6], $0xF7A  }
0x23: {  	s9 =	sor.u32 $0xD0000000, s2;
	s6 =	simm.s32 $0x108;
	_ =	swait.ge @!p0 [sflag:s8], $0x0  }
0x24: {  	s3 =	sadd.s32 $0x88, s3;
	s6 =	simm.s32 @!p1 $0x1082;
	[sflag:s4] =	ssyncset.s32 $0xFFFFF086  }
0x25: {  	[simem:s6], [sflag:s4] =	dma.local [hbm:s3], $0xF7A  }
0x26: {  	[smem:$0x3F8D] =	sst s1;
	(tag) =	ssettag s2;
	_ =	strace s9  }
0x27: {  	s1 =	sld [smem:$0x3F9D]  }
0x28: {  	s2 =	sld [smem:$0x3F9E]  }
0x29: {  	s4 =	sld [smem:$0x3FA0]  }
0x2a: {  	p0 =	seq.s32 s5, $0x0;
	s5 =	sld [smem:$0x3FA1]  }
0x2b: {  	s6 =	sld [smem:$0x3FA2]  }
0x2c: {  	s7 =	sld [smem:$0x3FA3]  }
0x2d: {  	s3 =	simm.s32 $0x108;
	s8 =	sld [smem:$0x3FA4]  }
0x2e: {  	s3 =	simm.s32 @!p0 $0x1082;
	s9 =	sld [smem:$0x3FA5]  }
0x2f: {  	lr =	sadd.s32 s0, s3;
	s0 =	sld [smem:$0x3F9C]  }
0x30: {  	s3 =	sld [smem:$0x3F9F]  }
0x31: {  	[smem:$0x3FA8] =	sst s10  }
0x32: {  	s10 =	sld [smem:$0x3FA6];
	_ =	sdelay $0x3  }
0x33: {  	p0 =	seq.s32 s10, $0x1;
	s10 =	sld [smem:$0x3FA8];
	_ =	sdelay $0x3  }
0x34: {  	[smem:$0x3FA8] =	sst s10  }
0x35: {  	s10 =	sld [smem:$0x3FA7];
	_ =	sdelay $0x3  }
0x36: {  	p1 =	seq.s32 s10, $0x1;
	s10 =	sld [smem:$0x3FA8];
	_ =	sdelay $0x3  }
0x37: {  	[smem:$0x3FA8] =	sst s10  }
0x38: {  	s10 =	sld [smem:$0x3FA9]  }
0x39: {  	_ = 	snop;
	(pc) =	sbr.ind lr, $3  }
0x3a: {  	_ = 	snop  }
0x3b: {  	_ = 	snop  }
0x3c: {  	p2 =	seq.s32 s10, $0x1;
	s10 =	sld [smem:$0x3FA8]  }
0x3d: {  	_ =	shalt  }
0x3e: {  	_ =	shalt  }
0x3f: {  	_ =	shalt  }
0x40: {  	_ =	shalt  }
0x41: {  	_ =	shalt  }
0x42: {  	_ =	shalt  }
0x43: {  	_ =	shalt  }
0x44: {  	_ =	shalt  }
0x45: {  	_ =	shalt  }
0x46: {  	_ =	shalt  }
0x47: {  	_ =	shalt  }
0x48: {  	_ =	shalt  }
0x49: {  	_ =	shalt  }
0x4a: {  	_ =	shalt  }
0x4b: {  	_ =	shalt  }
0x4c: {  	_ =	shalt  }
0x4d: {  	_ =	shalt  }
0x4e: {  	_ =	shalt  }
0x4f: {  	_ =	shalt  }
0x50: {  	_ =	shalt  }
0x51: {  	_ =	shalt  }
0x52: {  	_ =	shalt  }
0x53: {  	_ =	shalt  }
0x54: {  	_ =	shalt  }
0x55: {  	_ =	shalt  }
0x56: {  	_ =	shalt  }
0x57: {  	_ =	shalt  }
0x58: {  	_ =	shalt  }
0x59: {  	_ =	shalt  }
0x5a: {  	_ =	shalt  }
0x5b: {  	_ =	shalt  }
0x5c: {  	_ =	shalt  }
0x5d: {  	_ =	shalt  }
0x5e: {  	_ =	shalt  }
0x5f: {  	_ =	shalt  }
0x60: {  	_ =	shalt  }
0x61: {  	_ =	shalt  }
0x62: {  	_ =	shalt  }
0x63: {  	_ =	shalt  }
0x64: {  	_ =	shalt  }
0x65: {  	_ =	shalt  }
0x66: {  	_ =	shalt  }
0x67: {  	_ =	shalt  }
0x68: {  	_ =	shalt  }
0x69: {  	_ =	shalt  }
0x6a: {  	_ =	shalt  }
0x6b: {  	_ =	shalt  }
0x6c: {  	_ =	shalt  }
0x6d: {  	_ =	shalt  }
0x6e: {  	_ =	shalt  }
0x6f: {  	_ =	shalt  }
0x70: {  	_ =	shalt  }
0x71: {  	_ =	shalt  }
0x72: {  	_ =	shalt  }
0x73: {  	_ =	shalt  }
0x74: {  	_ =	shalt  }
0x75: {  	_ =	shalt  }
0x76: {  	_ =	shalt  }
0x77: {  	_ =	shalt  }
0x78: {  	_ =	shalt  }
0x79: {  	_ =	shalt  }
0x7a: {  	_ =	shalt  }
0x7b: {  	_ =	shalt  }
0x7c: {  	_ =	shalt  }
0x7d: {  	_ =	shalt  }
0x7e: {  	_ =	shalt  }
0x7f: {  	_ =	shalt  }
0x80: {  	_ =	shalt  }
0x81: {  	_ =	shalt  }
0x82: {  	_ =	shalt  }
0x83: {  	_ =	shalt  }
0x84: {  	_ =	shalt  }
0x85: {  	_ =	shalt  }
0x86: {  	_ =	shalt  }
0x87: {  	_ =	shalt  }
.Lfunc_end0:
.L_simem_size_0:
called_computation.2_lowered:
.L_overlay_start_0:
0x88: {  	s2 =	sld [smem:$0x3FD9]  }
0x89: {  	s3 =	sld [smem:$0x3FFE];
	_ =	sdelay $0x1  }
0x8a: {  	s1 =	srdreg.scid  }
0x8b: {  	s0 =	sand.u32 $0x1, s1  }
0x8c: {  	s17 =	sshll.u32 s0, $0xA;
	s2 =	sadd.s32 s3, s2  }
0x8d: {  	s2 =	sadd.s32 s2, s17  }
0x8e: {  	[smem:$0x3FB4] =	sst s2  }
0x8f: {  	_ = 	snop  }
0x90: {  	s2 =	sld [smem:$0x3FC7]  }
0x91: {  	s18 =	sld [smem:$0x3FC6];
	(tm) =	ssettm $0x1  }
0x92: {  	s4 =	sld [smem:$0x3FFB];
	_ =	sdelay $0x3  }
0x93: {  	_ =	strace s4  }
0x94: {  	s4 =	sld [smem:$0x3FFC];
	_ =	sdelay $0x3  }
0x95: {  	_ =	strace s4  }
0x96: {  	s4 =	sld [smem:$0x3FFD];
	_ =	sdelay $0x3  }
0x97: {  	_ =	strace s4  }
0x98: {  	_ =	strace $0x8FFFFFFF  }
0x99: {  	s19 =	sld [smem:$0x3FDB];
	_ =	sdelay $0x1  }
0x9a: {  	s5 =	simm.s32 $_scs_section_size  }
0x9b: {  	s6 =	simm.s32 $_size__tile_overlayer_lowered;
	s7 =	simm.s32 $_tile_overlayer_lowered  }
0x9c: {  	s22 =	simm.s32 $0x1BFF;
	s21 =	sshll.u32 s7, $0x1;
	s4 =	sadd.s32 s5, s19  }
0x9d: {  	s8 =	simm.s32 $0x0;
	s20 =	sshll.u32 s6, $0x1;
	s6 =	sadd.s32 s21, s4  }
0x9e: {  	[timem:s8], [sflag:s22] =	dma.local [hbm:s6], s20  }
0x9f: {  	_ =	swait.ge [sflag:s22], s20  }
0xa0: {  	s5 =	ssub.s32 $0x0, s20;
	[sflag:s22] =	ssyncset.done $0x0  }
0xa1: {  	[sflag:s22] =	ssyncadd.s32 s5;
	_ =	sdelay $0x1  }
0xa2: {  	s23 =	simm.s32 $0x1B8B  }
0xa3: {  	_ =	swait.ge [sflag:s23], $0x1  }
0xa4: {  	[sflag:s23] =	ssyncset.done $0x0  }
0xa5: {  	s25 =	simm.s32 $0x1B8E;
	s24 =	sld [smem:$0x3FFE];
	[sflag:s23] =	ssyncadd.s32 $0xFFFFFFFF  }
0xa6: {  	s26 =	simm.s32 $execute0_lowered;
	[smem:$0x3FD2] =	sst s25  }
0xa7: {  	s6 =	sshll.u32 s26, $0x1;
	_ =	strace $0x80000049;
	[dreg:$0x1] =	wrdreg $0xFFFFFFFF  }
0xa8: {  	s28 =	simm.s32 $_size_execute0_lowered;
	s4 =	sadd.s32 s4, s6;
	[dreg:$0x0] =	wrdreg $0x0  }
0xa9: {  	s6 =	sshll.u32 s28, $0x1;
	[dreg:$0x2] =	wrdreg s4  }
0xaa: {  	[dreg:$0x3] =	wrdreg s6  }
0xab: {  	[dreg:$0x4] =	wrdreg $0xC0  }
0xac: {  	_ =	task [dreg:s8], $0x5FFFF  }
0xad: {  	[dreg:$0x1] =	wrdreg $0xFFFFFFFF  }
0xae: {  	[dreg:$0x0] =	wrdreg $0x60  }
0xaf: {  	[dreg:$0x2] =	wrdreg s24  }
0xb0: {  	[dreg:$0x3] =	wrdreg s18  }
0xb1: {  	[dreg:$0x4] =	wrdreg s2  }
0xb2: {  	[dreg:$0x5] =	wrdreg $0x9  }
0xb3: {  	_ =	task.clear_ibuf [dreg:s8], $0x6FFFF;
	_ =	strace $0x90000049  }
0xb4: {  	s29 =	simm.s32 $0x9;
	_ =	strace $0x8000004B  }
0xb5: {  	_ =	swait.ge [sflag:s29], $0x1  }
0xb6: {  	[sflag:s29] =	ssyncadd.s32 $0xFFFFFFFF  }
0xb7: {  	_ =	strace $0x9000004B  }
0xb8: {  	_ =	sfence  }
0xb9: {  	s30 =	sld [smem:$0x0];
	_ =	sdelay $0x2  }
0xba: {  	s31 =	sshll.u32 s1, $0xD;
	s1 =	sshrl.u32 s1, $0x2  }
0xbb: {  	s3 =	sand.u32 $0x4000, s31;
	s1 =	sadd.s32 s1, s30  }
0xbc: {  	s0 =	sor.u32 s3, s0;
	s1 =	sshll.u32 s1, $0x11  }
0xbd: {  	s0 =	sor.u32 s1, s0  }
0xbe: {  	s0 =	sadd.s32 $0x8F2B, s0  }
0xbf: {  	[sflag:s0] =	ssyncadd.remote.s32 $0x1  }
0xc0: {  	_ =	sfence.sel $0xFFFF  }
0xc1: {  	[dreg:$0x0] =	wrdreg $0xFFFFFFFF;
	(pc) =	sbr.abs _section_cstart, $3  }
0xc2: {  	[dreg:$0x1] =	wrdreg $0xFFFFFFFF  }
0xc3: {  	_ =	task.clear_ibuf [dreg:s8], $0x2FFFF;
	_ =	strace $0x9FFFFFFF  }
0xc4: {  	(tm) =	ssettm $0x7FFFFFFF  }
0xc5: {  	_ =	shalt  }
tec
execute0_lowered:
.L_overlay_start_1:
0x0: {  	(tag) =	ssettag $0x1  }
0x1: {  	s0 =	rddreg [dreg:$0x0]  }
0x2: {  	s1 =	rddreg [dreg:$0x1]  }
0x3: {  	s3 =	simm.s32 $0x0;
	s2 =	srdreg.scid;
	s9 =	stileid.u32  }
0x4: {  	s19 =	simm.s32 $0x2;
	s21 =	simm.s32 $0x50;
	s28 =	simm.s32 $0xA5B0  }
0x5: {  	s29 =	simm.s32 $0xCDB0;
	[smem:$0x7FF] =	sst s3;
	s5 =	sadd.s32 $0x16D800, s0  }
0x6: {  	s24 =	simm.s32 $0x1;
	s6 =	sadd.s32 $0x194A00, s0;
	s7 =	sadd.s32 $0x1E2E00, s0  }
0x7: {  	s2 =	sand.u32 $0x1, s2;
	s8 =	sadd.s32 $0x146600, s0;
	s11 =	sadd.s32 $0x20A000, s0  }
0x8: {  	s12 =	sadd.s32 $0xA0400, s0;
	s13 =	sadd.s32 $0x4000, s0;
	s4 =	sshll.u32 s2, $0x4  }
0x9: {  	_ =	strace $0x8000004A;
	s2 =	ssub.s32 $0x2, s2;
	s4 =	sor.u32 s9, s4  }
0xa: {  	s9 =	sadd.s32 $0x1BBC00, s0;
	s25 =	sshrl.u32 s2, $0x1;
	s10 =	smul.u32 $0x2710, s4  }
0xb: {  	s14 =	smul.u32 $0x12, s4;
	s2 =	ssub.s32 s2, s25;
	p0 =	seq.s32 s4, $0x0  }
0xc: {  	p1 =	sne.s32 s4, $0x0;
	s31 =	smax.u32 s2, $0x1;
	s15 =	sadd.s32 $0xFFFFFFF8, s10  }
0xd: {  	s0 =	sadd.s32 s14, s0;
	s30 =	sshrl.u32 s10, $0x3;
	s15 =	sshrl.u32 s15, $0x3  }
0xe: {  	[dreg:$0x6] =	wrdreg s31;
	s16 =	sadd.s32 $0x13C800, s0;
	s26 =	sadd.s32 s1, s15  }
0xf: {  	s0 =	simm.s32 @!p1 $0x0;
	s1 =	sadd.s32 s1, s30;
	[dreg:$0x4] =	wrdreg s26  }
0x10: {  	s25 =	simm.s32 $0x55B0;
	s0 =	simm.s32 @p1 $0x1;
	[dreg:$0x5] =	wrdreg s1  }
0x11: {  	v0 =	vimm.f32 $0.0e+00;
	v1 =	vimm.s32 $0x7;
	s2 =	simm.s32 $0x0;
	[smem:$0x7FD] =	sst s0;
	s26 =	simm.s32 $0x7DB0  }
.LBB2_1:
0x12: {  	[tilespmem:$0xFEB0] =	vst v0  }
0x13: {  	[tilespmem:$0xFEC0] =	vst v0  }
0x14: {  	[tilespmem:$0xFED0] =	vst v0  }
0x15: {  	[tilespmem:$0xFEE0] =	vst v0  }
0x16: {  	[tilespmem:$0xFEF0] =	vst v0  }
0x17: {  	[tilespmem:$0xFF00] =	vst v0  }
0x18: {  	[tilespmem:$0xFF10] =	vst v0  }
0x19: {  	[dreg:$0x7] =	wrdreg s2;
	[tilespmem:$0xFF20] =	vst v0  }
0x1a: {  	[tilespmem:$0xFF30] =	vst v0;
	s0 =	simm.s32 @!p0 $0x0;
	s2 =	simm.s32 @!p0 $0xA8;
	s1 =	rddreg [dreg:$0x4]  }
0x1b: {  	[tilespmem:s2], [sflag:$0x2] =	stream.linear.gather @!p0 [hbm4b:s1+s0], $0x8, $0x38;
	[tilespmem:$0xFF40] =	vst v63  }
0x1c: {  	s0 =	simm.s32 @!p0 $0x2  }
0x1d: {  	_ =	swait.ge @!p0 [sflag:s0], $0x8  }
0x1e: {  	[sflag:s0] =	ssyncset.done @!p0 $0x0  }
0x1f: {  	s22 =	simm.s32 $0xA0;
	s20 =	rddreg [dreg:$0x5];
	[sflag:s0] =	ssyncadd.s32 @!p0 $0xFFFFFFF8  }
0x20: {  	[tilespmem:s22], [sflag:$0x2] =	stream.linear.gather [hbm4b:s20+s3], $0x8, $0x38;
	[tilespmem:$0xFF40] =	vst v63  }
0x21: {  	_ =	swait.ge [sflag:s19], $0x8  }
0x22: {  	[sflag:s19] =	ssyncset.done $0x0  }
0x23: {  	s23 =	simm.s32 $0xA8;
	[sflag:s19] =	ssyncadd.s32 $0xFFFFFFF8  }
0x24: {  	v2 =	vld.idx.msk [tilespmem:v1+s23+$0x0], $0xffff  }
0x25: {  	v3 =	vld.msk [tilespmem:s22+$0x0], $0xffff;
	_ =	sdelay $0x3  }
0x26: {  	v2 =	vxor.u32 $0x80000000, v2  }
0x27: {  	(xrf0) =	vmax.scan.msk.u32 $0xffff, v2;
	v2 =	vxor.u32 $0x80000000, v3  }
0x28: {  	(xrf0) =	vmax.scan.msk.u32 $0xffff, v2;
	_ =	sdelay $0x4  }
0x29: {  	v2, _, _ =	vpop (xrf0)  }
0x2a: {  	(v2sf) =	vpush v2, $0xF;
	v2, _, _ =	vpop (xrf0)  }
0x2b: {  	(v2sf) =	vpush v2, $0xF;
	_ =	sdelay $0xc  }
0x2c: {  	s31 =	sld [smem:$0x7FD]  }
0x2d: {  	s0 =	spop (v2sf)  }
0x2e: {  	s30 =	spop (v2sf);
	s0 =	simm.s32 @p0 $0x7FFFFFFF  }
0x2f: {  	v10 =	vimm.f32 $0.0e+00;
	v5 =	vimm.f32 $0.0e+00;
	v4 =	vimm.f32 $0.0e+00;
	p1 =	seq.s32 s31, $0x1;
	p2 =	seq.s32 s0, s30  }
0x30: {  	v9 =	vimm.f32 $0.0e+00;
	v8 =	vimm.f32 $0.0e+00;
	v6 =	vimm.f32 $0.0e+00;
	s2 =	simm.s32 $0x0;
	p2 =	por !p1, !p2  }
0x31: {  	v7 =	vimm.f32 $0.0e+00;
	v3 =	vimm.f32 $0.0e+00;
	v2 =	vimm.f32 $0.0e+00;
	s14 =	sxor.u32 $0x80000000, s30;
	s0 =	simm.s32 $0x0;
	p2 =	por !p2, !p2  }
.LBB2_2:
0x32: {  	s4 =	smul.u32 $0x50, s0;
	_ =	sdelay $0x1  }
0x33: {  	s4 =	sadd.s32 s10, s4  }
0x34: {  	s1 =	rddreg [dreg:$0x1];
	s15 =	sshrl.u32 s4, $0x3  }
0x35: {  	s18 =	simm.s32 $0x0;
	s17 =	sadd.s32 s1, s15  }
0x36: {  	[tilespmem:s18], [sflag:$0x2] =	stream.linear.gather [hbm4b:s17+s18], $0x50, $0x38;
	[tilespmem:$0xFF40] =	vst v63  }
0x37: {  	_ =	swait.ge [sflag:s19], $0x50  }
0x38: {  	[sflag:s19] =	ssyncset.done $0x0  }
0x39: {  	[sflag:s19] =	ssyncadd.s32 $0xFFFFFFB0  }
0x3a: {  	s23 =	rddreg [dreg:$0x2]  }
0x3b: {  	s15 =	sadd.s32 s23, s15  }
0x3c: {  	[tilespmem:s21], [sflag:$0x2] =	stream.linear.gather [hbm4b:s15+s18], $0x50, $0x38;
	[tilespmem:$0xFF40] =	vst v63  }
0x3d: {  	_ =	swait.ge [sflag:s19], $0x50  }
0x3e: {  	s1 =	sshll.u32 s4, $0x4;
	[sflag:s19] =	ssyncset.done $0x0  }
0x3f: {  	s17 =	simm.s32 $0xB0;
	s15 =	sadd.s32 s11, s1;
	[sflag:s19] =	ssyncadd.s32 $0xFFFFFFB0  }
0x40: {  	[tilespmem:s17], [sflag:$0x2] =	stream.linear.gather [hbm4b:s15+s18], $0x2800, $0x38;
	[tilespmem:$0xFF40] =	vst v63  }
0x41: {  	_ =	swait.ge [sflag:s19], $0x2800  }
0x42: {  	s4 =	sshll.u32 s4, $0x1;
	[sflag:s19] =	ssyncset.done $0x0  }
0x43: {  	s20 =	sadd.s32 s12, s4;
	s4 =	simm.s32 $0x28B0;
	[sflag:s19] =	ssyncadd.s32 $0xFFFFD800  }
0x44: {  	[tilespmem:s4], [sflag:$0x2] =	stream.linear.gather [hbm4b:s20+s18], $0x500, $0x38;
	[tilespmem:$0xFF40] =	vst v63  }
0x45: {  	_ =	swait.ge [sflag:s19], $0x500  }
0x46: {  	[sflag:s19] =	ssyncset.done $0x0  }
0x47: {  	s22 =	simm.s32 $0x2DB0;
	[sflag:s19] =	ssyncadd.s32 $0xFFFFFB00  }
0x48: {  	[tilespmem:s22], [sflag:$0x1] =	stream.indirect.gather [hbm4b:s5+s21], $0x80, s21, s21, $0xb8;
	[tilespmem:$0xFF40] =	vst v63  }
0x49: {  	_ =	swait.ge [sflag:s24], $0x2800  }
0x4a: {  	[sflag:s24] =	ssyncset.done $0x0  }
0x4b: {  	[sflag:s24] =	ssyncadd.s32 $0xFFFFD800  }
0x4c: {  	[tilespmem:s25], [sflag:$0x1] =	stream.indirect.gather [hbm4b:s6+s21], $0x80, s21, s21, $0xb8;
	[tilespmem:$0xFF40] =	vst v63  }
0x4d: {  	_ =	swait.ge [sflag:s24], $0x2800  }
0x4e: {  	[sflag:s24] =	ssyncset.done $0x0  }
0x4f: {  	[sflag:s24] =	ssyncadd.s32 $0xFFFFD800  }
0x50: {  	[tilespmem:s26], [sflag:$0x1] =	stream.indirect.gather [hbm4b:s7+s21], $0x80, s21, s21, $0xb8;
	[tilespmem:$0xFF40] =	vst v63  }
0x51: {  	_ =	swait.ge [sflag:s24], $0x2800  }
0x52: {  	[sflag:s24] =	ssyncset.done $0x0  }
0x53: {  	[sflag:s24] =	ssyncadd.s32 $0xFFFFD800  }
0x54: {  	[tilespmem:s28], [sflag:$0x1] =	stream.indirect.gather [hbm4b:s8+s21], $0x80, s18, s21, $0xb8;
	[tilespmem:$0xFF40] =	vst v63  }
0x55: {  	_ =	swait.ge [sflag:s24], $0x2800  }
0x56: {  	[sflag:s24] =	ssyncset.done $0x0  }
0x57: {  	v11 =	vmov s18;
	[sflag:s24] =	ssyncadd.s32 $0xFFFFD800  }
0x58: {  	[tilespmem:s29], [sflag:$0x1] =	stream.indirect.gather [hbm4b:s9+s21], $0x80, s18, s21, $0xb8;
	[tilespmem:$0xFF40] =	vst v63  }
0x59: {  	_ =	swait.ge [sflag:s24], $0x2800  }
0x5a: {  	[sflag:s24] =	ssyncset.done $0x0  }
0x5b: {  	[sflag:s24] =	ssyncadd.s32 $0xFFFFD800  }
0x5c: {  	v11 =	vld.idx.msk [tilespmem:v11+s3+$0x0], $0xffff;
	_ =	sdelay $0x4  }
0x5d: {  	v11 =	vxor.u32 $0x80000000, v11  }
0x5e: {  	(xrf0) =	vmax.scan.msk.u32 $0xffff, v11;
	_ =	sdelay $0x5  }
0x5f: {  	v11, _, _ =	vpop (xrf0)  }
0x60: {  	(v2sf) =	vpush v11, $0xF;
	_ =	sdelay $0xe  }
0x61: {  	s23 =	spop (v2sf)  }
0x62: {  	s20 =	sxor.u32 $0x80000000, s23  }
0x63: {  	p4 =	seq.s32 s20, s14  }
0x64: {  	[tilespmem:$0xF5D0] =	vst @!p4 v8  }
0x65: {  	[tilespmem:$0xF5B0] =	vst @!p4 v7  }
0x66: {  	[tilespmem:$0xF620] =	vst @!p4 v5;
	p3 =	por p4, p4  }
0x67: {  	s15 =	smul.u32 @!p4 $0x90, s14;
	[tilespmem:$0xF600] =	vst @!p3 v4  }
0x68: {  	[tilespmem:$0xF5C0] =	vst @!p3 v6  }
0x69: {  	p5 =	seq.s32 @!p4 s2, $0x0;
	[tilespmem:$0xF630] =	vst @!p3 v10;
	s15 =	sshrl.u32 @!p4 s15, $0x3  }
0x6a: {  	s17 =	smov.u32 s16;
	p5 =	por !p5, p4;
	[tilespmem:$0xF5E0] =	vst @!p3 v9;
	s15 =	sadd.s32 @!p4 s13, s15  }
0x6b: {  	s18 =	simm.s32 @!p4 $0xF5B0;
	[tilespmem:$0xF5F0] =	vst @!p3 v3;
	s17 =	smov.u32 @p5 s15;
	p5 =	por !p2, p4  }
0x6c: {  	s30 =	simm.s32 @!p4 $0x2;
	[tilespmem:$0xF610] =	vst @!p3 v2;
	s17 =	smov.u32 @p5 s15;
	s15 =	simm.s32 @!p4 $0x0  }
0x6d: {  	[hbm4b:s17+s15] =	stream.linear.scatter @!p3 [tilespmem:s18], [sflag:$0x2], $0x90, $0x38;
	[tilespmem:$0xFF40] =	vst v63  }
0x6e: {  	_ =	swait.ge @!p3 [sflag:s30], $0x90  }
0x6f: {  	[sflag:s30] =	ssyncset.done @!p3 $0x0  }
0x70: {  	s17 =	simm.s32 $0x0;
	[sflag:s30] =	ssyncadd.s32 @!p3 $0xFFFFFF70  }
0x71: {  	v11 =	vld [tilespmem:s17+$0xCE00]  }
0x72: {  	v24 =	vld [tilespmem:s17+$0xA5B0]  }
0x73: {  	v26 =	vld [tilespmem:s17+$0x2DB0]  }
0x74: {  	v14 =	vld [tilespmem:s17+$0xCDE0]  }
0x75: {  	v27 =	vld [tilespmem:s17+$0xCDB0]  }
0x76: {  	v18 =	vld [tilespmem:s17+$0xA5E0]  }
0x77: {  	v29 =	vld [tilespmem:s17+$0xCDC0]  }
0x78: {  	v33 =	vld [tilespmem:s17+$0x7DC0]  }
0x79: {  	v16 =	vld [tilespmem:s17+$0xD0]  }
0x7a: {  	v19 =	vld [tilespmem:s17+$0xA5D0]  }
0x7b: {  	v20 =	vld [tilespmem:s17+$0xCDD0]  }
0x7c: {  	v13 =	vld [tilespmem:s17+$0x7DD0]  }
0x7d: {  	v15 =	vld [tilespmem:s17+$0x2DD0]  }
0x7e: {  	v23 =	vld [tilespmem:s17+$0xE0]  }
0x7f: {  	v30 =	vld [tilespmem:s17+$0xA5C0]  }
0x80: {  	v31 =	vld [tilespmem:s17+$0x7DB0]  }
0x81: {  	v34 =	vld [tilespmem:s17+$0x2DC0]  }
0x82: {  	v12 =	vld [tilespmem:s17+$0x7DE0]  }
0x83: {  	v17 =	vld [tilespmem:s17+$0x2DE0]  }
0x84: {  	v28 =	vld [tilespmem:s17+$0xF0]  }
0x85: {  	v25 =	vld [tilespmem:s17+$0xA5F0]  }
0x86: {  	s15 =	simm.s32 $0x1;
	v32 =	vld [tilespmem:s17+$0xCDF0]  }
0x87: {  	v35 =	vmov s15;
	v36 =	vld [tilespmem:s17+$0xB0]  }
0x88: {  	v37 =	vld [tilespmem:s17+$0xC0]  }
0x89: {  	v21 =	vmul.f32 v19, v16;
	v20 =	vmul.f32 v20, v16;
	v16 =	vld [tilespmem:s17+$0x7DF0]  }
0x8a: {  	v22 =	vmul.f32 v18, v23;
	v18 =	vmul.f32 v14, v23;
	v14 =	vld [tilespmem:s17+$0x100]  }
0x8b: {  	v25 =	vmul.f32 v25, v28;
	v19 =	vmul.f32 v32, v28;
	v23 =	vld [tilespmem:s17+$0xA600]  }
0x8c: {  	v28 =	vld.idx.msk [tilespmem:v35+s3+$0x0], $0xffff;
	v24 =	vmul.f32 v24, v36;
	v27 =	vmul.f32 v27, v36  }
0x8d: {  	p4 =	sne.s32 s20, s14;
	s14 =	simm.s32 $0x1;
	v62 =	vmul.f32 v30, v37;
	v63 =	vmul.f32 v29, v37;
	v29 =	vld [tilespmem:s17+$0x2DF0]  }
0x8e: {  	s31 =	simm.s32 $0x400;
	s14 =	simm.s32 @!p4 $0x0;
	v32 =	vmul.f32 v26, v24;
	v30 =	vmul.f32 v31, v27;
	v24 =	vld [tilespmem:s17+$0x7E00]  }
0x8f: {  	s18 =	simm.s32 $0x200;
	s30 =	sadd.s32 s14, s2;
	s14 =	simm.s32 $0x28B0;
	v31 =	vmul.f32 v34, v62;
	v27 =	vmul.f32 v33, v63;
	v26 =	vld [tilespmem:s17+$0x2E00]  }
.LBB2_3:
0x90: {  	v13 =	vmul.f32 v13, v20;
	v11 =	vmul.f32 v11, v14;
	v20 =	vld [tilespmem:s17+$0x110];
	s4 =	sadd.s32 $0x10, s4;
	s2 =	smov.u32 s31;
	s31 =	sadd.s32 $0x200, s31  }
0x91: {  	v32 =	vadd.f32 $0.0e+00, v32;
	v15 =	vmul.f32 v15, v21;
	p4 =	sne.s32 s31, $0xA000;
	v21 =	vld [tilespmem:s17+$0xA610]  }
0x92: {  	v12 =	vmul.f32 v12, v18;
	v28 =	vxor.u32 $0x80000000, v28;
	v18 =	vld [tilespmem:s17+$0x2E10]  }
0x93: {  	v17 =	vmul.f32 v17, v22;
	(xrf0) =	vmax.scan.msk.u32 $0xffff, v28;
	v28 =	vadd.f32 v31, v32;
	v22 =	vld [tilespmem:s17+$0x120]  }
0x94: {  	v25 =	vmul.f32 v29, v25;
	v29 =	vld [tilespmem:s17+$0xA620]  }
0x95: {  	v16 =	vmul.f32 v16, v19;
	v15 =	vadd.f32 v15, v28;
	v19 =	vld [tilespmem:s17+$0x2E20]  }
0x96: {  	v28 =	vadd.f32 $0.0e+00, v30;
	v21 =	vmul.f32 v21, v20;
	v30 =	vld [tilespmem:s17+$0xCE10]  }
0x97: {  	v14 =	vmul.f32 v23, v14;
	v11 =	vmul.f32 v24, v11;
	v15 =	vadd.f32 v17, v15;
	v17 =	vld [tilespmem:s17+$0x7E10]  }
0x98: {  	v23 =	vadd.f32 v27, v28;
	v24 =	vld [tilespmem:s17+$0xCE20]  }
0x99: {  	v14 =	vmul.f32 v26, v14;
	v27, _, _ =	vpop (xrf0);
	v15 =	vadd.f32 v25, v15;
	v25 =	vmul.f32 v29, v22;
	v26 =	vld [tilespmem:s17+$0x7E20]  }
0x9a: {  	v13 =	vadd.f32 v13, v23;
	(v2sf) =	vpush v27, $0xF;
	v23 =	vld [tilespmem:s17+$0x55B0]  }
0x9b: {  	v14 =	vadd.f32 v14, v15;
	v15 =	vmul.f32 v18, v21;
	v18 =	vmul.f32 v30, v20;
	v20 =	vld [tilespmem:s17+$0x55D0]  }
0x9c: {  	v12 =	vadd.f32 v12, v13;
	v13 =	vld [tilespmem:s17+$0x5600]  }
0x9d: {  	v14 =	vadd.f32 v15, v14;
	v15 =	vmul.f32 v19, v25;
	v19 =	vld [tilespmem:s17+$0x5620]  }
0x9e: {  	v12 =	vadd.f32 v16, v12;
	v16 =	vld [tilespmem:s17+$0x55C0]  }
0x9f: {  	v14 =	vadd.f32 v15, v14;
	v15 =	vld [tilespmem:s17+$0x55E0]  }
0xa0: {  	v11 =	vadd.f32 v11, v12;
	v12 =	vmul.f32 v17, v18;
	v17 =	vmul.f32 v24, v22;
	v18 =	vld [tilespmem:s17+$0x55F0]  }
0xa1: {  	v21 =	vld [tilespmem:s17+$0x5610];
	(xrf2) =	vadd.scan.msk.f32 $0xffff, v14  }
0xa2: {  	v11 =	vadd.f32 v12, v11;
	v12 =	vmul.f32 v26, v17;
	v14 =	vld [tilespmem:s14+$0x0];
	s14 =	smov.u32 s4;
	_ =	sdelay $0x1  }
0xa3: {  	v11 =	vadd.f32 v12, v11;
	_ =	sdelay $0x1  }
0xa4: {  	(xrf2) =	vadd.scan.msk.f32 $0xffff, v11;
	_ =	sdelay $0x2  }
0xa5: {  	s17 =	spop (v2sf)  }
0xa6: {  	s17 =	sxor.u32 $0x80000000, s17  }
0xa7: {  	p5 =	seq.s32 s17, s20  }
0xa8: {  	p6 =	sne.s32 s17, s20;
	v11, _, _ =	vpop (xrf2);
	s1 =	smul.u32 @!p5 $0x90, s20;
	s20 =	simm.s32 $0x1  }
0xa9: {  	v10 =	vpsel !p3, $0x0, v10;
	v9 =	vpsel !p3, $0x0, v9;
	p1 =	seq.s32 @!p5 s30, $0x0;
	v11 =	vbroadcast v11, $0xF;
	s20 =	simm.s32 @!p6 $0x0  }
0xaa: {  	v5 =	vpsel !p3, $0x0, v5;
	v8 =	vpsel !p3, $0x0, v8;
	v7 =	vpsel !p3, $0x0, v7;
	p6 =	por !p1, p5;
	s30 =	sadd.s32 s20, s30;
	s20 =	smov.u32 s17  }
0xab: {  	v6 =	vpsel !p3, $0x0, v6;
	s1 =	sshrl.u32 @!p5 s1, $0x3;
	v12 =	vmul.f32 v11, v23;
	v17 =	vmul.f32 v20, v11  }
0xac: {  	v4 =	vpsel !p3, $0x0, v4;
	v13 =	vmul.f32 v13, v11;
	v19 =	vmul.f32 v19, v11;
	s17 =	smov.u32 s16;
	s1 =	sadd.s32 @!p5 s13, s1  }
0xad: {  	p1 =	por !p2, p5;
	s17 =	smov.u32 @p6 s1;
	v7 =	vadd.f32 v12, v7;
	v12 =	vmul.f32 v11, v16;
	v8 =	vadd.f32 v17, v8;
	v16, _, _ =	vpop (xrf2)  }
0xae: {  	v4 =	vadd.f32 v13, v4;
	v5 =	vadd.f32 v19, v5;
	s17 =	smov.u32 @p1 s1;
	v13 =	vbroadcast v16, $0xF  }
0xaf: {  	v6 =	vadd.f32 v12, v6;
	v12 =	vmul.f32 v15, v11;
	v15 =	vmul.f32 v18, v11;
	[tilespmem:$0xF5D0] =	vst @!p5 v8  }
0xb0: {  	v3 =	vpsel !p3, $0x0, v3;
	s1 =	simm.s32 @!p5 $0x0;
	v11 =	vmul.f32 v21, v11;
	[tilespmem:$0xF5B0] =	vst @!p5 v7;
	v13 =	vmul.f32 v14, v13  }
0xb1: {  	v2 =	vpsel !p3, $0x0, v2;
	s22 =	simm.s32 @!p5 $0xF5B0;
	s23 =	simm.s32 @!p5 $0x2;
	p3 =	por p5, p5;
	v9 =	vadd.f32 v12, v9;
	v3 =	vadd.f32 v15, v3;
	[tilespmem:$0xF620] =	vst @!p5 v5  }
0xb2: {  	v2 =	vadd.f32 v11, v2;
	[tilespmem:$0xF600] =	vst @!p3 v4;
	v10 =	vadd.f32 v13, v10  }
0xb3: {  	[tilespmem:$0xF5C0] =	vst @!p3 v6  }
0xb4: {  	[tilespmem:$0xF630] =	vst @!p3 v10  }
0xb5: {  	[tilespmem:$0xF5E0] =	vst @!p3 v9  }
0xb6: {  	[tilespmem:$0xF5F0] =	vst @!p3 v3  }
0xb7: {  	[tilespmem:$0xF610] =	vst @!p3 v2  }
0xb8: {  	[hbm4b:s17+s1] =	stream.linear.scatter @!p3 [tilespmem:s22], [sflag:$0x2], $0x90, $0x38;
	[tilespmem:$0xFF40] =	vst v63  }
0xb9: {  	_ =	swait.ge @!p3 [sflag:s23], $0x90  }
0xba: {  	[sflag:s23] =	ssyncset.done @!p3 $0x0  }
0xbb: {  	s17 =	sshra.s32 s18, $0x2;
	s18 =	smov.u32 s2;
	[sflag:s23] =	ssyncadd.s32 @!p3 $0xFFFFFF70  }
0xbc: {  	v11 =	vld [tilespmem:s17+$0xCE00]  }
0xbd: {  	v24 =	vld [tilespmem:s17+$0xA5B0]  }
0xbe: {  	v26 =	vld [tilespmem:s17+$0x2DB0]  }
0xbf: {  	v14 =	vld [tilespmem:s17+$0xCDE0]  }
0xc0: {  	v27 =	vld [tilespmem:s17+$0xCDB0]  }
0xc1: {  	v16 =	vld [tilespmem:s17+$0xA5E0]  }
0xc2: {  	v29 =	vld [tilespmem:s17+$0xCDC0]  }
0xc3: {  	v33 =	vld [tilespmem:s17+$0x7DC0]  }
0xc4: {  	v12 =	vld [tilespmem:s17+$0xD0]  }
0xc5: {  	v17 =	vld [tilespmem:s17+$0xA5D0]  }
0xc6: {  	v18 =	vld [tilespmem:s17+$0xCDD0]  }
0xc7: {  	v13 =	vld [tilespmem:s17+$0x7DD0]  }
0xc8: {  	v15 =	vld [tilespmem:s17+$0x2DD0]  }
0xc9: {  	v19 =	vld [tilespmem:s17+$0xE0]  }
0xca: {  	v30 =	vld [tilespmem:s17+$0xA5C0];
	v21 =	vmul.f32 v17, v12  }
0xcb: {  	v31 =	vld [tilespmem:s17+$0x7DB0];
	v20 =	vmul.f32 v18, v12  }
0xcc: {  	v34 =	vld [tilespmem:s17+$0x2DC0]  }
0xcd: {  	v12 =	vld [tilespmem:s17+$0x7DE0]  }
0xce: {  	v17 =	vld [tilespmem:s17+$0x2DE0];
	v22 =	vmul.f32 v16, v19;
	v18 =	vmul.f32 v14, v19  }
0xcf: {  	v19 =	vld [tilespmem:s17+$0xF0]  }
0xd0: {  	v14 =	vld [tilespmem:s17+$0xA5F0]  }
0xd1: {  	s15 =	sadd.s32 $0x1, s15;
	v23 =	vld [tilespmem:s17+$0xCDF0]  }
0xd2: {  	v28 =	vmov s15;
	v32 =	vld [tilespmem:s17+$0xB0]  }
0xd3: {  	v35 =	vld [tilespmem:s17+$0xC0]  }
0xd4: {  	v16 =	vld [tilespmem:s17+$0x7DF0]  }
0xd5: {  	v25 =	vmul.f32 v14, v19;
	v14 =	vld [tilespmem:s17+$0x100]  }
.Ltmp0:
0xd6: {  	v19 =	vmul.f32 v23, v19;
	v23 =	vld [tilespmem:s17+$0xA600];
	(pc) =	sbr.rel @p4 .LBB2_3-.Ltmp0, $4  }
0xd7: {  	v28 =	vld.idx.msk [tilespmem:v28+s3+$0x0], $0xffff;
	v24 =	vmul.f32 v24, v32;
	v27 =	vmul.f32 v27, v32  }
0xd8: {  	v36 =	vmul.f32 v30, v35;
	v35 =	vmul.f32 v29, v35;
	v29 =	vld [tilespmem:s17+$0x2DF0]  }
0xd9: {  	v32 =	vmul.f32 v26, v24;
	v30 =	vmul.f32 v31, v27;
	v24 =	vld [tilespmem:s17+$0x7E00]  }
0xda: {  	v31 =	vmul.f32 v34, v36;
	v27 =	vmul.f32 v33, v35;
	v26 =	vld [tilespmem:s17+$0x2E00]  }
0xdb: {  	v32 =	vadd.f32 $0.0e+00, v32  }
0xdc: {  	v33 =	vld [tilespmem:s17+$0x110]  }
0xdd: {  	v15 =	vmul.f32 v15, v21;
	v56 =	vld [tilespmem:s17+$0xA610];
	v31 =	vadd.f32 v31, v32  }
0xde: {  	v57 =	vld [tilespmem:s17+$0x2E10]  }
0xdf: {  	v17 =	vmul.f32 v17, v22;
	v58 =	vld [tilespmem:s17+$0x120];
	v15 =	vadd.f32 v15, v31  }
0xe0: {  	v59 =	vld [tilespmem:s17+$0xA620]  }
0xe1: {  	v60 =	vmul.f32 v23, v14;
	v25 =	vmul.f32 v29, v25;
	v15 =	vadd.f32 v17, v15  }
0xe2: {  	v30 =	vadd.f32 $0.0e+00, v30;
	v61 =	vld [tilespmem:s17+$0x2E20];
	v28 =	vxor.u32 $0x80000000, v28  }
0xe3: {  	v21 =	vmul.f32 v56, v33;
	v17 =	vmul.f32 v26, v60;
	v15 =	vadd.f32 v25, v15  }
0xe4: {  	v13 =	vmul.f32 v13, v20;
	(xrf0) =	vmax.scan.msk.u32 $0xffff, v28;
	v62 =	vadd.f32 v27, v30  }
0xe5: {  	v63 =	vld [tilespmem:s17+$0xCE10];
	v34 =	vmul.f32 v59, v58;
	v35 =	vmul.f32 v57, v21;
	v15 =	vadd.f32 v17, v15  }
0xe6: {  	v12 =	vmul.f32 v12, v18;
	v29 =	vld [tilespmem:s17+$0x7E10];
	v13 =	vadd.f32 v13, v62  }
0xe7: {  	v30 =	vld [tilespmem:s17+$0xCE20];
	v38 =	vmul.f32 v61, v34;
	v15 =	vadd.f32 v35, v15  }
0xe8: {  	v11 =	vmul.f32 v11, v14;
	v36 =	vmul.f32 v16, v19;
	v12 =	vadd.f32 v12, v13  }
0xe9: {  	v37 =	vld [tilespmem:s17+$0x7E20];
	v41 =	vadd.f32 v38, v15  }
0xea: {  	v11 =	vmul.f32 v24, v11;
	v40 =	vmul.f32 v63, v33;
	v39, _, _ =	vpop (xrf0);
	v12 =	vadd.f32 v36, v12  }
0xeb: {  	(v2sf) =	vpush v39, $0xF;
	(xrf2) =	vadd.scan.msk.f32 $0xffff, v41  }
0xec: {  	v42 =	vmul.f32 v29, v40;
	v43 =	vmul.f32 v30, v58;
	v11 =	vadd.f32 v11, v12;
	_ =	sdelay $0x1  }
0xed: {  	v44 =	vmul.f32 v37, v43;
	v11 =	vadd.f32 v42, v11;
	_ =	sdelay $0x1  }
0xee: {  	v11 =	vadd.f32 v44, v11;
	_ =	sdelay $0x1  }
0xef: {  	(xrf2) =	vadd.scan.msk.f32 $0xffff, v11  }
0xf0: {  	v11 =	vld [tilespmem:s17+$0x55D0]  }
0xf1: {  	v45 =	vld [tilespmem:s17+$0x55B0]  }
0xf2: {  	v46 =	vld [tilespmem:s17+$0x5620];
	v14, _, _ =	vpop (xrf2)  }
0xf3: {  	v47 =	vld [tilespmem:s17+$0x5600];
	v14 =	vbroadcast v14, $0xF  }
0xf4: {  	v48 =	vld [tilespmem:s17+$0x55C0]  }
0xf5: {  	v49 =	vld [tilespmem:s14+$0x0];
	v11 =	vmul.f32 v11, v14  }
0xf6: {  	v50 =	vld [tilespmem:s17+$0x55E0];
	v51 =	vpsel !p3, $0x0, v5;
	v5 =	vpsel !p3, $0x0, v8  }
0xf7: {  	v52 =	vld [tilespmem:s17+$0x55F0];
	v7 =	vpsel !p3, $0x0, v7;
	v4 =	vpsel !p3, $0x0, v4;
	s1 =	spop (v2sf);
	v8 =	vmul.f32 v14, v45  }
0xf8: {  	v6 =	vpsel !p3, $0x0, v6;
	s14 =	sxor.u32 $0x80000000, s1;
	v13 =	vmul.f32 v46, v14;
	v5 =	vadd.f32 v11, v5  }
0xf9: {  	v53 =	vld [tilespmem:s17+$0x5610];
	v10 =	vpsel !p3, $0x0, v10;
	p5 =	seq.s32 s14, s20;
	v15 =	vmul.f32 v47, v14;
	v7 =	vadd.f32 v8, v7;
	v11, _, _ =	vpop (xrf2)  }
0xfa: {  	v16 =	vmul.f32 v14, v48;
	v8 =	vadd.f32 v13, v51;
	[tilespmem:$0xF5D0] =	vst @!p5 v5;
	v11 =	vbroadcast v11, $0xF  }
0xfb: {  	v9 =	vpsel !p3, $0x0, v9;
	v54 =	vmul.f32 v50, v14;
	v4 =	vadd.f32 v15, v4;
	[tilespmem:$0xF5B0] =	vst @!p5 v7  }
0xfc: {  	p4 =	por p5, p5;
	v12 =	vmul.f32 v52, v14;
	v6 =	vadd.f32 v16, v6;
	[tilespmem:$0xF620] =	vst @!p5 v8;
	v11 =	vmul.f32 v49, v11  }
0xfd: {  	v3 =	vpsel !p3, $0x0, v3;
	v55 =	vpsel !p3, $0x0, v2;
	s1 =	smul.u32 @!p5 $0x90, s20;
	v9 =	vadd.f32 v54, v9;
	[tilespmem:$0xF600] =	vst @!p4 v4  }
0xfe: {  	v2 =	vadd.f32 v12, v3;
	[tilespmem:$0xF5C0] =	vst @!p4 v6;
	v10 =	vadd.f32 v11, v10;
	v11 =	vmul.f32 v53, v14  }
0xff: {  	p1 =	seq.s32 @!p5 s30, $0x0;
	s1 =	sshrl.u32 @!p5 s1, $0x3;
	[tilespmem:$0xF5E0] =	vst @!p4 v9  }
0x100: {  	s2 =	smov.u32 s16;
	p1 =	por !p1, p5;
	s1 =	sadd.s32 @!p5 s13, s1;
	[tilespmem:$0xF5F0] =	vst @!p4 v2;
	v3 =	vadd.f32 v11, v55  }
0x101: {  	s2 =	smov.u32 @p1 s1;
	p1 =	por !p2, p5;
	[tilespmem:$0xF630] =	vst @!p4 v10  }
0x102: {  	s15 =	simm.s32 @!p5 $0xF5B0;
	s2 =	smov.u32 @p1 s1;
	s1 =	simm.s32 @!p5 $0x0;
	[tilespmem:$0xF610] =	vst @!p4 v3  }
0x103: {  	[hbm4b:s2+s1] =	stream.linear.scatter @!p4 [tilespmem:s15], [sflag:$0x2], $0x90, $0x38;
	[tilespmem:$0xFF40] =	vst v63  }
0x104: {  	s1 =	simm.s32 @!p5 $0x2  }
0x105: {  	_ =	swait.ge @!p4 [sflag:s1], $0x90  }
0x106: {  	[sflag:s1] =	ssyncset.done @!p4 $0x0  }
0x107: {  	s23 =	sshra.s32 s18, $0x2;
	[sflag:s1] =	ssyncadd.s32 @!p4 $0xFFFFFF70  }
0x108: {  	v11 =	vld [tilespmem:s23+$0xCE00]  }
0x109: {  	v56 =	vld [tilespmem:s23+$0xA5B0]  }
0x10a: {  	v57 =	vld [tilespmem:s23+$0x2DB0]  }
0x10b: {  	v14 =	vld [tilespmem:s23+$0xCDE0]  }
0x10c: {  	v58 =	vld [tilespmem:s23+$0xCDB0]  }
0x10d: {  	v59 =	vld [tilespmem:s23+$0xA5E0]  }
0x10e: {  	v60 =	vld [tilespmem:s23+$0xCDC0]  }
0x10f: {  	v61 =	vld [tilespmem:s23+$0x7DC0]  }
0x110: {  	v62 =	vld [tilespmem:s23+$0xD0]  }
0x111: {  	v63 =	vld [tilespmem:s23+$0xA5D0]  }
0x112: {  	v40 =	vld [tilespmem:s23+$0xCDD0]  }
0x113: {  	v41 =	vld [tilespmem:s23+$0x7DD0]  }
0x114: {  	v42 =	vld [tilespmem:s23+$0x2DD0]  }
0x115: {  	v43 =	vld [tilespmem:s23+$0xE0]  }
0x116: {  	v44 =	vld [tilespmem:s23+$0xA5C0]  }
0x117: {  	v45 =	vld [tilespmem:s23+$0x7DB0]  }
0x118: {  	v46 =	vld [tilespmem:s23+$0x2DC0]  }
0x119: {  	v49 =	vld [tilespmem:s23+$0xB0]  }
0x11a: {  	v47 =	vld [tilespmem:s23+$0x7DE0]  }
0x11b: {  	v51 =	vld [tilespmem:s23+$0xC0]  }
0x11c: {  	v48 =	vld [tilespmem:s23+$0x2DE0]  }
0x11d: {  	v50 =	vld [tilespmem:s23+$0xF0]  }
0x11e: {  	v52 =	vld [tilespmem:s23+$0xA5F0];
	v12 =	vmul.f32 v56, v49  }
0x11f: {  	v36 =	vld [tilespmem:s23+$0x100]  }
0x120: {  	v37 =	vld [tilespmem:s23+$0xA600];
	v25 =	vmul.f32 v44, v51;
	v12 =	vmul.f32 v57, v12  }
0x121: {  	v53 =	vld [tilespmem:s23+$0x2DF0]  }
0x122: {  	v54 =	vld [tilespmem:s23+$0x2E00];
	v20 =	vmul.f32 v63, v62;
	v25 =	vmul.f32 v46, v25;
	v12 =	vadd.f32 $0.0e+00, v12  }
0x123: {  	v55 =	vld [tilespmem:s23+$0x110]  }
0x124: {  	v16 =	vmul.f32 v59, v43;
	v56 =	vld [tilespmem:s23+$0xA610];
	v20 =	vmul.f32 v42, v20;
	v12 =	vadd.f32 v25, v12  }
0x125: {  	v15 =	vmul.f32 v58, v49;
	v17 =	vmul.f32 v60, v51;
	v59 =	vld [tilespmem:s23+$0x120]  }
0x126: {  	v58 =	vmul.f32 v52, v50;
	v60 =	vld [tilespmem:s23+$0xA620];
	v16 =	vmul.f32 v48, v16;
	v12 =	vadd.f32 v20, v12  }
0x127: {  	v19 =	vmul.f32 v40, v62;
	v15 =	vmul.f32 v45, v15;
	v57 =	vld [tilespmem:s23+$0x2E10]  }
0x128: {  	v34 =	vld [tilespmem:s23+$0xCDF0];
	v62 =	vmul.f32 v37, v36;
	v13 =	vmul.f32 v53, v58;
	v12 =	vadd.f32 v16, v12  }
0x129: {  	v63 =	vld [tilespmem:s23+$0x2E20];
	v17 =	vmul.f32 v61, v17;
	v15 =	vadd.f32 $0.0e+00, v15  }
0x12a: {  	v35 =	vld [tilespmem:s23+$0x7DF0];
	v33 =	vmul.f32 v54, v62;
	v29 =	vmul.f32 v56, v55;
	v12 =	vadd.f32 v13, v12  }
0x12b: {  	v32 =	vld [tilespmem:s23+$0xCE10];
	v14 =	vmul.f32 v14, v43;
	v19 =	vmul.f32 v41, v19;
	v15 =	vadd.f32 v17, v15  }
0x12c: {  	v61 =	vld [tilespmem:s23+$0x7E00];
	v18 =	vmul.f32 v60, v59;
	v40 =	vmul.f32 v57, v29;
	v12 =	vadd.f32 v33, v12  }
0x12d: {  	v38 =	vld [tilespmem:s23+$0x7E10];
	v37 =	vmul.f32 v34, v50;
	v14 =	vmul.f32 v47, v14;
	v15 =	vadd.f32 v19, v15  }
0x12e: {  	v39 =	vld [tilespmem:s23+$0xCE20];
	v42 =	vmul.f32 v63, v18;
	v12 =	vadd.f32 v40, v12  }
0x12f: {  	v11 =	vmul.f32 v11, v36;
	v16 =	vmul.f32 v35, v37;
	v14 =	vadd.f32 v14, v15  }
0x130: {  	v41 =	vld [tilespmem:s23+$0x7E20];
	v12 =	vadd.f32 v42, v12  }
0x131: {  	v43 =	vmul.f32 v32, v55;
	v11 =	vmul.f32 v61, v11;
	v14 =	vadd.f32 v16, v14  }
0x132: {  	(xrf2) =	vadd.scan.msk.f32 $0xffff, v12  }
0x133: {  	v44 =	vmul.f32 v38, v43;
	v45 =	vmul.f32 v39, v59;
	v11 =	vadd.f32 v11, v14;
	_ =	sdelay $0x1  }
0x134: {  	v46 =	vmul.f32 v41, v45;
	v11 =	vadd.f32 v44, v11;
	_ =	sdelay $0x1  }
0x135: {  	v11 =	vadd.f32 v46, v11;
	_ =	sdelay $0x1  }
0x136: {  	v49 =	vld [tilespmem:s23+$0x5620];
	(xrf2) =	vadd.scan.msk.f32 $0xffff, v11  }
0x137: {  	v11 =	vld [tilespmem:s23+$0x55D0]  }
0x138: {  	v50 =	vld [tilespmem:s23+$0x55C0]  }
0x139: {  	v47 =	vld [tilespmem:s23+$0x55B0];
	v52, _, _ =	vpop (xrf2)  }
0x13a: {  	v48 =	vld [tilespmem:s23+$0x5600];
	v17 =	vbroadcast v52, $0xF  }
0x13b: {  	v51 =	vld [tilespmem:s23+$0x55E0]  }
0x13c: {  	v9 =	vpsel !p4, $0x0, v9;
	v53 =	vld [tilespmem:s23+$0x55F0];
	v11 =	vmul.f32 v11, v17  }
0x13d: {  	s31 =	sadd.s32 $0x10, s4;
	v5 =	vpsel !p4, $0x0, v5;
	v7 =	vpsel !p4, $0x0, v7;
	v6 =	vpsel !p4, $0x0, v6;
	v54 =	vld [tilespmem:s23+$0x5610]  }
0x13e: {  	v4 =	vpsel !p4, $0x0, v4;
	v55 =	vpsel !p4, $0x0, v8;
	v56 =	vld [tilespmem:s31+$0x0];
	v8 =	vmul.f32 v17, v47  }
0x13f: {  	s0 =	sadd.s32 $0x1, s0;
	p1 =	sne.s32 s14, s20;
	v2 =	vpsel !p4, $0x0, v2;
	s1 =	simm.s32 $0x1;
	v57 =	vmul.f32 v48, v17;
	v58 =	vmul.f32 v49, v17  }
0x140: {  	s1 =	simm.s32 @!p1 $0x0;
	p1 =	sne.s32 s0, $0x7D;
	v59 =	vmul.f32 v17, v50;
	v7 =	vadd.f32 v8, v7;
	v8 =	vadd.f32 v11, v5;
	v11, _, _ =	vpop (xrf2)  }
.Ltmp1:
0x141: {  	v10 =	vpsel !p4, $0x0, v10;
	v60 =	vmul.f32 v51, v17;
	v11 =	vbroadcast v11, $0xF;
	(pc) =	sbr.rel @p1 .LBB2_2-.Ltmp1, $4  }
0x142: {  	v61 =	vmul.f32 v53, v17;
	v62 =	vmul.f32 v54, v17;
	v4 =	vadd.f32 v57, v4  }
0x143: {  	v5 =	vadd.f32 v58, v55;
	v6 =	vadd.f32 v59, v6;
	v11 =	vmul.f32 v56, v11  }
0x144: {  	v63 =	vpsel !p4, $0x0, v3;
	v9 =	vadd.f32 v60, v9;
	v3 =	vadd.f32 v61, v2  }
0x145: {  	s2 =	sadd.s32 s1, s30;
	v2 =	vadd.f32 v62, v63;
	v10 =	vadd.f32 v11, v10  }
0x146: {  	[tilespmem:$0xF5B0] =	vst v7  }
0x147: {  	[tilespmem:$0xF5C0] =	vst v6  }
0x148: {  	[tilespmem:$0xF5D0] =	vst v8;
	s0 =	smul.u32 $0x90, s14  }
0x149: {  	[tilespmem:$0xF5E0] =	vst v9  }
0x14a: {  	[tilespmem:$0xF5F0] =	vst v3;
	s0 =	sshrl.u32 s0, $0x3  }
0x14b: {  	[tilespmem:$0xF600] =	vst v4;
	s0 =	sadd.s32 s13, s0  }
0x14c: {  	p1 =	seq.s32 s2, $0x0;
	[tilespmem:$0xF620] =	vst v5;
	s1 =	smov.u32 s0  }
0x14d: {  	[tilespmem:$0xF610] =	vst v2;
	s1 =	smov.u32 @p1 s16  }
0x14e: {  	s23 =	simm.s32 $0xF5B0;
	[tilespmem:$0xF630] =	vst v10;
	s0 =	smov.u32 @p2 s1  }
0x14f: {  	[hbm4b:s0+s3] =	stream.linear.scatter [tilespmem:s23], [sflag:$0x2], $0x90, $0x38;
	[tilespmem:$0xFF40] =	vst v63  }
0x150: {  	_ =	swait.ge [sflag:s19], $0x90  }
0x151: {  	[sflag:s19] =	ssyncset.done $0x0  }
0x152: {  	s1 =	simm.s32 @!p2 $0xFEB0;
	s0 =	simm.s32 @!p2 $0x0;
	[sflag:s19] =	ssyncadd.s32 $0xFFFFFF70  }
0x153: {  	[hbm4b:s16+s0] =	stream.linear.scatter @!p2 [tilespmem:s1], [sflag:$0x2], $0x90, $0x38;
	[tilespmem:$0xFF40] =	vst v63  }
0x154: {  	s0 =	simm.s32 @!p2 $0x2  }
0x155: {  	_ =	swait.ge @!p2 [sflag:s0], $0x90  }
0x156: {  	s30 =	rddreg [dreg:$0x7]  }
0x157: {  	s31 =	rddreg [dreg:$0x6];
	s2 =	sadd.s32 $0x1, s30  }
0x158: {  	p1 =	sne.s32 s2, s31  }
.Ltmp2:
0x159: {  	_ = 	snop;
	(pc) =	sbr.rel @p1 .LBB2_1-.Ltmp2, $3  }
0x15a: {  	_ =	sdelay $0x1  }
0x15b: {  	[sflag:s0] =	ssyncset.done @!p2 $0x0  }
0x15c: {  	[sflag:s0] =	ssyncadd.s32 @!p2 $0xFFFFFF70  }
0x15d: {  	_ =	sfence.sel $0x180000  }
0x15e: {  	[bflag:$0x0] =	sbarrier.arrive $0xFFFF  }
0x15f: {  	_ =	strace $0x9000004A  }
0x160: {  	s0 =	stileid.u32;
	[bflag:$0x2] =	sbarrier.arrive $0xFFFF  }
0x161: {  	p0 =	sne.s32 s0, $0x0;
	s0 =	rddreg [dreg:$0x3]  }
0x162: {  	s0 =	sadd.s32 @!p0 $0x100000, s0  }
0x163: {  	[sflag:s0] =	ssyncadd.tile.s32 @!p0 $0x1;
	_ =	shalt  }
.Lfunc_end2:
_tile_overlayer_lowered:
.L_overlay_start_2:
0x164: {  	(tag) =	ssettag $0x2  }
0x165: {  	s0 =	rddreg [dreg:$0x0];
	s2 =	stileid.u32  }
0x166: {  	s1 =	rddreg [dreg:$0x1];
	p0 =	sne.s32 s2, $0x0  }
0x167: {  	s3 =	rddreg [dreg:$0x2];
	[bflag:$0x3] =	sbarrier.arrive $0xFFFF;
	s2 =	simm.s32 @!p0 $0x1C02  }
0x168: {  	[timem:s3], [sflag:s2] =	dma.local @!p0 [hbm:s0], s1  }
0x169: {  	s0 =	simm.s32 @!p0 $0x2  }
0x16a: {  	_ =	swait.ge @!p0 [sflag:s0], s1  }
0x16b: {  	s1 =	ssub.s32 @!p0 $0x0, s1;
	[sflag:s0] =	ssyncset.done @!p0 $0x0  }
0x16c: {  	[sflag:s0] =	ssyncadd.s32 @!p0 s1  }
0x16d: {  	[bflag:$0x3] =	sbarrier.arrive $0xFFFF  }
0x16e: {  	_ =	shalt  }

// kernel: scatter_offload_async_start
scs
__scs_entry_jumppad:
0x0: {  	(pc) =	sbr.rel $0x88, $3  }
0x1: {  	(tag) =	ssettag $0x0;
	lr =	simm.s32 $0x1  }
0x2: {  	[smem:$0x3F8D] =	sst lr;
	_ =	strace $0xD0000000  }
0x3: {  	_ = 	snop  }
0x4: {  	_ = 	snop  }
0x5: {  	_ = 	snop  }
0x6: {  	_ = 	snop  }
0x7: {  	_ = 	snop  }
__scs_overlays_trampoline_lowered:
0x8: {  	[smem:$0x3F9C] =	sst s0  }
0x9: {  	[smem:$0x3F9D] =	sst s1  }
0xa: {  	[smem:$0x3F9E] =	sst s2  }
0xb: {  	[smem:$0x3F9F] =	sst s3  }
0xc: {  	[smem:$0x3FA0] =	sst s4  }
0xd: {  	[smem:$0x3FA1] =	sst s5  }
0xe: {  	[smem:$0x3FA2] =	sst s6  }
0xf: {  	[smem:$0x3FA3] =	sst s7  }
0x10: {  	[smem:$0x3FA4] =	sst s8  }
0x11: {  	[smem:$0x3FA5] =	sst s9;
	s0 =	simm.s32 @!p0 $0x0  }
0x12: {  	s1 =	sld [smem:$0x3F8B];
	s0 =	simm.s32 @p0 $0x1  }
0x13: {  	[smem:$0x3FA6] =	sst s0;
	s0 =	simm.s32 @!p1 $0x0  }
0x14: {  	s2 =	sld [smem:$0x3F8A];
	s0 =	simm.s32 @p1 $0x1  }
0x15: {  	[smem:$0x3FA7] =	sst s0;
	s0 =	simm.s32 @!p2 $0x0  }
0x16: {  	s3 =	sld [smem:$0x3FDB];
	s0 =	simm.s32 @p2 $0x1  }
0x17: {  	s4 =	simm.s32 $0x1BF5;
	[smem:$0x3FA9] =	sst s0  }
0x18: {  	s0 =	sld [smem:$0x3F8C];
	_ =	swait.ge [sflag:s4], $0x0  }
0x19: {  	s7 =	sld [smem:$0x3F8D]  }
0x1a: {  	s8 =	sadd.s32 $0xFFFFE003, lr  }
0x1b: {  	s9 =	sadd.s32 $0xFFFFFEF7, lr;
	s5 =	simm.s32 $0xFFFFFFFF;
	p2 =	slt.u32 s8, $0xFFFFF086  }
0x1c: {  	p1 =	slt.u32 s9, $0xF7A;
	s5 =	simm.s32 @!p2 $0x0  }
0x1d: {  	s5 =	simm.s32 @p1 $0x1;
	p0 =	seq.s32 s7, s2  }
0x1e: {  	s7 =	smul.u32 @!p0 $0xF7A, s2;
	p2 =	seq.s32 @!p0 s5, $0x0  }
0x1f: {  	s9 =	smul.u32 $0xF7A, s1;
	s8 =	simm.s32 @!p0 $0x1BF5;
	p2 =	por !p2, p0  }
0x20: {  	[sflag:s8] =	ssyncset.s32 @!p0 $0xFFFFF086;
	s6 =	sadd.s32 @!p0 s3, s7;
	s7 =	simm.s32 @!p0 $0x108  }
0x21: {  	s3 =	sadd.s32 s3, s9;
	s6 =	sadd.s32 @!p0 $0x88, s6;
	s7 =	simm.s32 @p2 $0x1082  }
0x22: {  	[simem:s7], [sflag:s8] =	dma.local @!p0 [hbm:s6], $0xF7A  }
0x23: {  	s9 =	sor.u32 $0xD0000000, s2;
	s6 =	simm.s32 $0x108;
	_ =	swait.ge @!p0 [sflag:s8], $0x0  }
0x24: {  	s3 =	sadd.s32 $0x88, s3;
	s6 =	simm.s32 @!p1 $0x1082;
	[sflag:s4] =	ssyncset.s32 $0xFFFFF086  }
0x25: {  	[simem:s6], [sflag:s4] =	dma.local [hbm:s3], $0xF7A  }
0x26: {  	[smem:$0x3F8D] =	sst s1;
	(tag) =	ssettag s2;
	_ =	strace s9  }
0x27: {  	s1 =	sld [smem:$0x3F9D]  }
0x28: {  	s2 =	sld [smem:$0x3F9E]  }
0x29: {  	s4 =	sld [smem:$0x3FA0]  }
0x2a: {  	p0 =	seq.s32 s5, $0x0;
	s5 =	sld [smem:$0x3FA1]  }
0x2b: {  	s6 =	sld [smem:$0x3FA2]  }
0x2c: {  	s7 =	sld [smem:$0x3FA3]  }
0x2d: {  	s3 =	simm.s32 $0x108;
	s8 =	sld [smem:$0x3FA4]  }
0x2e: {  	s3 =	simm.s32 @!p0 $0x1082;
	s9 =	sld [smem:$0x3FA5]  }
0x2f: {  	lr =	sadd.s32 s0, s3;
	s0 =	sld [smem:$0x3F9C]  }
0x30: {  	s3 =	sld [smem:$0x3F9F]  }
0x31: {  	[smem:$0x3FA8] =	sst s10  }
0x32: {  	s10 =	sld [smem:$0x3FA6];
	_ =	sdelay $0x3  }
0x33: {  	p0 =	seq.s32 s10, $0x1;
	s10 =	sld [smem:$0x3FA8];
	_ =	sdelay $0x3  }
0x34: {  	[smem:$0x3FA8] =	sst s10  }
0x35: {  	s10 =	sld [smem:$0x3FA7];
	_ =	sdelay $0x3  }
0x36: {  	p1 =	seq.s32 s10, $0x1;
	s10 =	sld [smem:$0x3FA8];
	_ =	sdelay $0x3  }
0x37: {  	[smem:$0x3FA8] =	sst s10  }
0x38: {  	s10 =	sld [smem:$0x3FA9]  }
0x39: {  	_ = 	snop;
	(pc) =	sbr.ind lr, $3  }
0x3a: {  	_ = 	snop  }
0x3b: {  	_ = 	snop  }
0x3c: {  	p2 =	seq.s32 s10, $0x1;
	s10 =	sld [smem:$0x3FA8]  }
0x3d: {  	_ =	shalt  }
0x3e: {  	_ =	shalt  }
0x3f: {  	_ =	shalt  }
0x40: {  	_ =	shalt  }
0x41: {  	_ =	shalt  }
0x42: {  	_ =	shalt  }
0x43: {  	_ =	shalt  }
0x44: {  	_ =	shalt  }
0x45: {  	_ =	shalt  }
0x46: {  	_ =	shalt  }
0x47: {  	_ =	shalt  }
0x48: {  	_ =	shalt  }
0x49: {  	_ =	shalt  }
0x4a: {  	_ =	shalt  }
0x4b: {  	_ =	shalt  }
0x4c: {  	_ =	shalt  }
0x4d: {  	_ =	shalt  }
0x4e: {  	_ =	shalt  }
0x4f: {  	_ =	shalt  }
0x50: {  	_ =	shalt  }
0x51: {  	_ =	shalt  }
0x52: {  	_ =	shalt  }
0x53: {  	_ =	shalt  }
0x54: {  	_ =	shalt  }
0x55: {  	_ =	shalt  }
0x56: {  	_ =	shalt  }
0x57: {  	_ =	shalt  }
0x58: {  	_ =	shalt  }
0x59: {  	_ =	shalt  }
0x5a: {  	_ =	shalt  }
0x5b: {  	_ =	shalt  }
0x5c: {  	_ =	shalt  }
0x5d: {  	_ =	shalt  }
0x5e: {  	_ =	shalt  }
0x5f: {  	_ =	shalt  }
0x60: {  	_ =	shalt  }
0x61: {  	_ =	shalt  }
0x62: {  	_ =	shalt  }
0x63: {  	_ =	shalt  }
0x64: {  	_ =	shalt  }
0x65: {  	_ =	shalt  }
0x66: {  	_ =	shalt  }
0x67: {  	_ =	shalt  }
0x68: {  	_ =	shalt  }
0x69: {  	_ =	shalt  }
0x6a: {  	_ =	shalt  }
0x6b: {  	_ =	shalt  }
0x6c: {  	_ =	shalt  }
0x6d: {  	_ =	shalt  }
0x6e: {  	_ =	shalt  }
0x6f: {  	_ =	shalt  }
0x70: {  	_ =	shalt  }
0x71: {  	_ =	shalt  }
0x72: {  	_ =	shalt  }
0x73: {  	_ =	shalt  }
0x74: {  	_ =	shalt  }
0x75: {  	_ =	shalt  }
0x76: {  	_ =	shalt  }
0x77: {  	_ =	shalt  }
0x78: {  	_ =	shalt  }
0x79: {  	_ =	shalt  }
0x7a: {  	_ =	shalt  }
0x7b: {  	_ =	shalt  }
0x7c: {  	_ =	shalt  }
0x7d: {  	_ =	shalt  }
0x7e: {  	_ =	shalt  }
0x7f: {  	_ =	shalt  }
0x80: {  	_ =	shalt  }
0x81: {  	_ =	shalt  }
0x82: {  	_ =	shalt  }
0x83: {  	_ =	shalt  }
0x84: {  	_ =	shalt  }
0x85: {  	_ =	shalt  }
0x86: {  	_ =	shalt  }
0x87: {  	_ =	shalt  }
.Lfunc_end0:
.L_simem_size_0:
called_computation_lowered:
.L_overlay_start_0:
0x88: {  	s0 =	sld [smem:$0x3FD9]  }
0x89: {  	s1 =	sld [smem:$0x3FFE];
	_ =	sdelay $0x3  }
0x8a: {  	s0 =	sadd.s32 s1, s0  }
0x8b: {  	[smem:$0x3FB4] =	sst s0  }
0x8c: {  	_ = 	snop  }
0x8d: {  	s0 =	sld [smem:$0x3FD0];
	_ =	sdelay $0x2  }
0x8e: {  	s13 =	simm.s32 $0xA;
	s2 =	simm.s32 $0x10  }
0x8f: {  	[smem:s2], [sflag:s13] =	dma.local [hbm:s0], $0x1  }
0x90: {  	_ =	swait.eq [sflag:s13], $0x1  }
0x91: {  	[sflag:s13] =	ssyncset.done $0x0  }
0x92: {  	[sflag:s13] =	ssyncadd.s32 $0xFFFFFFFF  }
0x93: {  	s14 =	sld [smem:$0x11];
	(tm) =	ssettm $0x1  }
0x94: {  	s15 =	sld [smem:$0x3FFB];
	_ =	sdelay $0x3  }
0x95: {  	_ =	strace s15  }
0x96: {  	s1 =	sld [smem:$0x3FFC];
	_ =	sdelay $0x3  }
0x97: {  	_ =	strace s1  }
0x98: {  	s1 =	sld [smem:$0x3FFD];
	_ =	sdelay $0x3  }
0x99: {  	_ =	strace s1  }
0x9a: {  	_ =	strace $0x8FFFFFFF  }
0x9b: {  	s16 =	sld [smem:$0x3FDB];
	_ =	sdelay $0x1  }
0x9c: {  	s17 =	simm.s32 $_scs_section_size  }
0x9d: {  	s3 =	simm.s32 $_size__tile_overlayer_lowered;
	s4 =	simm.s32 $_tile_overlayer_lowered  }
0x9e: {  	s20 =	simm.s32 $0x1BFF;
	s19 =	sshll.u32 s4, $0x1;
	s1 =	sadd.s32 s17, s16  }
0x9f: {  	s5 =	simm.s32 $0x0;
	s18 =	sshll.u32 s3, $0x1;
	s3 =	sadd.s32 s19, s1  }
0xa0: {  	[timem:s5], [sflag:s20] =	dma.local [hbm:s3], s18  }
0xa1: {  	_ =	swait.ge [sflag:s20], s18  }
0xa2: {  	s2 =	ssub.s32 $0x0, s18;
	[sflag:s20] =	ssyncset.done $0x0  }
0xa3: {  	[sflag:s20] =	ssyncadd.s32 s2;
	_ =	sdelay $0x1  }
0xa4: {  	s21 =	simm.s32 $0x1B8B  }
0xa5: {  	_ =	swait.ge [sflag:s21], $0x1  }
0xa6: {  	[sflag:s21] =	ssyncset.done $0x0  }
0xa7: {  	s23 =	simm.s32 $0x1B8E;
	s22 =	sld [smem:$0x3FFE];
	[sflag:s21] =	ssyncadd.s32 $0xFFFFFFFF  }
0xa8: {  	s24 =	simm.s32 $execute0_lowered;
	[smem:$0x3FD2] =	sst s23  }
0xa9: {  	s3 =	sshll.u32 s24, $0x1;
	_ =	strace $0x8000004C;
	[dreg:$0x1] =	wrdreg $0xFFFFFFFF  }
0xaa: {  	s25 =	simm.s32 $_size_execute0_lowered;
	s1 =	sadd.s32 s1, s3;
	[dreg:$0x0] =	wrdreg $0x0  }
0xab: {  	s3 =	sshll.u32 s25, $0x1;
	[dreg:$0x2] =	wrdreg s1  }
0xac: {  	[dreg:$0x3] =	wrdreg s3  }
0xad: {  	[dreg:$0x4] =	wrdreg $0xC0  }
0xae: {  	_ =	task [dreg:s5], $0x5FFFF  }
0xaf: {  	[dreg:$0x1] =	wrdreg $0xFFFFFFFF  }
0xb0: {  	[dreg:$0x0] =	wrdreg $0x60  }
0xb1: {  	[dreg:$0x2] =	wrdreg s22  }
0xb2: {  	[dreg:$0x3] =	wrdreg s14  }
0xb3: {  	[dreg:$0x4] =	wrdreg $0x9  }
0xb4: {  	_ =	task.clear_ibuf [dreg:s5], $0x5FFFF;
	_ =	strace $0x9000004C  }
0xb5: {  	s26 =	simm.s32 $0x9;
	_ =	strace $0x8000004E  }
0xb6: {  	_ =	swait.ge [sflag:s26], $0x1  }
0xb7: {  	[sflag:s26] =	ssyncadd.s32 $0xFFFFFFFF  }
0xb8: {  	_ =	strace $0x9000004E  }
0xb9: {  	_ =	sfence  }
0xba: {  	s28 =	sld [smem:$0x0];
	_ =	sdelay $0x1  }
0xbb: {  	s29 =	srdreg.scid  }
0xbc: {  	s30 =	sshll.u32 s29, $0xD;
	s31 =	sshrl.u32 s29, $0x2  }
0xbd: {  	s2 =	sand.u32 $0x4000, s30;
	s1 =	sand.u32 $0x1, s29;
	s0 =	sadd.s32 s31, s28  }
0xbe: {  	s1 =	sor.u32 s2, s1;
	s0 =	sshll.u32 s0, $0x11  }
0xbf: {  	s0 =	sor.u32 s0, s1  }
0xc0: {  	s0 =	sadd.s32 $0x8F2B, s0  }
0xc1: {  	[sflag:s0] =	ssyncadd.remote.s32 $0x1  }
0xc2: {  	_ =	sfence.sel $0xFFFF  }
0xc3: {  	[dreg:$0x0] =	wrdreg $0xFFFFFFFF;
	(pc) =	sbr.abs _section_cstart, $3  }
0xc4: {  	[dreg:$0x1] =	wrdreg $0xFFFFFFFF  }
0xc5: {  	_ =	task.clear_ibuf [dreg:s5], $0x2FFFF;
	_ =	strace $0x9FFFFFFF  }
0xc6: {  	(tm) =	ssettm $0x7FFFFFFF  }
0xc7: {  	_ =	shalt  }
tec
execute0_lowered:
.L_overlay_start_1:
0x0: {  	(tag) =	ssettag $0x1  }
0x1: {  	s10 =	rddreg [dreg:$0x0]  }
0x2: {  	s2 =	rddreg [dreg:$0x1];
	_ =	strace $0x8000004D;
	s3 =	simm.s32 $0x1  }
0x3: {  	v0 =	vimm.s32 $0x0;
	[sflag:s3] =	ssyncpa.u1 $0x0  }
0x4: {  	[tilespmem:$0x128] =	vst v0  }
0x5: {  	[tilespmem:$0x138] =	vst v0  }
0x6: {  	[tilespmem:$0x148] =	vst v0  }
0x7: {  	[tilespmem:$0x158] =	vst v0  }
0x8: {  	[tilespmem:$0x168] =	vst v0  }
0x9: {  	[tilespmem:$0x178] =	vst v0  }
0xa: {  	[tilespmem:$0x188] =	vst v0  }
0xb: {  	[tilespmem:$0x198] =	vst v0  }
0xc: {  	[tilespmem:$0x1A8] =	vst v0  }
0xd: {  	[tilespmem:$0x1B8] =	vst v0  }
0xe: {  	[tilespmem:$0x1C8] =	vst v0  }
0xf: {  	[tilespmem:$0x1D8] =	vst v0  }
0x10: {  	[tilespmem:$0x1E8] =	vst v0  }
0x11: {  	[tilespmem:$0x1F8] =	vst v0  }
0x12: {  	[tilespmem:$0x208] =	vst v0  }
0x13: {  	[tilespmem:$0x218] =	vst v0  }
0x14: {  	[tilespmem:$0x228] =	vst v0  }
0x15: {  	[tilespmem:$0x238] =	vst v0  }
0x16: {  	[tilespmem:$0x248] =	vst v0  }
0x17: {  	[tilespmem:$0x258] =	vst v0  }
0x18: {  	[tilespmem:$0x268] =	vst v0  }
0x19: {  	[tilespmem:$0x278] =	vst v0  }
0x1a: {  	[tilespmem:$0x288] =	vst v0  }
0x1b: {  	[tilespmem:$0x298] =	vst v0  }
0x1c: {  	[tilespmem:$0x2A8] =	vst v0  }
0x1d: {  	[tilespmem:$0x2B8] =	vst v0  }
0x1e: {  	[tilespmem:$0x2C8] =	vst v0  }
0x1f: {  	[tilespmem:$0x2D8] =	vst v0  }
0x20: {  	[tilespmem:$0x2E8] =	vst v0  }
0x21: {  	[tilespmem:$0x2F8] =	vst v0  }
0x22: {  	[tilespmem:$0x308] =	vst v0  }
0x23: {  	[tilespmem:$0x318] =	vst v0  }
0x24: {  	[tilespmem:$0x328] =	vst v0  }
0x25: {  	[tilespmem:$0x338] =	vst v0  }
0x26: {  	[tilespmem:$0x348] =	vst v0  }
0x27: {  	[tilespmem:$0x358] =	vst v0  }
0x28: {  	[tilespmem:$0x368] =	vst v0  }
0x29: {  	[tilespmem:$0x378] =	vst v0  }
0x2a: {  	[tilespmem:$0x388] =	vst v0  }
0x2b: {  	[tilespmem:$0x398] =	vst v0  }
0x2c: {  	[tilespmem:$0x3A8] =	vst v0  }
0x2d: {  	[tilespmem:$0x3B8] =	vst v0  }
0x2e: {  	[tilespmem:$0x3C8] =	vst v0  }
0x2f: {  	[tilespmem:$0x3D8] =	vst v0  }
0x30: {  	[tilespmem:$0x3E8] =	vst v0  }
0x31: {  	[tilespmem:$0x3F8] =	vst v0  }
0x32: {  	[tilespmem:$0x408] =	vst v0  }
0x33: {  	[tilespmem:$0x418] =	vst v0  }
0x34: {  	[tilespmem:$0x428] =	vst v0  }
0x35: {  	[tilespmem:$0x438] =	vst v0  }
0x36: {  	[tilespmem:$0x448] =	vst v0  }
0x37: {  	[tilespmem:$0x458] =	vst v0  }
0x38: {  	[tilespmem:$0x468] =	vst v0  }
0x39: {  	[tilespmem:$0x478] =	vst v0  }
0x3a: {  	[tilespmem:$0x488] =	vst v0  }
0x3b: {  	[tilespmem:$0x498] =	vst v0  }
0x3c: {  	[tilespmem:$0x4A8] =	vst v0  }
0x3d: {  	[tilespmem:$0x4B8] =	vst v0  }
0x3e: {  	[tilespmem:$0x4C8] =	vst v0  }
0x3f: {  	[tilespmem:$0x4D8] =	vst v0  }
0x40: {  	[tilespmem:$0x4E8] =	vst v0  }
0x41: {  	[tilespmem:$0x4F8] =	vst v0  }
0x42: {  	[tilespmem:$0x508] =	vst v0  }
0x43: {  	[tilespmem:$0x518] =	vst v0  }
0x44: {  	[tilespmem:$0x528] =	vst v0  }
0x45: {  	[tilespmem:$0x538] =	vst v0  }
0x46: {  	[tilespmem:$0x548] =	vst v0  }
0x47: {  	[tilespmem:$0x558] =	vst v0  }
0x48: {  	[tilespmem:$0x568] =	vst v0  }
0x49: {  	[tilespmem:$0x578] =	vst v0  }
0x4a: {  	[tilespmem:$0x588] =	vst v0  }
0x4b: {  	[tilespmem:$0x598] =	vst v0  }
0x4c: {  	[tilespmem:$0x5A8] =	vst v0  }
0x4d: {  	[tilespmem:$0x5B8] =	vst v0  }
0x4e: {  	[tilespmem:$0x5C8] =	vst v0  }
0x4f: {  	[tilespmem:$0x5D8] =	vst v0  }
0x50: {  	[tilespmem:$0x5E8] =	vst v0  }
0x51: {  	[tilespmem:$0x5F8] =	vst v0  }
0x52: {  	[tilespmem:$0x608] =	vst v0  }
0x53: {  	[tilespmem:$0x618] =	vst v0  }
0x54: {  	[tilespmem:$0x628] =	vst v0  }
0x55: {  	[tilespmem:$0x638] =	vst v0  }
0x56: {  	[tilespmem:$0x648] =	vst v0  }
0x57: {  	[tilespmem:$0x658] =	vst v0  }
0x58: {  	[tilespmem:$0x668] =	vst v0  }
0x59: {  	[tilespmem:$0x678] =	vst v0  }
0x5a: {  	[tilespmem:$0x688] =	vst v0  }
0x5b: {  	[tilespmem:$0x698] =	vst v0  }
0x5c: {  	[tilespmem:$0x6A8] =	vst v0  }
0x5d: {  	[tilespmem:$0x6B8] =	vst v0  }
0x5e: {  	[tilespmem:$0x6C8] =	vst v0  }
0x5f: {  	[tilespmem:$0x6D8] =	vst v0  }
0x60: {  	[tilespmem:$0x6E8] =	vst v0  }
0x61: {  	[tilespmem:$0x6F8] =	vst v0  }
0x62: {  	[tilespmem:$0x708] =	vst v0  }
0x63: {  	[tilespmem:$0x718] =	vst v0  }
0x64: {  	[tilespmem:$0x728] =	vst v0  }
0x65: {  	[tilespmem:$0x738] =	vst v0  }
0x66: {  	[tilespmem:$0x748] =	vst v0  }
0x67: {  	[tilespmem:$0x758] =	vst v0  }
0x68: {  	[tilespmem:$0x768] =	vst v0  }
0x69: {  	[tilespmem:$0x778] =	vst v0  }
0x6a: {  	[tilespmem:$0x788] =	vst v0  }
0x6b: {  	[tilespmem:$0x798] =	vst v0  }
0x6c: {  	[tilespmem:$0x7A8] =	vst v0  }
0x6d: {  	[tilespmem:$0x7B8] =	vst v0  }
0x6e: {  	[tilespmem:$0x7C8] =	vst v0  }
0x6f: {  	[tilespmem:$0x7D8] =	vst v0  }
0x70: {  	[tilespmem:$0x7E8] =	vst v0  }
0x71: {  	[tilespmem:$0x7F8] =	vst v0  }
0x72: {  	[tilespmem:$0x808] =	vst v0  }
0x73: {  	[tilespmem:$0x818] =	vst v0  }
0x74: {  	[tilespmem:$0x828] =	vst v0  }
0x75: {  	[tilespmem:$0x838] =	vst v0  }
0x76: {  	[tilespmem:$0x848] =	vst v0  }
0x77: {  	[tilespmem:$0x858] =	vst v0  }
0x78: {  	[tilespmem:$0x868] =	vst v0  }
0x79: {  	[tilespmem:$0x878] =	vst v0  }
0x7a: {  	[tilespmem:$0x888] =	vst v0  }
0x7b: {  	[tilespmem:$0x898] =	vst v0  }
0x7c: {  	[tilespmem:$0x8A8] =	vst v0  }
0x7d: {  	[tilespmem:$0x8B8] =	vst v0  }
0x7e: {  	[tilespmem:$0x8C8] =	vst v0  }
0x7f: {  	[tilespmem:$0x8D8] =	vst v0  }
0x80: {  	[tilespmem:$0x8E8] =	vst v0  }
0x81: {  	[tilespmem:$0x8F8] =	vst v0  }
0x82: {  	[tilespmem:$0x908] =	vst v0  }
0x83: {  	[tilespmem:$0x918] =	vst v0  }
0x84: {  	[tilespmem:$0x928] =	vst v0  }
0x85: {  	[tilespmem:$0x938] =	vst v0  }
0x86: {  	[tilespmem:$0x948] =	vst v0  }
0x87: {  	[tilespmem:$0x958] =	vst v0  }
0x88: {  	[tilespmem:$0x968] =	vst v0  }
0x89: {  	[tilespmem:$0x978] =	vst v0  }
0x8a: {  	[tilespmem:$0x988] =	vst v0  }
0x8b: {  	[tilespmem:$0x998] =	vst v0  }
0x8c: {  	[tilespmem:$0x9A8] =	vst v0  }
0x8d: {  	[tilespmem:$0x9B8] =	vst v0  }
0x8e: {  	[tilespmem:$0x9C8] =	vst v0  }
0x8f: {  	[tilespmem:$0x9D8] =	vst v0  }
0x90: {  	[tilespmem:$0x9E8] =	vst v0  }
0x91: {  	[tilespmem:$0x9F8] =	vst v0  }
0x92: {  	[tilespmem:$0xA08] =	vst v0  }
0x93: {  	s5 =	stileid.u32;
	[tilespmem:$0xA18] =	vst v0  }
0x94: {  	s4 =	simm.s32 $0x10;
	s7 =	simm.s32 $0x2;
	s28 =	simm.s32 $0x7;
	[tilespmem:$0xA28] =	vst v0  }
0x95: {  	s29 =	simm.s32 $0x8;
	s31 =	simm.s32 $0x9;
	s23 =	simm.s32 $0x0;
	[tilespmem:$0xA38] =	vst v0  }
0x96: {  	s16 =	simm.s32 $0x16C8;
	s17 =	simm.s32 $0x80;
	s18 =	simm.s32 $0x400;
	[tilespmem:$0xA48] =	vst v0  }
0x97: {  	s12 =	simm.s32 $0xA;
	s0 =	smin.u32 s5, $0x2;
	p0 =	slt.u32 s5, $0x2;
	[tilespmem:$0xA58] =	vst v0  }
0x98: {  	s20 =	simm.s32 $0x0;
	[tilespmem:$0xA68] =	vst v0;
	s19 =	sshll.u32 s0, $0x4;
	s4 =	simm.s32 @!p0 $0x0  }
0x99: {  	s22 =	simm.s32 $0x0;
	s1 =	sadd.s32 $0x30000, s10;
	[tilespmem:$0xA78] =	vst v0;
	s0 =	sadd.s32 s4, s19  }
0x9a: {  	s26 =	sadd.s32 $0x13CC00, s10;
	s30 =	smul.u32 $0x480, s5;
	[tilespmem:$0xA88] =	vst v0;
	s8 =	smin.u32 s0, $0x20  }
.Ltmp0:
0x9b: {  	s15 =	sadd.s32 $0x13CE00, s10;
	[tilespmem:$0xA98] =	vst v0;
	s0 =	ssub.s32 s8, s19;
	(pc) =	sbr.rel .LBB2_1-.Ltmp0, $4  }
0x9c: {  	[tilespmem:$0xAA8] =	vst v0;
	[sflag:s7] =	ssyncpa.u1 $0x0;
	v0 =	vimm.s32 $0xFFFFFFFF;
	[dreg:$0x3] =	wrdreg s26;
	p0 =	sgt.s32 s0, $0x0  }
0x9d: {  	[tilespmem:$0x1448] =	vst v0;
	[sflag:s28] =	ssyncpa.u1 $0x0;
	s14 =	sshrl.u32 s30, $0x2;
	s0 =	simm.s32 @!p0 $0x0  }
0x9e: {  	s21 =	smov.u32 s19;
	[sflag:s29] =	ssyncpa.u1 $0x0;
	s13 =	sshrl.u32 s0, $0x4  }
0x9f: {  	v0 =	vlaneseq.u32;
	[sflag:s31] =	ssyncpa.u1 $0x0;
	p0 =	por $0x0, $0x0;
	s11 =	sadd.s32 $0x1, s13  }
.LBB2_20:
0xa0: {  	s0 =	sshrl.u32 s0, $0x2  }
.LBB2_22:
0xa1: {  	_ =	swait.ge [sflag:s12], s0  }
0xa2: {  	s30 =	ssub.s32 $0x0, s0;
	v1 =	vmov s26;
	vm0 =	veq.s32 v0, $0x0;
	[sflag:s12] =	ssyncset.done $0x0  }
0xa3: {  	vm15 =	veq.s32 v0, $0x2;
	v1 =	vsel vm0, s31, v1;
	[sflag:s12] =	ssyncadd.s32 s30  }
0xa4: {  	v1 =	vsel vm15, s23, v1;
	[sflag:s12] =	ssyncpa.u1 $0x1  }
0xa5: {  	[tilespmem:$0x1448] =	vst v1  }
.LBB2_23:
0xa6: {  	s0 =	sadd.s32 $0x10, s21  }
0xa7: {  	s4 =	smov.u32 s19;
	p1 =	slt.s32 s0, s8  }
0xa8: {  	s4 =	smov.u32 @p1 s0;
	p1 =	sne.s32 s22, s11  }
.Ltmp1:
0xa9: {  	_ = 	snop;
	(pc) =	sbr.rel @!p1 .LBB2_24-.Ltmp1, $4  }
0xaa: {  	_ = 	snop  }
0xab: {  	s23 =	smov.u32 s20  }
0xac: {  	s31 =	sadd.s32 $0x1, s22;
	s20 =	smov.u32 s21;
	s16 =	sadd.s32 $0x1000, s16  }
0xad: {  	p0 =	por !p0, !p0;
	s22 =	smov.u32 s31;
	s21 =	smov.u32 s4  }
.LBB2_1:
0xae: {  	p1 =	sge.u32 s22, s13  }
0xaf: {  	s0 =	smov.u32 s21;
	p2 =	sgt.s32 @!p1 s21, $0x10  }
0xb0: {  	s4 =	sshra.s32 @!p1 s21, $0x1F;
	s5 =	smulhi.u32 @!p1 $0xAAAAAAAB, s22;
	p2 =	por !p2, p1  }
0xb1: {  	s4 =	sand.u32 @!p1 s4, s21;
	s0 =	simm.s32 @p2 $0x10  }
0xb2: {  	s0 =	ssub.s32 @!p1 s0, s4;
	s4 =	sshrl.u32 @!p1 s5, $0x1  }
0xb3: {  	s0 =	sadd.s32 @!p1 $0xFFFFFFF0, s0;
	s4 =	smul.u32 @!p1 $0x3, s4  }
0xb4: {  	s7 =	sand.u32 @!p1 $0x7, s21;
	s5 =	sshll.u32 @!p1 s0, $0x2;
	p2 =	sgt.s32 @!p1 s0, $0xF  }
0xb5: {  	s0 =	ssub.s32 @!p1 $0x40, s5;
	s4 =	ssub.s32 @!p1 s22, s4;
	p2 =	por !p2, p1  }
0xb6: {  	s5 =	sshrl.u32 @!p1 s21, $0x3;
	s0 =	sshrl.u32 @!p1 s0, $0x2;
	s4 =	sshll.u32 @!p1 s4, $0x4  }
0xb7: {  	s5 =	sadd.s32 @!p1 s15, s5;
	s0 =	simm.s32 @!p2 $0x0;
	s4 =	sadd.s32 @!p1 $0x2678, s4  }
0xb8: {  	[tilespmem:s4], [sflag:$0x8] =	stream.linear.gather @!p1 [hbm4b:s5+s7], s0, $0x38;
	[tilespmem:$0x46C8] =	vst v63  }
0xb9: {  	s0 =	sadd.s32 $0xFFFFFFFF, s22  }
0xba: {  	p1 =	sge.u32 s0, s13  }
.Ltmp2:
0xbb: {  	_ = 	snop;
	(pc) =	sbr.rel @p1 .LBB2_5-.Ltmp2, $1  }
0xbc: {  	_ =	sdelay $0x3  }
0xbd: {  	p1 =	sgt.s32 s20, $0x10;
	s4 =	smov.u32 s20;
	s5 =	sshra.s32 s20, $0x1F  }
0xbe: {  	s4 =	simm.s32 @!p1 $0x10;
	s5 =	sand.u32 s5, s20  }
0xbf: {  	s26 =	smulhi.u32 $0xAAAAAAAB, s0;
	s4 =	ssub.s32 s4, s5  }
0xc0: {  	s4 =	sadd.s32 $0xFFFFFFF0, s4  }
0xc1: {  	s9 =	simm.s32 $0x8;
	s5 =	sshrl.u32 s26, $0x1;
	s7 =	sshll.u32 s4, $0x2  }
0xc2: {  	s29 =	sshll.u32 s0, $0x4;
	s5 =	smul.u32 $0x3, s5;
	s7 =	ssub.s32 $0x40, s7  }
0xc3: {  	s30 =	sshrl.u32 s20, $0x3;
	p1 =	sgt.s32 s4, $0xF;
	s4 =	sshrl.u32 s7, $0x2  }
0xc4: {  	s5 =	ssub.s32 s0, s5;
	s0 =	sand.u32 $0x3FFFFFF0, s29;
	s4 =	simm.s32 @p1 $0x0  }
0xc5: {  	s6 =	sand.u32 $0x7, s20;
	s0 =	sadd.s32 $0x26A8, s0;
	_ =	swait.ge [sflag:s9], s4  }
0xc6: {  	s28 =	ssub.s32 $0x0, s4;
	[sflag:s9] =	ssyncset.done $0x0;
	s31 =	rddreg [dreg:$0x3]  }
0xc7: {  	s10 =	sshll.u32 s5, $0x4;
	[sflag:s9] =	ssyncadd.s32 s28;
	s7 =	sadd.s32 s31, s30  }
0xc8: {  	[tilespmem:s0], [sflag:$0x9] =	stream.linear.gather [hbm4b:s7+s6], s4, $0x38;
	[tilespmem:$0x46C8] =	vst v63  }
0xc9: {  	v1 =	vld [tilespmem:s10+$0x2678];
	_ =	sdelay $0x3  }
0xca: {  	s24 =	simm.s32 $0x0  }
0xcb: {  	(v2sf) =	vpush v1, s24;
	_ =	sdelay $0x4  }
0xcc: {  	s25 =	simm.s32 $0x1  }
0xcd: {  	(v2sf) =	vpush v1, s25;
	_ =	sdelay $0x5  }
0xce: {  	s29 =	simm.s32 $0x2  }
0xcf: {  	(v2sf) =	vpush v1, s29  }
0xd0: {  	s30 =	simm.s32 $0x3  }
0xd1: {  	s26 =	spop (v2sf);
	(v2sf) =	vpush v1, s30;
	_ =	sdelay $0x2  }
0xd2: {  	s28 =	sshll.u32 s26, $0x8;
	s0 =	sshll.u32 s26, $0x7  }
0xd3: {  	s4 =	sand.u32 $0xFFFFF800, s28;
	s0 =	sand.u32 $0x380, s0  }
0xd4: {  	s0 =	sor.u32 s0, s4  }
0xd5: {  	s31 =	spop (v2sf);
	s0 =	sshrl.u32 s0, $0x3  }
0xd6: {  	s5 =	sshll.u32 s31, $0x8;
	s0 =	sadd.s32 s2, s0  }
0xd7: {  	[tilespmem:s16], [sflag:$0x7] =	stream.strided.gather [hbm4b:s0+s17], $0x100, s18, s17, $0x38;
	[tilespmem:$0x46C8] =	vst v63  }
0xd8: {  	s7 =	sshll.u32 s31, $0x7;
	s4 =	simm.s32 $0x4;
	s0 =	smov.u32 s16  }
.LBB2_3:
0xd9: {  	(v2sf) =	vpush v1, s4;
	s5 =	sand.u32 $0xFFFFF800, s5;
	s7 =	sand.u32 $0x380, s7;
	p1 =	sne.s32 s4, $0xF  }
.Ltmp3:
0xda: {  	s4 =	sadd.s32 $0x1, s4;
	s5 =	sor.u32 s7, s5;
	(pc) =	sbr.rel @p1 .LBB2_3-.Ltmp3, $4  }
0xdb: {  	s5 =	sshrl.u32 s5, $0x3  }
0xdc: {  	s0 =	sadd.s32 $0x100, s0;
	s7 =	spop (v2sf);
	s5 =	sadd.s32 s2, s5  }
0xdd: {  	[tilespmem:s0], [sflag:$0x7] =	stream.strided.gather [hbm4b:s5+s17], $0x100, s18, s17, $0x38;
	[tilespmem:$0x46C8] =	vst v63  }
0xde: {  	s5 =	sshll.u32 s7, $0x8;
	s7 =	sshll.u32 s7, $0x7  }
0xdf: {  	s4 =	sand.u32 $0xFFFFF800, s5;
	s26 =	sand.u32 $0x380, s7  }
0xe0: {  	s4 =	sor.u32 s26, s4  }
0xe1: {  	s28 =	spop (v2sf);
	s0 =	sadd.s32 $0x100, s0;
	s4 =	sshrl.u32 s4, $0x3  }
0xe2: {  	s29 =	sshll.u32 s28, $0x8;
	s5 =	sshll.u32 s28, $0x7;
	s4 =	sadd.s32 s2, s4  }
0xe3: {  	[tilespmem:s0], [sflag:$0x7] =	stream.strided.gather [hbm4b:s4+s17], $0x100, s18, s17, $0x38;
	[tilespmem:$0x46C8] =	vst v63  }
0xe4: {  	s5 =	sand.u32 $0x380, s5;
	s4 =	sand.u32 $0xFFFFF800, s29  }
0xe5: {  	s4 =	sor.u32 s5, s4  }
0xe6: {  	s4 =	sshrl.u32 s4, $0x3  }
0xe7: {  	s0 =	sadd.s32 $0x100, s0;
	s4 =	sadd.s32 s2, s4  }
0xe8: {  	[tilespmem:s0], [sflag:$0x7] =	stream.strided.gather [hbm4b:s4+s17], $0x100, s18, s17, $0x38;
	[tilespmem:$0x46C8] =	vst v63  }
0xe9: {  	s30 =	spop (v2sf)  }
0xea: {  	s31 =	sshll.u32 s30, $0x8;
	s5 =	sshll.u32 s30, $0x7  }
0xeb: {  	s4 =	sand.u32 $0xFFFFF800, s31;
	s5 =	sand.u32 $0x380, s5  }
0xec: {  	s4 =	sor.u32 s5, s4  }
0xed: {  	s4 =	sshrl.u32 s4, $0x3  }
0xee: {  	s0 =	sadd.s32 $0x100, s0;
	s4 =	sadd.s32 s2, s4  }
0xef: {  	[tilespmem:s0], [sflag:$0x7] =	stream.strided.gather [hbm4b:s4+s17], $0x100, s18, s17, $0x38;
	[tilespmem:$0x46C8] =	vst v63  }
.LBB2_5:
0xf0: {  	p1 =	slt.u32 s22, $0x2  }
.Ltmp4:
0xf1: {  	_ = 	snop;
	(pc) =	sbr.rel @p1 .LBB2_23-.Ltmp4, $1  }
0xf2: {  	_ =	sdelay $0x3  }
0xf3: {  	p1 =	sgt.s32 s23, $0x10;
	s0 =	smov.u32 s23;
	s4 =	sshra.s32 s23, $0x1F  }
0xf4: {  	s0 =	simm.s32 @!p1 $0x10;
	s4 =	sand.u32 s4, s23  }
0xf5: {  	s0 =	ssub.s32 s0, s4  }
0xf6: {  	s0 =	sadd.s32 $0xFFFFFFF0, s0  }
0xf7: {  	s5 =	simm.s32 $0x7;
	s26 =	sshll.u32 s0, $0x2  }
0xf8: {  	_ =	swait.ge [sflag:s5], $0x1000;
	s4 =	ssub.s32 $0x40, s26  }
0xf9: {  	[sflag:s5] =	ssyncset.done $0x0;
	p1 =	sgt.s32 s0, $0xF;
	s0 =	sshrl.u32 s4, $0x2  }
0xfa: {  	s30 =	simm.s32 $0x9;
	[sflag:s5] =	ssyncadd.s32 $0xFFFFF000;
	s0 =	simm.s32 @p1 $0x0  }
0xfb: {  	_ =	swait.ge [sflag:s30], s0  }
0xfc: {  	s0 =	ssub.s32 $0x0, s0;
	[sflag:s30] =	ssyncset.done $0x0  }
0xfd: {  	[sflag:s30] =	ssyncadd.s32 s0  }
0xfe: {  	v1 =	vld [tilespmem:$0x1448];
	_ =	sdelay $0x4  }
0xff: {  	(v2sf) =	vpush v1, $0x0  }
0x100: {  	(v2sf) =	vpush v1, $0x1  }
0x101: {  	(v2sf) =	vpush v1, $0x2;
	_ =	sdelay $0x3  }
0x102: {  	s0 =	sadd.s32 $0x10, s23  }
0x103: {  	s4 =	ssub.s32 $0x20, s23;
	p1 =	slt.s32 s8, s0  }
0x104: {  	s0 =	smov.u32 @p1 s8;
	p1 =	sgt.s32 s4, $0x0  }
0x105: {  	s24 =	ssub.s32 s0, s23;
	s4 =	simm.s32 @!p1 $0x0  }
0x106: {  	p1 =	slt.s32 s4, s24  }
0x107: {  	s24 =	smov.u32 @p1 s4  }
0x108: {  	p1 =	slt.s32 s24, $0x1  }
.Ltmp5:
0x109: {  	_ = 	snop;
	(pc) =	sbr.rel @p1 .LBB2_10-.Ltmp5, $4  }
0x10a: {  	s0 =	simm.s32 $0x1  }
0x10b: {  	s0 =	simm.s32 @!p0 $0x0;
	s28 =	spop (v2sf)  }
0x10c: {  	s31 =	sshll.u32 s0, $0x4;
	s29 =	spop (v2sf)  }
0x10d: {  	s25 =	sor.u32 $0x26A8, s31;
	s23 =	spop (v2sf)  }
0x10e: {  	s4 =	smin.u32 s24, $0x10  }
0x10f: {  	v1 =	vmov s4  }
0x110: {  	vm1 =	vgt.u32 v1, v0  }
0x111: {  	p2 =	sgt.s32 s24, $0x10  }
.Ltmp6:
0x112: {  	_ = 	snop;
	(pc) =	sbr.rel @!p2 .LBB2_9-.Ltmp6, $2  }
0x113: {  	_ =	sdelay $0x2  }
0x114: {  	s7 =	simm.s32 $0x10;
	s26 =	sadd.s32 $0xFFFFFFF0, s24;
	s4 =	smov.u32 s25;
	vm0 =	vmmov vm1;
	v1 =	vld.msk [tilespmem:s25+$0x0 ss:$0x1], vm1  }
.LBB2_8:
0x115: {  	s5 =	smin.u32 s26, $0x10;
	s7 =	sadd.s32 $0x10, s7  }
0x116: {  	v2 =	vmov s5;
	p2 =	slt.s32 s7, s24  }
0x117: {  	vm1 =	vgt.u32 v2, v0;
	_ =	sdelay $0x1  }
0x118: {  	v2 =	vshll.u32 v1, $0x5;
	v1 =	vshll.u32 v1, $0x4  }
.Ltmp7:
0x119: {  	v2 =	vand.u32 $0xFFFFFF00, v2;
	v1 =	vand.u32 $0x70, v1;
	(pc) =	sbr.rel @p2 .LBB2_8-.Ltmp7, $4  }
0x11a: {  	v1 =	vor.u32 v1, v2  }
0x11b: {  	[tilespmem:s4+$0x0] =	vst.msk vm0, v1;
	s4 =	sadd.s32 $0x10, s4;
	vm0 =	vmmov vm1  }
0x11c: {  	v1 =	vld.msk [tilespmem:s4+$0x0 ss:$0x1], vm1  }
0x11d: {  	s26 =	sadd.s32 $0xFFFFFFF0, s26  }
.LBB2_9:
0x11e: {  	_ =	sdelay $0x3  }
0x11f: {  	v2 =	vshll.u32 v1, $0x5;
	v1 =	vshll.u32 v1, $0x4  }
0x120: {  	v2 =	vand.u32 $0xFFFFFF00, v2;
	v1 =	vand.u32 $0x70, v1  }
0x121: {  	v1 =	vor.u32 v1, v2  }
0x122: {  	[tilespmem:s4+$0x0] =	vst.msk vm0, v1  }
.LBB2_10:
0x123: {  	s4 =	sand.u32 $0x1, s22  }
0x124: {  	p2 =	sne.s32 s29, $0xFFFFFFFF;
	s4 =	sshll.u32 s4, $0x4  }
0x125: {  	v1 =	vld.msk @!p2 [tilespmem:s4+$0x26A8], $0x1;
	_ =	sdelay $0x4  }
0x126: {  	(v2sf) =	vpush @!p2 v1, $0x0;
	_ =	sdelay $0xc  }
.Ltmp8:
0x127: {  	_ = 	snop;
	(pc) =	sbr.rel @p1 .LBB2_21-.Ltmp8, $4  }
0x128: {  	_ = 	snop  }
0x129: {  	s30 =	spop @!p2 (v2sf)  }
0x12a: {  	s23 =	simm.s32 @!p2 $0x0;
	s26 =	smov.u32 s30  }
0x12b: {  	[sflag:s12] =	ssyncpa.u1 $0x0;
	s30 =	smov.u32 @p2 s28;
	s26 =	smov.u32 @p2 s29  }
0x12c: {  	v1 =	vld.msk [tilespmem:s25+$0x0], $0x1;
	_ =	sdelay $0x4  }
0x12d: {  	(v2sf) =	vpush v1, $0x0;
	_ =	sdelay $0xe  }
0x12e: {  	s31 =	spop (v2sf)  }
0x12f: {  	s6 =	smov.u32 s11;
	s28 =	simm.s32 $0x0;
	p1 =	seq.s32 s30, s31  }
0x130: {  	s0 =	sshll.u32 s0, $0xC;
	s5 =	smov.u32 s30;
	p2 =	sgt.s32 @!p1 s30, $0x0  }
0x131: {  	s29 =	sor.u32 $0x2708, s0;
	s4 =	smul.u32 @!p1 $0x240, s28;
	p2 =	por !p2, p1  }
0x132: {  	s0 =	sadd.s32 $0xFFFFFFFF, s24;
	s7 =	simm.s32 @!p1 $0x1;
	s5 =	simm.s32 @p2 $0x0  }
0x133: {  	s4 =	sshra.s32 @!p1 s4, $0x2;
	p2 =	sne.s32 s0, $0x0;
	s5 =	smin.u32 @!p1 s5, $0x4E17E  }
.Ltmp9:
0x134: {  	s9 =	sadd.s32 @!p1 $0xAB8, s4;
	s11 =	sand.u32 @!p1 $0x7FFF8, s5;
	(pc) =	sbr.rel @!p2 .LBB2_13-.Ltmp9, $4  }
0x135: {  	s12 =	sadd.s32 @!p1 $0x80, s5;
	s5 =	sand.u32 @!p1 $0x7, s5;
	s11 =	sadd.s32 @!p1 s1, s11  }
0x136: {  	[tilespmem:s9], [sflag:$0x2] =	stream.linear.gather @!p1 [hbm4b:s11+s5], $0x80, $0x38;
	[tilespmem:$0x46C8] =	vst v63  }
0x137: {  	s7 =	smov.u32 @p1 s28;
	s11 =	sand.u32 @!p1 $0xFFFF8, s12  }
0x138: {  	s9 =	sadd.s32 @!p1 $0xB38, s4;
	s4 =	sadd.s32 $0x1, s25;
	s11 =	sadd.s32 @!p1 s1, s11  }
.LBB2_12:
0x139: {  	s12 =	smov.u32 s7  }
0x13a: {  	[tilespmem:s9], [sflag:$0x2] =	stream.linear.gather @!p1 [hbm4b:s11+s5], $0x10, $0x38;
	[tilespmem:$0x46C8] =	vst v63  }
0x13b: {  	s0 =	sadd.s32 $0xFFFFFFFF, s0;
	s5 =	smov.u32 s31;
	v1 =	vld.msk [tilespmem:s4+$0x0], $0x1  }
0x13c: {  	p2 =	sne.s32 s0, $0x0;
	_ =	sdelay $0x3  }
0x13d: {  	(v2sf) =	vpush v1, $0x0;
	_ =	sdelay $0xe  }
0x13e: {  	s31 =	spop (v2sf)  }
0x13f: {  	p1 =	seq.s32 s5, s31  }
0x140: {  	p3 =	sgt.s32 @!p1 s5, $0x0;
	s9 =	smul.u32 @!p1 $0x240, s7;
	s7 =	sadd.s32 @!p1 $0x1, s7  }
0x141: {  	p3 =	por !p3, p1;
	s7 =	smov.u32 @p1 s12  }
0x142: {  	s5 =	simm.s32 @p3 $0x0;
	s9 =	sshra.s32 @!p1 s9, $0x2  }
.Ltmp10:
0x143: {  	s5 =	smin.u32 @!p1 s5, $0x4E17E;
	s11 =	sadd.s32 @!p1 $0xAB8, s9;
	(pc) =	sbr.rel @p2 .LBB2_12-.Ltmp10, $4  }
0x144: {  	s9 =	sadd.s32 @!p1 $0xB38, s9;
	s12 =	sand.u32 @!p1 $0x7FFF8, s5;
	s10 =	sadd.s32 @!p1 $0x80, s5  }
0x145: {  	s5 =	sand.u32 @!p1 $0x7, s5;
	s12 =	sadd.s32 @!p1 s1, s12;
	s10 =	sand.u32 @!p1 $0xFFFF8, s10  }
0x146: {  	[tilespmem:s11], [sflag:$0x2] =	stream.linear.gather @!p1 [hbm4b:s12+s5], $0x80, $0x38;
	[tilespmem:$0x46C8] =	vst v63  }
0x147: {  	s4 =	sadd.s32 $0x1, s4;
	s11 =	sadd.s32 @!p1 s1, s10  }
.LBB2_13:
0x148: {  	s0 =	smul.u32 $0x240, s7  }
0x149: {  	[tilespmem:s9], [sflag:$0x2] =	stream.linear.gather @!p1 [hbm4b:s11+s5], $0x10, $0x38;
	[tilespmem:$0x46C8] =	vst v63  }
.Ltmp11:
0x14a: {  	_ = 	snop;
	(pc) =	sbr.rel .LBB2_14-.Ltmp11, $4  }
0x14b: {  	s4 =	simm.s32 $0x2;
	s0 =	sshrl.u32 s0, $0x2  }
0x14c: {  	_ =	swait.ge [sflag:s4], s0  }
0x14d: {  	s11 =	smov.u32 s6;
	s0 =	ssub.s32 $0x0, s0;
	[sflag:s4] =	ssyncset.done $0x0  }
0x14e: {  	s12 =	simm.s32 $0xA;
	[sflag:s4] =	ssyncadd.s32 s0;
	s0 =	simm.s32 $0x0  }
.LBB2_15:
0x14f: {  	v1 =	vld [tilespmem:s29+$0xFFFFFFC0];
	_ =	sdelay $0x4  }
0x150: {  	[tilespmem:s4+$0x128] =	vst.add.f32.msk $0xffff, v1  }
0x151: {  	v1 =	vld [tilespmem:s29+$0xFFFFFFD0];
	_ =	sdelay $0x4  }
0x152: {  	[tilespmem:s4+$0x138] =	vst.add.f32.msk $0xffff, v1  }
0x153: {  	v1 =	vld [tilespmem:s29+$0xFFFFFFE0];
	_ =	sdelay $0x4  }
0x154: {  	[tilespmem:s4+$0x148] =	vst.add.f32.msk $0xffff, v1  }
0x155: {  	v1 =	vld [tilespmem:s29+$0xFFFFFFF0];
	_ =	sdelay $0x4  }
0x156: {  	[tilespmem:s4+$0x158] =	vst.add.f32.msk $0xffff, v1  }
0x157: {  	v1 =	vld [tilespmem:s29+$0x0];
	_ =	sdelay $0x4  }
0x158: {  	[tilespmem:s4+$0x168] =	vst.add.f32.msk $0xffff, v1  }
0x159: {  	v1 =	vld [tilespmem:s29+$0x10];
	_ =	sdelay $0x4  }
0x15a: {  	[tilespmem:s4+$0x178] =	vst.add.f32.msk $0xffff, v1  }
0x15b: {  	v1 =	vld [tilespmem:s29+$0x20];
	_ =	sdelay $0x4  }
0x15c: {  	[tilespmem:s4+$0x188] =	vst.add.f32.msk $0xffff, v1  }
0x15d: {  	v1 =	vld [tilespmem:s29+$0x30];
	_ =	sdelay $0x4  }
0x15e: {  	[tilespmem:s4+$0x198] =	vst.add.f32.msk $0xffff, v1  }
0x15f: {  	v1 =	vld [tilespmem:s29+$0x40];
	_ =	sdelay $0x4  }
0x160: {  	[tilespmem:s4+$0x1A8] =	vst.add.f32.msk $0xffff, v1  }
.LBB2_19:
0x161: {  	s24 =	sadd.s32 $0xFFFFFFFF, s24  }
0x162: {  	p1 =	sne.s32 s24, $0x0  }
.Ltmp12:
0x163: {  	_ = 	snop;
	(pc) =	sbr.rel @!p1 .LBB2_20-.Ltmp12, $2  }
0x164: {  	_ =	sdelay $0x2  }
0x165: {  	s25 =	sadd.s32 $0x1, s25;
	s29 =	sadd.s32 $0x100, s29;
	s30 =	smov.u32 s31  }
.LBB2_14:
0x166: {  	v1 =	vld.msk [tilespmem:s25+$0x0], $0x1;
	_ =	sdelay $0x4  }
0x167: {  	(v2sf) =	vpush v1, $0x0;
	_ =	sdelay $0xe  }
0x168: {  	s31 =	spop (v2sf)  }
0x169: {  	p1 =	sne.s32 s30, s31  }
.Ltmp13:
0x16a: {  	_ = 	snop;
	(pc) =	sbr.rel @!p1 .LBB2_15-.Ltmp13, $3  }
0x16b: {  	_ = 	snop  }
0x16c: {  	s4 =	smul.u32 $0x240, s23;
	_ =	sdelay $0x1  }
0x16d: {  	s4 =	sshra.s32 s4, $0x2  }
0x16e: {  	p1 =	seq.s32 s30, s26  }
.Ltmp14:
0x16f: {  	_ = 	snop;
	(pc) =	sbr.rel @!p1 .LBB2_17-.Ltmp14, $1  }
0x170: {  	_ =	sdelay $0x3  }
.Ltmp15:
0x171: {  	s4 =	sadd.s32 $0x128, s4;
	(pc) =	sbr.rel .LBB2_18-.Ltmp15, $4  }
0x172: {  	[spmem:s14] =	stream.linear.scatter [tilespmem:s4], [sflag:$0x1], $0x90, $0x38;
	[tilespmem:$0x46C8] =	vst v63  }
0x173: {  	_ =	swait.ge [sflag:s3], $0x90  }
0x174: {  	[sflag:s3] =	ssyncset.done $0x0  }
0x175: {  	[sflag:s3] =	ssyncadd.s32 $0xFFFFFF70  }
.LBB2_17:
0x176: {  	s5 =	smul.u32 $0x240, s28;
	_ =	sdelay $0x1  }
0x177: {  	s5 =	sshra.s32 s5, $0x2  }
0x178: {  	v1 =	vld [tilespmem:s5+$0xAB8];
	_ =	sdelay $0x4  }
0x179: {  	[tilespmem:s4+$0x128] =	vst.add.f32.msk $0xffff, v1  }
0x17a: {  	v1 =	vld [tilespmem:s5+$0xAC8];
	_ =	sdelay $0x4  }
0x17b: {  	[tilespmem:s4+$0x138] =	vst.add.f32.msk $0xffff, v1  }
0x17c: {  	v1 =	vld [tilespmem:s5+$0xAD8];
	_ =	sdelay $0x4  }
0x17d: {  	[tilespmem:s4+$0x148] =	vst.add.f32.msk $0xffff, v1  }
0x17e: {  	v1 =	vld [tilespmem:s5+$0xAE8];
	_ =	sdelay $0x4  }
0x17f: {  	[tilespmem:s4+$0x158] =	vst.add.f32.msk $0xffff, v1  }
0x180: {  	v1 =	vld [tilespmem:s5+$0xAF8];
	_ =	sdelay $0x4  }
0x181: {  	[tilespmem:s4+$0x168] =	vst.add.f32.msk $0xffff, v1  }
0x182: {  	v1 =	vld [tilespmem:s5+$0xB08];
	_ =	sdelay $0x4  }
0x183: {  	[tilespmem:s4+$0x178] =	vst.add.f32.msk $0xffff, v1  }
0x184: {  	v1 =	vld [tilespmem:s5+$0xB18];
	_ =	sdelay $0x4  }
0x185: {  	[tilespmem:s4+$0x188] =	vst.add.f32.msk $0xffff, v1  }
0x186: {  	v1 =	vld [tilespmem:s5+$0xB28];
	_ =	sdelay $0x4  }
0x187: {  	[tilespmem:s4+$0x198] =	vst.add.f32.msk $0xffff, v1  }
0x188: {  	v1 =	vld [tilespmem:s5+$0xB38];
	_ =	sdelay $0x2  }
0x189: {  	p1 =	sgt.u32 s30, $0x4E17E  }
0x18a: {  	s5 =	sand.u32 @!p1 $0x7FFF8, s30  }
0x18b: {  	s7 =	sadd.s32 $0x128, s4;
	s9 =	sand.u32 @!p1 $0x7, s30;
	s5 =	sadd.s32 @!p1 s1, s5;
	[tilespmem:s4+$0x1A8] =	vst.add.f32.msk $0xffff, v1  }
0x18c: {  	[hbm4b:s5+s9] =	stream.linear.scatter @!p1 [tilespmem:s7], [sflag:$0xA], $0x80, $0x38;
	[tilespmem:$0x46C8] =	vst v63  }
0x18d: {  	s5 =	sadd.s32 @!p1 $0x80, s30  }
0x18e: {  	s5 =	sand.u32 @!p1 $0xFFFF8, s5  }
0x18f: {  	s4 =	sadd.s32 $0x1A8, s4;
	s5 =	sadd.s32 @!p1 s1, s5  }
0x190: {  	[hbm4b:s5+s9] =	stream.linear.scatter @!p1 [tilespmem:s4], [sflag:$0xA], $0x10, $0x38;
	[tilespmem:$0x46C8] =	vst v63  }
0x191: {  	s4 =	simm.s32 $0x0  }
0x192: {  	s4 =	simm.s32 @!p1 $0x240  }
0x193: {  	s0 =	sadd.s32 s4, s0  }
.LBB2_18:
0x194: {  	s4 =	sadd.s32 $0x1, s23;
	v1 =	vld [tilespmem:s29+$0xFFFFFFC0]  }
0x195: {  	s23 =	sand.u32 $0xF, s4  }
0x196: {  	s4 =	smul.u32 $0x240, s23;
	_ =	sdelay $0x1  }
0x197: {  	s4 =	sshrl.u32 s4, $0x2  }
0x198: {  	[tilespmem:s4+$0x128] =	vst v1  }
0x199: {  	v1 =	vld [tilespmem:s29+$0xFFFFFFD0];
	_ =	sdelay $0x4  }
0x19a: {  	[tilespmem:s4+$0x138] =	vst v1  }
0x19b: {  	v1 =	vld [tilespmem:s29+$0xFFFFFFE0];
	_ =	sdelay $0x4  }
0x19c: {  	[tilespmem:s4+$0x148] =	vst v1  }
0x19d: {  	v1 =	vld [tilespmem:s29+$0xFFFFFFF0];
	_ =	sdelay $0x4  }
0x19e: {  	[tilespmem:s4+$0x158] =	vst v1  }
0x19f: {  	v1 =	vld [tilespmem:s29+$0x0];
	_ =	sdelay $0x4  }
0x1a0: {  	[tilespmem:s4+$0x168] =	vst v1  }
0x1a1: {  	v1 =	vld [tilespmem:s29+$0x10];
	_ =	sdelay $0x4  }
0x1a2: {  	[tilespmem:s4+$0x178] =	vst v1  }
0x1a3: {  	v1 =	vld [tilespmem:s29+$0x20];
	_ =	sdelay $0x4  }
0x1a4: {  	[tilespmem:s4+$0x188] =	vst v1  }
0x1a5: {  	v1 =	vld [tilespmem:s29+$0x30];
	_ =	sdelay $0x4  }
0x1a6: {  	[tilespmem:s4+$0x198] =	vst v1  }
0x1a7: {  	v1 =	vld [tilespmem:s29+$0x40]  }
.Ltmp16:
0x1a8: {  	_ = 	snop;
	(pc) =	sbr.rel .LBB2_19-.Ltmp16, $2  }
0x1a9: {  	_ =	sdelay $0x2  }
0x1aa: {  	s28 =	sadd.s32 $0x1, s28;
	[tilespmem:s4+$0x1A8] =	vst v1  }
.LBB2_21:
.Ltmp17:
0x1ab: {  	(pc) =	sbr.rel .LBB2_22-.Ltmp17, $4  }
0x1ac: {  	_ = 	snop  }
0x1ad: {  	s0 =	simm.s32 $0x2  }
0x1ae: {  	_ =	swait.ge [sflag:s0], $0x0  }
0x1af: {  	s31 =	smov.u32 s30;
	[sflag:s0] =	ssyncset.done $0x0;
	s0 =	simm.s32 $0x0  }
.LBB2_24:
0x1b0: {  	_ =	sfence.sel $0x180000  }
0x1b1: {  	s0 =	simm.s32 $0x7;
	[bflag:$0x0] =	sbarrier.arrive $0xFFFF  }
0x1b2: {  	s25 =	simm.s32 $0x8;
	[sflag:s0] =	ssyncpa.u1 $0x1  }
0x1b3: {  	s26 =	simm.s32 $0x9;
	[sflag:s25] =	ssyncpa.u1 $0x1  }
0x1b4: {  	s28 =	simm.s32 $0x2;
	[sflag:s26] =	ssyncpa.u1 $0x1  }
0x1b5: {  	[sflag:s28] =	ssyncpa.u1 $0x1  }
0x1b6: {  	v0 =	vld [tilespmem:$0x1448];
	_ =	sdelay $0x4  }
0x1b7: {  	(v2sf) =	vpush v0, $0x0  }
0x1b8: {  	(v2sf) =	vpush v0, $0x1  }
0x1b9: {  	(v2sf) =	vpush v0, $0x2;
	_ =	sdelay $0xc  }
0x1ba: {  	s0 =	spop (v2sf)  }
0x1bb: {  	s2 =	spop (v2sf)  }
0x1bc: {  	s3 =	smov.u32 s0;
	p0 =	sne.s32 s0, s2;
	s4 =	spop (v2sf)  }
0x1bd: {  	s3 =	simm.s32 @!p0 $0xFFFFFFFF;
	p0 =	seq.s32 s4, $0xFFFFFFFF  }
0x1be: {  	v2 =	vimm.s32 $0x1;
	v3 =	vlaneseq.u32;
	v1 =	vmov s3;
	p1 =	sne.s32 @!p0 s0, s2  }
0x1bf: {  	s7 =	stileid.u32;
	v0 =	vperm.xlane v0, v2;
	s0 =	simm.s32 @!p0 $0x1;
	v1 =	vperm.xlane v1, v3;
	p1 =	por !p1, p0  }
0x1c0: {  	vm0 =	vcmask $0x3F04;
	s3 =	sshll.u32 s7, $0x1;
	s2 =	smul.u32 @!p0 $0x240, s4;
	s0 =	simm.s32 @p1 $0x0  }
0x1c1: {  	s6 =	simm.s32 $0x1448;
	v0 =	vsel vm0, v1, v0;
	s0 =	sor.u32 @!p0 s0, s3  }
0x1c2: {  	s5 =	sor.u32 $0x1200, s3;
	s2 =	sshra.s32 @!p0 s2, $0x2;
	[tilespmem:$0x1448] =	vst v0;
	s0 =	smul.u32 @!p0 $0x240, s0  }
0x1c3: {  	[spmem:s5] =	stream.linear.scatter [tilespmem:s6], [sflag:$0x1], $0x2, $0x38;
	[tilespmem:$0x46C8] =	vst v63  }
0x1c4: {  	s2 =	sadd.s32 @!p0 $0x128, s2;
	s0 =	sshrl.u32 @!p0 s0, $0x2  }
0x1c5: {  	[spmem:s0] =	stream.linear.scatter @!p0 [tilespmem:s2], [sflag:$0x1], $0x90, $0x38;
	[tilespmem:$0x46C8] =	vst v63  }
0x1c6: {  	s2 =	simm.s32 @!p0 $0x92  }
0x1c7: {  	s0 =	simm.s32 $0x1;
	s2 =	simm.s32 @p0 $0x2  }
0x1c8: {  	_ =	swait.ge [sflag:s0], s2  }
0x1c9: {  	s2 =	ssub.s32 $0x0, s2;
	[sflag:s0] =	ssyncset.done $0x0  }
0x1ca: {  	[sflag:s0] =	ssyncadd.s32 s2  }
0x1cb: {  	_ =	sfence.stream.spmem  }
0x1cc: {  	s29 =	simm.s32 $0x3;
	[bflag:$0x0] =	sbarrier.arrive $0xFFFF  }
0x1cd: {  	s30 =	simm.s32 $0x4;
	[sflag:s29] =	ssyncpa.u1 $0x1  }
0x1ce: {  	s31 =	simm.s32 $0x3C;
	[sflag:s30] =	ssyncpa.u1 $0x1  }
0x1cf: {  	p0 =	sne.s32 s7, $0x0;
	[sflag:s31] =	ssyncpa.u1 $0x1  }
0x1d0: {  	_ =	sfence @p0  }
0x1d1: {  	[sflag:s0] =	ssyncpa.u1 @p0 $0x1  }
0x1d2: {  	_ =	strace @p0 $0x9000004D  }
0x1d3: {  	[bflag:$0x2] =	sbarrier.arrive @p0 $0xFFFF  }
0x1d4: {  	_ =	shalt @p0  }
.LBB2_25:
0x1d5: {  	_ =	sfence.stream.spmem;
	s0 =	simm.s32 $0x5  }
0x1d6: {  	s2 =	simm.s32 $0x1200;
	s3 =	simm.s32 $0x1458;
	[sflag:s0] =	ssyncpa.u1 $0x0  }
0x1d7: {  	[tilespmem:s3], [sflag:$0x5] =	stream.linear.gather [spmem:s2], $0x4, $0x38;
	[tilespmem:$0x46C8] =	vst v63  }
0x1d8: {  	s30 =	simm.s32 $0x1478;
	s2 =	simm.s32 $0x0  }
0x1d9: {  	[tilespmem:s30], [sflag:$0x5] =	stream.linear.gather [spmem:s2], $0x240, $0x38;
	[tilespmem:$0x46C8] =	vst v63  }
.Ltmp18:
0x1da: {  	_ = 	snop;
	(pc) =	sbr.rel .LBB2_26-.Ltmp18, $4  }
0x1db: {  	_ =	swait.ge [sflag:s0], $0x244  }
0x1dc: {  	[sflag:s0] =	ssyncset.done $0x0  }
0x1dd: {  	s31 =	simm.s32 $0x6;
	[sflag:s0] =	ssyncadd.s32 $0xFFFFFDBC  }
0x1de: {  	s3 =	simm.s32 $0x0;
	[sflag:s31] =	ssyncpa.u1 $0x0  }
.LBB2_32:
0x1df: {  	p0 =	slt.u32 s0, $0x4E17F  }
0x1e0: {  	s4 =	sand.u32 @p0 $0x7FFF8, s0;
	s5 =	sand.u32 @p0 $0x7, s0;
	s0 =	sadd.s32 @p0 $0x80, s0  }
0x1e1: {  	s6 =	simm.s32 @p0 $0x13B8;
	s4 =	sadd.s32 @p0 s1, s4;
	s0 =	sand.u32 @p0 $0xFFFF8, s0  }
0x1e2: {  	[tilespmem:s6], [sflag:$0x6] =	stream.linear.gather @p0 [hbm4b:s4+s5], $0x80, $0x38;
	[tilespmem:$0x46C8] =	vst v63  }
0x1e3: {  	s0 =	sadd.s32 @p0 s1, s0;
	s4 =	simm.s32 @p0 $0x1438  }
0x1e4: {  	[tilespmem:s4], [sflag:$0x6] =	stream.linear.gather @p0 [hbm4b:s0+s5], $0x10, $0x38;
	[tilespmem:$0x46C8] =	vst v63  }
0x1e5: {  	s0 =	simm.s32 @p0 $0x6  }
0x1e6: {  	_ =	swait.ge @p0 [sflag:s0], $0x90  }
0x1e7: {  	[sflag:s0] =	ssyncset.done @p0 $0x0  }
0x1e8: {  	[sflag:s0] =	ssyncadd.s32 @p0 $0xFFFFFF70  }
0x1e9: {  	v1 =	vld @p0 [tilespmem:$0x13B8];
	_ =	sdelay $0x1  }
0x1ea: {  	s0 =	smul.u32 @p0 $0x240, s3;
	_ =	sdelay $0x1  }
0x1eb: {  	s4 =	sshra.s32 @p0 s0, $0x2  }
0x1ec: {  	[tilespmem:s4+$0x1478] =	vst.add.f32.msk @p0 $0xffff, v1  }
0x1ed: {  	v1 =	vld @p0 [tilespmem:$0x13C8];
	_ =	sdelay $0x4  }
0x1ee: {  	[tilespmem:s4+$0x1488] =	vst.add.f32.msk @p0 $0xffff, v1  }
0x1ef: {  	v1 =	vld @p0 [tilespmem:$0x13D8];
	_ =	sdelay $0x4  }
0x1f0: {  	[tilespmem:s4+$0x1498] =	vst.add.f32.msk @p0 $0xffff, v1  }
0x1f1: {  	v1 =	vld @p0 [tilespmem:$0x13E8];
	_ =	sdelay $0x4  }
0x1f2: {  	[tilespmem:s4+$0x14A8] =	vst.add.f32.msk @p0 $0xffff, v1  }
0x1f3: {  	v1 =	vld @p0 [tilespmem:$0x13F8];
	_ =	sdelay $0x4  }
0x1f4: {  	[tilespmem:s4+$0x14B8] =	vst.add.f32.msk @p0 $0xffff, v1  }
0x1f5: {  	v1 =	vld @p0 [tilespmem:$0x1408];
	_ =	sdelay $0x4  }
0x1f6: {  	[tilespmem:s4+$0x14C8] =	vst.add.f32.msk @p0 $0xffff, v1  }
0x1f7: {  	v1 =	vld @p0 [tilespmem:$0x1418];
	_ =	sdelay $0x4  }
0x1f8: {  	[tilespmem:s4+$0x14D8] =	vst.add.f32.msk @p0 $0xffff, v1  }
0x1f9: {  	v1 =	vld @p0 [tilespmem:$0x1428];
	_ =	sdelay $0x4  }
0x1fa: {  	[tilespmem:s4+$0x14E8] =	vst.add.f32.msk @p0 $0xffff, v1  }
0x1fb: {  	v1 =	vld @p0 [tilespmem:$0x1438];
	_ =	sdelay $0x2  }
0x1fc: {  	s5 =	smul.u32 @!p0 $0x240, s3;
	_ =	sdelay $0x1  }
0x1fd: {  	s5 =	smov.u32 @p0 s0;
	[tilespmem:s4+$0x14F8] =	vst.add.f32.msk @p0 $0xffff, v1  }
0x1fe: {  	s0 =	sshra.s32 s5, $0x2;
	[tilespmem:s2+$0x1458] =	vst.msk $0x1, v0  }
0x1ff: {  	v0 =	vld [tilespmem:s0+$0x1478];
	_ =	sdelay $0x1  }
0x200: {  	s31 =	smul.u32 $0x240, s2;
	_ =	sdelay $0x1  }
0x201: {  	s4 =	sshra.s32 s31, $0x2  }
0x202: {  	[tilespmem:s4+$0x1478] =	vst v0  }
0x203: {  	v0 =	vld [tilespmem:s0+$0x1488];
	_ =	sdelay $0x4  }
0x204: {  	[tilespmem:s4+$0x1488] =	vst v0  }
0x205: {  	v0 =	vld [tilespmem:s0+$0x1498];
	_ =	sdelay $0x4  }
0x206: {  	[tilespmem:s4+$0x1498] =	vst v0  }
0x207: {  	v0 =	vld [tilespmem:s0+$0x14A8];
	_ =	sdelay $0x4  }
0x208: {  	[tilespmem:s4+$0x14A8] =	vst v0  }
0x209: {  	v0 =	vld [tilespmem:s0+$0x14B8];
	_ =	sdelay $0x4  }
0x20a: {  	[tilespmem:s4+$0x14B8] =	vst v0  }
0x20b: {  	v0 =	vld [tilespmem:s0+$0x14C8];
	_ =	sdelay $0x4  }
0x20c: {  	[tilespmem:s4+$0x14C8] =	vst v0  }
0x20d: {  	v0 =	vld [tilespmem:s0+$0x14D8];
	_ =	sdelay $0x4  }
0x20e: {  	[tilespmem:s4+$0x14D8] =	vst v0  }
0x20f: {  	v0 =	vld [tilespmem:s0+$0x14E8];
	_ =	sdelay $0x4  }
0x210: {  	[tilespmem:s4+$0x14E8] =	vst v0  }
0x211: {  	v0 =	vld [tilespmem:s0+$0x14F8];
	_ =	sdelay $0x4  }
0x212: {  	s2 =	sadd.s32 $0x1, s2;
	[tilespmem:s4+$0x14F8] =	vst v0  }
.LBB2_33:
0x213: {  	s3 =	sadd.s32 $0x1, s3  }
0x214: {  	p0 =	sne.s32 s3, $0x4  }
.Ltmp19:
0x215: {  	_ = 	snop;
	(pc) =	sbr.rel @!p0 .LBB2_34-.Ltmp19, $1  }
0x216: {  	_ =	sdelay $0x3  }
.LBB2_26:
0x217: {  	v0 =	vld.msk [tilespmem:s3+$0x1458], $0x1;
	_ =	sdelay $0x4  }
0x218: {  	(v2sf) =	vpush v0, $0x0;
	_ =	sdelay $0xe  }
0x219: {  	s0 =	spop (v2sf)  }
0x21a: {  	p0 =	seq.s32 s0, $0xFFFFFFFF  }
.Ltmp20:
0x21b: {  	_ = 	snop;
	(pc) =	sbr.rel @p0 .LBB2_33-.Ltmp20, $1  }
0x21c: {  	_ =	sdelay $0x3  }
0x21d: {  	p0 =	slt.s32 s2, $0x1  }
.Ltmp21:
0x21e: {  	_ = 	snop;
	(pc) =	sbr.rel @p0 .LBB2_32-.Ltmp21, $1  }
0x21f: {  	_ =	sdelay $0x3  }
0x220: {  	s4 =	simm.s32 $0x1458;
	p0 =	por $0x0, $0x0  }
0x221: {  	v1 =	vld.msk @!p0 [tilespmem:s4+$0x0], $0x1;
	_ =	sdelay $0x4  }
0x222: {  	(v2sf) =	vpush @!p0 v1, $0x0;
	_ =	sdelay $0xd  }
0x223: {  	p2 =	sne.s32 s2, $0x1  }
.Ltmp22:
0x224: {  	s5 =	spop @!p0 (v2sf);
	(pc) =	sbr.rel @!p2 .LBB2_30-.Ltmp22, $4  }
0x225: {  	p1 =	seq.s32 @!p0 s0, s5  }
0x226: {  	s5 =	simm.s32 $0x0;
	p1 =	por !p1, p0  }
0x227: {  	s7 =	simm.s32 $0xFFFFFFFF;
	s5 =	simm.s32 @p1 $0xFFFFFFFF  }
0x228: {  	s6 =	simm.s32 $0x1;
	s5 =	smov.u32 @p0 s7  }
.LBB2_29:
0x229: {  	s7 =	smov.u32 s5;
	p0 =	sne.s32 s5, $0xFFFFFFFF  }
0x22a: {  	s4 =	sadd.s32 $0x1, s4;
	s5 =	smov.u32 s6;
	s6 =	sadd.s32 $0x1, s6  }
0x22b: {  	p1 =	sne.s32 s2, s6;
	v1 =	vld.msk @!p0 [tilespmem:s4+$0x0], $0x1;
	_ =	sdelay $0x4  }
0x22c: {  	(v2sf) =	vpush @!p0 v1, $0x0;
	_ =	sdelay $0xe  }
.Ltmp23:
0x22d: {  	s8 =	spop @!p0 (v2sf);
	(pc) =	sbr.rel @p1 .LBB2_29-.Ltmp23, $4  }
0x22e: {  	p2 =	seq.s32 @!p0 s0, s8  }
0x22f: {  	p2 =	por !p2, p0  }
0x230: {  	s5 =	simm.s32 @p2 $0xFFFFFFFF  }
0x231: {  	s5 =	smov.u32 @p0 s7  }
.LBB2_30:
0x232: {  	p0 =	seq.s32 s5, $0xFFFFFFFF  }
.Ltmp24:
0x233: {  	_ = 	snop;
	(pc) =	sbr.rel @p0 .LBB2_32-.Ltmp24, $1  }
0x234: {  	_ =	sdelay $0x3  }
0x235: {  	s0 =	smul.u32 $0x240, s3;
	_ =	sdelay $0x1  }
0x236: {  	s0 =	sshra.s32 s0, $0x2  }
0x237: {  	v0 =	vld [tilespmem:s0+$0x1478];
	_ =	sdelay $0x1  }
0x238: {  	s4 =	smul.u32 $0x240, s5;
	_ =	sdelay $0x1  }
0x239: {  	s4 =	sshra.s32 s4, $0x2  }
0x23a: {  	[tilespmem:s4+$0x1478] =	vst.add.f32.msk $0xffff, v0  }
0x23b: {  	v0 =	vld [tilespmem:s0+$0x1488];
	_ =	sdelay $0x4  }
0x23c: {  	[tilespmem:s4+$0x1488] =	vst.add.f32.msk $0xffff, v0  }
0x23d: {  	v0 =	vld [tilespmem:s0+$0x1498];
	_ =	sdelay $0x4  }
0x23e: {  	[tilespmem:s4+$0x1498] =	vst.add.f32.msk $0xffff, v0  }
0x23f: {  	v0 =	vld [tilespmem:s0+$0x14A8];
	_ =	sdelay $0x4  }
0x240: {  	[tilespmem:s4+$0x14A8] =	vst.add.f32.msk $0xffff, v0  }
0x241: {  	v0 =	vld [tilespmem:s0+$0x14B8];
	_ =	sdelay $0x4  }
0x242: {  	[tilespmem:s4+$0x14B8] =	vst.add.f32.msk $0xffff, v0  }
0x243: {  	v0 =	vld [tilespmem:s0+$0x14C8];
	_ =	sdelay $0x4  }
0x244: {  	[tilespmem:s4+$0x14C8] =	vst.add.f32.msk $0xffff, v0  }
0x245: {  	v0 =	vld [tilespmem:s0+$0x14D8];
	_ =	sdelay $0x4  }
0x246: {  	[tilespmem:s4+$0x14D8] =	vst.add.f32.msk $0xffff, v0  }
0x247: {  	v0 =	vld [tilespmem:s0+$0x14E8];
	_ =	sdelay $0x4  }
0x248: {  	[tilespmem:s4+$0x14E8] =	vst.add.f32.msk $0xffff, v0  }
0x249: {  	v0 =	vld [tilespmem:s0+$0x14F8]  }
.Ltmp25:
0x24a: {  	_ = 	snop;
	(pc) =	sbr.rel .LBB2_33-.Ltmp25, $2  }
0x24b: {  	_ =	sdelay $0x2  }
0x24c: {  	[tilespmem:s4+$0x14F8] =	vst.add.f32.msk $0xffff, v0  }
.LBB2_34:
0x24d: {  	p0 =	slt.s32 s2, $0x1  }
.Ltmp26:
0x24e: {  	_ = 	snop;
	(pc) =	sbr.rel @p0 .LBB2_38-.Ltmp26, $3  }
0x24f: {  	_ =	sdelay $0x1  }
0x250: {  	s0 =	simm.s32 $0x6  }
0x251: {  	s4 =	simm.s32 $0x0;
	[sflag:s0] =	ssyncpa.u1 $0x1  }
0x252: {  	s0 =	simm.s32 $0x1458  }
0x253: {  	v0 =	vld.msk [tilespmem:s0+$0x0], $0x1;
	_ =	sdelay $0x4  }
0x254: {  	(v2sf) =	vpush v0, $0x0;
	_ =	sdelay $0xe  }
0x255: {  	s0 =	sadd.s32 $0xFFFFFFFF, s2;
	s3 =	spop (v2sf)  }
0x256: {  	s6 =	simm.s32 $0x1478;
	p0 =	sne.s32 s0, $0x0;
	p1 =	sgt.u32 s3, $0x4E17E  }
.Ltmp27:
0x257: {  	s2 =	simm.s32 $0x1508;
	s5 =	sand.u32 @!p1 $0x7FFF8, s3;
	(pc) =	sbr.rel @!p0 .LBB2_37-.Ltmp27, $4  }
0x258: {  	s7 =	sadd.s32 @!p1 $0x80, s3;
	s4 =	simm.s32 @!p1 $0x240;
	s8 =	sadd.s32 @!p1 s1, s5  }
0x259: {  	s5 =	sand.u32 @!p1 $0x7, s3;
	s3 =	simm.s32 $0x1459;
	s7 =	sand.u32 @!p1 $0xFFFF8, s7  }
0x25a: {  	[hbm4b:s8+s5] =	stream.linear.scatter @!p1 [tilespmem:s6], [sflag:$0x5], $0x80, $0x38;
	[tilespmem:$0x46C8] =	vst v63  }
0x25b: {  	s4 =	sadd.s32 $0x0, s4;
	s6 =	simm.s32 @!p1 $0x14F8;
	s7 =	sadd.s32 @!p1 s1, s7  }
.LBB2_36:
0x25c: {  	[hbm4b:s7+s5] =	stream.linear.scatter @!p1 [tilespmem:s6], [sflag:$0x5], $0x10, $0x38;
	[tilespmem:$0x46C8] =	vst v63  }
0x25d: {  	s0 =	sadd.s32 $0xFFFFFFFF, s0;
	s6 =	smov.u32 s2;
	v0 =	vld.msk [tilespmem:s3+$0x0], $0x1  }
0x25e: {  	p0 =	sne.s32 s0, $0x0;
	_ =	sdelay $0x3  }
0x25f: {  	(v2sf) =	vpush v0, $0x0;
	_ =	sdelay $0xe  }
0x260: {  	s2 =	sadd.s32 $0x90, s2;
	s8 =	simm.s32 $0x0;
	s5 =	spop (v2sf)  }
.Ltmp28:
0x261: {  	s3 =	sadd.s32 $0x1, s3;
	p1 =	sgt.u32 s5, $0x4E17E;
	(pc) =	sbr.rel @p0 .LBB2_36-.Ltmp28, $4  }
0x262: {  	s8 =	simm.s32 @!p1 $0x240;
	s7 =	sand.u32 @!p1 $0x7FFF8, s5;
	s9 =	sadd.s32 @!p1 $0x80, s5  }
0x263: {  	s5 =	sand.u32 @!p1 $0x7, s5;
	s7 =	sadd.s32 @!p1 s1, s7;
	s9 =	sand.u32 @!p1 $0xFFFF8, s9  }
0x264: {  	[hbm4b:s7+s5] =	stream.linear.scatter @!p1 [tilespmem:s6], [sflag:$0x5], $0x80, $0x38;
	[tilespmem:$0x46C8] =	vst v63  }
0x265: {  	s4 =	sadd.s32 s4, s8;
	s6 =	sadd.s32 @!p1 $0x80, s6;
	s7 =	sadd.s32 @!p1 s1, s9  }
.LBB2_37:
0x266: {  	[hbm4b:s7+s5] =	stream.linear.scatter @!p1 [tilespmem:s6], [sflag:$0x5], $0x10, $0x38;
	[tilespmem:$0x46C8] =	vst v63  }
0x267: {  	s4 =	sshrl.u32 s4, $0x2  }
.LBB2_38:
0x268: {  	s0 =	simm.s32 $0x5  }
0x269: {  	_ =	swait.ge [sflag:s0], s4  }
0x26a: {  	s1 =	ssub.s32 $0x0, s4;
	[sflag:s0] =	ssyncset.done $0x0  }
0x26b: {  	[sflag:s0] =	ssyncadd.s32 s1  }
0x26c: {  	[sflag:s0] =	ssyncpa.u1 $0x1  }
0x26d: {  	s30 =	simm.s32 $0x1;
	_ =	sfence  }
0x26e: {  	[sflag:s30] =	ssyncpa.u1 $0x1  }
0x26f: {  	_ =	strace $0x9000004D  }
0x270: {  	[bflag:$0x2] =	sbarrier.arrive $0xFFFF  }
0x271: {  	s31 =	rddreg [dreg:$0x2]  }
0x272: {  	s0 =	sadd.s32 $0x100000, s31  }
0x273: {  	[sflag:s0] =	ssyncadd.tile.s32 $0x1;
	_ =	shalt  }
.Lfunc_end2:
_tile_overlayer_lowered:
.L_overlay_start_2:
0x274: {  	(tag) =	ssettag $0x2  }
0x275: {  	s0 =	rddreg [dreg:$0x0];
	s2 =	stileid.u32  }
0x276: {  	s1 =	rddreg [dreg:$0x1];
	p0 =	sne.s32 s2, $0x0  }
0x277: {  	s3 =	rddreg [dreg:$0x2];
	[bflag:$0x3] =	sbarrier.arrive $0xFFFF;
	s2 =	simm.s32 @!p0 $0x1C01  }
0x278: {  	[timem:s3], [sflag:s2] =	dma.local @!p0 [hbm:s0], s1  }
0x279: {  	s0 =	simm.s32 @!p0 $0x1  }
0x27a: {  	_ =	swait.ge @!p0 [sflag:s0], s1  }
0x27b: {  	s1 =	ssub.s32 @!p0 $0x0, s1;
	[sflag:s0] =	ssyncset.done @!p0 $0x0  }
0x27c: {  	[sflag:s0] =	ssyncadd.s32 @!p0 s1  }
0x27d: {  	[bflag:$0x3] =	sbarrier.arrive $0xFFFF  }
0x27e: {  	_ =	shalt  }

</sc_bundles>
